<compile_context>
chip_gen: v7x
topology: tpu7x:2x2x1
jax: 0.10.2.dev20260603
libtpu: 0.0.44.dev20260713+nightly
codegen_flags: <defaults>
</compile_context>

<pallas_src>
import jax
import jax.numpy as jnp
from jax import lax
from jax.experimental import pallas as pl
from jax.experimental.pallas import tpu as pltpu
from jax.experimental.pallas import tpu_sc as plsc

NC, NS = 2, 16
NW = NC * NS
CHUNK = 128
D = 64


def _body(table_hbm, idx_hbm, out_hbm,
          idx_v, p0, p1, r0, r1, c0, c1, g0, g1, s0, s1):
    pidx = (p0, p1)
    rows = (r0, r1)
    cmp = (c0, c1)
    gsems = (g0, g1)
    ssems = (s0, s1)

    wid = lax.axis_index("s") * NC + lax.axis_index("c")
    nch = idx_hbm.shape[1]
    base = wid * (nch * CHUNK)

    pltpu.sync_copy(idx_hbm.at[wid], idx_v)

    def fire_gather(j, p):
        @pl.loop(0, CHUNK // 16)
        def _(g):
            v = idx_v[j, pl.ds(g * 16, 16)]
            pidx[p][pl.ds(g * 16, 16)] = v >> 1
        pltpu.async_copy(table_hbm.at[pidx[p]], rows[p], gsems[p])

    def drain_gather(p):
        pltpu.make_async_copy(table_hbm.at[pl.ds(0, CHUNK)], rows[p],
                              gsems[p]).wait()

    def select(j, p):
        @pl.loop(0, CHUNK // 16)
        def _(g):
            v16 = idx_v[j, pl.ds(g * 16, 16)]
            par16 = (v16 & 1) * 64
            for l in range(16):
                i = g * 16 + l
                col0 = par16[l]
                for k in range(4):
                    cmp[p][i, pl.ds(k * 16, 16)] = \
                        rows[p][i, pl.ds(col0 + k * 16, 16)]

    def fire_store(j, p):
        pltpu.async_copy(cmp[p], out_hbm.at[pl.ds(base + j * CHUNK, CHUNK)],
                         ssems[p])

    def drain_store(p):
        pltpu.make_async_copy(cmp[p], out_hbm.at[pl.ds(base, CHUNK)],
                              ssems[p]).wait()

    fire_gather(0, 0)

    @pl.loop(0, nch, step=2)
    def _(jj):
        for p in range(2):
            j = jj + p

            @pl.when(j + 1 < nch)
            def _():
                fire_gather(j + 1, 1 - p)

            drain_gather(p)

            @pl.when(j >= 2)
            def _():
                drain_store(p)

            select(j, p)
            fire_store(j, p)

    drain_store(0)
    drain_store(1)


def kernel(token_ids, table):
    bt, s = token_ids.shape
    b = bt * s
    nch = b // (NW * CHUNK)
    idx = token_ids.reshape(NW, nch, CHUNK).astype(jnp.int32)
    table_pairs = table.reshape(table.shape[0] // 2, 2 * D)

    mesh = plsc.VectorSubcoreMesh(core_axis_name="c", subcore_axis_name="s")
    run = pl.kernel(
        _body,
        out_type=jax.ShapeDtypeStruct((b, D), table.dtype),
        mesh=mesh,
        scratch_types=(
            [pltpu.VMEM((nch, CHUNK), jnp.int32)]
            + [pltpu.VMEM((CHUNK,), jnp.int32) for _ in range(2)]
            + [pltpu.VMEM((CHUNK, 2 * D), jnp.float32) for _ in range(2)]
            + [pltpu.VMEM((CHUNK, D), jnp.float32) for _ in range(2)]
            + [pltpu.SemaphoreType.DMA for _ in range(4)]
        ),
        compiler_params=pltpu.CompilerParams(use_tc_tiling_on_sc=True),
    )
    out = run(table_pairs, idx)
    return out.reshape(bt, s, D)

# --- scband reference (transcript-rebuilt; emitter-appended) ---
"""Pipeline reference for scband-vocab-embedding-module-31705448579687 (READ-ONLY COPY).

The authoritative reference and input builder live on the scoring server;
editing this copy changes nothing except your own understanding.
"""

import jax, jax.numpy as jnp
import numpy as np

VOCAB = 1000000
D_MODEL = 64

def setup_inputs(seed: int = 0) -> dict:
    key = jax.random.key(seed)
    k1, k2 = jax.random.split(key)
    token_ids = jax.random.randint(k1, (4096, 200), 0, VOCAB, dtype=jnp.int64 if jax.config.jax_enable_x64 else jnp.int32)
    table = jax.random.normal(k2, (VOCAB, D_MODEL), dtype=jnp.float32)
    return {"token_ids": token_ids, "table": table}

def reference(token_ids, table):
    # nn.Embedding forward: gather rows of the embedding table
    return jnp.take(table, token_ids, axis=0)

if __name__ == "__main__":
    import jax
    _d = setup_inputs()
    print(jax.jit(kernel)(*tuple(_d.values())))

</pallas_src>

<mosaic_0001>
#map = affine_map<(d0, d1) -> (0, 0)>
#map1 = affine_map<(d0, d1) -> (0, 0, 0)>
module attributes {stable_mosaic.version = 14 : i64} {
  func.func @_body(%arg0: i32, %arg1: i32, %arg2: memref<500000x128xf32, #tpu.memory_space<hbm>>, %arg3: memref<32x200x128xi32, #tpu.memory_space<hbm>>, %arg4: memref<819200x64xf32, #tpu.memory_space<hbm>>, %arg5: memref<200x128xi32, #tpu.memory_space<vmem>>, %arg6: memref<128xi32, #tpu.memory_space<vmem>>, %arg7: memref<128xi32, #tpu.memory_space<vmem>>, %arg8: memref<128x128xf32, #tpu.memory_space<vmem>>, %arg9: memref<128x128xf32, #tpu.memory_space<vmem>>, %arg10: memref<128x64xf32, #tpu.memory_space<vmem>>, %arg11: memref<128x64xf32, #tpu.memory_space<vmem>>, %arg12: memref<!tpu.dma_semaphore, #tpu.memory_space<semaphore_mem>>, %arg13: memref<!tpu.dma_semaphore, #tpu.memory_space<semaphore_mem>>, %arg14: memref<!tpu.dma_semaphore, #tpu.memory_space<semaphore_mem>>, %arg15: memref<!tpu.dma_semaphore, #tpu.memory_space<semaphore_mem>>) attributes {dimension_semantics = [#tpu.dimension_semantics<core_parallel>, #tpu.dimension_semantics<subcore_parallel>], iteration_bounds = array<i64: 2, 16>, scalar_prefetch = 0 : i64, scratch_operands = 11 : i64, tpu.core_type = #tpu.core_type<sc_vector_subcore>, window_params = [{transform_indices = #map}, {transform_indices = #map1}, {transform_indices = #map}]} {
    %mul3A = arith.constant 2 : i32
    %mul3A_0 = arith.muli %arg1, %mul3A : i32
    %add3A = arith.addi %mul3A_0, %arg0 : i32
    %mul3A_1 = arith.constant 25600 : i32
    %mul3A_2 = arith.muli %add3A, %mul3A_1 : i32
    "tpu.region"() ({
      %run_scoped3A = tpu.sem_alloc : memref<!tpu.dma_semaphore, #tpu.memory_space<semaphore_mem>>
      %dma_start3A_21 = arith.constant 0 : i32
      %dma_start3A_22 = arith.constant 0 : i32
      %dma_start3A_23 = tpu.memref_slice %arg3[%add3A, %dma_start3A_21, %dma_start3A_22] : memref<32x200x128xi32, #tpu.memory_space<hbm>> -> memref<1x200x128xi32, #tpu.memory_space<hbm>>
      %dma_start3A_24 = tpu.memref_squeeze %dma_start3A_23 : memref<1x200x128xi32, #tpu.memory_space<hbm>> -> memref<200x128xi32, #tpu.memory_space<hbm>>
      %dma_start3A_25 = arith.constant 0 : i32
      %dma_start3A_26 = arith.constant 0 : i32
      %dma_start3A_27 = tpu.memref_slice %arg3[%add3A, %dma_start3A_25, %dma_start3A_26] : memref<32x200x128xi32, #tpu.memory_space<hbm>> -> memref<1x200x128xi32, #tpu.memory_space<hbm>>
      %dma_start3A_28 = tpu.memref_squeeze %dma_start3A_27 : memref<1x200x128xi32, #tpu.memory_space<hbm>> -> memref<200x128xi32, #tpu.memory_space<hbm>>
      tpu.enqueue_dma source(%dma_start3A_28 : memref<200x128xi32, #tpu.memory_space<hbm>>) target(%arg5 : memref<200x128xi32, #tpu.memory_space<vmem>>) target_semaphore(%run_scoped3A : memref<!tpu.dma_semaphore, #tpu.memory_space<semaphore_mem>>)
      %dma_wait3A_29 = arith.constant 0 : i32
      %dma_wait3A_30 = arith.constant 0 : i32
      %dma_wait3A_31 = tpu.memref_slice %arg3[%add3A, %dma_wait3A_29, %dma_wait3A_30] : memref<32x200x128xi32, #tpu.memory_space<hbm>> -> memref<1x200x128xi32, #tpu.memory_space<hbm>>
      %dma_wait3A_32 = tpu.memref_squeeze %dma_wait3A_31 : memref<1x200x128xi32, #tpu.memory_space<hbm>> -> memref<200x128xi32, #tpu.memory_space<hbm>>
      %dma_wait3A_33 = arith.constant 0 : i32
      %dma_wait3A_34 = arith.constant 0 : i32
      %dma_wait3A_35 = tpu.memref_slice %arg3[%add3A, %dma_wait3A_33, %dma_wait3A_34] : memref<32x200x128xi32, #tpu.memory_space<hbm>> -> memref<1x200x128xi32, #tpu.memory_space<hbm>>
      %dma_wait3A_36 = tpu.memref_squeeze %dma_wait3A_35 : memref<1x200x128xi32, #tpu.memory_space<hbm>> -> memref<200x128xi32, #tpu.memory_space<hbm>>
      tpu.wait_dma2 semaphore(%run_scoped3A : memref<!tpu.dma_semaphore, #tpu.memory_space<semaphore_mem>>) src(%dma_wait3A_36 : memref<200x128xi32, #tpu.memory_space<hbm>>) dst(%arg5 : memref<200x128xi32, #tpu.memory_space<vmem>>)
      tpu.yield
    }) : () -> ()
    %scan3A = arith.constant 0 : i32
    %scan3A_3 = arith.constant 8 : i32
    %scan3A_4 = arith.addi %scan3A, %scan3A_3 : i32
    %scan3A_5 = arith.constant 1 : i32
    scf.for %scan3A_21 = %scan3A to %scan3A_4 step %scan3A_5  : i32 {
      %mul3A_22 = arith.constant 1 : i32
      %mul3A_23 = arith.muli %scan3A_21, %mul3A_22 : i32
      %add3A_24 = arith.constant 0 : i32
      %add3A_25 = arith.addi %add3A_24, %mul3A_23 : i32
      %mul3A_26 = arith.constant 16 : i32
      %mul3A_27 = arith.muli %add3A_25, %mul3A_26 : i32
      %get3A = arith.constant 0 : i32
      %get3A_28 = arith.index_cast %get3A : i32 to index
      %get3A_29 = arith.index_cast %mul3A_27 : i32 to index
      %get3A_30 = tpu.vector_load %arg5[%get3A_28, %get3A_29] {strides = array<i32>} : memref<200x128xi32, #tpu.memory_space<vmem>>, vector<1x16xi32>,
      %get3A_31 = vector.shape_cast %get3A_30 : vector<1x16xi32> to vector<16xi32>
      %shift_right_arithmetic3A = arith.constant 1 : i32
      %shift_right_arithmetic3A_32 = vector.broadcast %shift_right_arithmetic3A : i32 to vector<16xi32>
      %shift_right_arithmetic3A_33 = arith.shrsi %get3A_31, %shift_right_arithmetic3A_32 : vector<16xi32>
      %mul3A_34 = arith.constant 16 : i32
      %mul3A_35 = arith.muli %add3A_25, %mul3A_34 : i32
      %swap3A = arith.index_cast %mul3A_35 : i32 to index
      %swap3A_36 = tpu.vector_load %arg6[%swap3A] {strides = array<i32>} : memref<128xi32, #tpu.memory_space<vmem>>, vector<16xi32>,
      %swap3A_37 = vector.shape_cast %swap3A_36 : vector<16xi32> to vector<16xi32>
      %swap3A_38 = vector.shape_cast %shift_right_arithmetic3A_33 : vector<16xi32> to vector<16xi32>
      tpu.vector_store %arg6[%swap3A], %swap3A_38 {strides = array<i32>} : memref<128xi32, #tpu.memory_space<vmem>>, vector<16xi32>,
    }
    %scan3A_6 = arith.constant 8 : i32
    %dma_start3A = arith.constant 0 : i32
    %dma_start3A_7 = arith.constant 0 : i32
    %dma_start3A_8 = tpu.memref_slice %arg2[%dma_start3A, %dma_start3A_7] : memref<500000x128xf32, #tpu.memory_space<hbm>> -> memref<500000x128xf32, #tpu.memory_space<hbm>>
    tpu.enqueue_indirect_dma source(%dma_start3A_8 : memref<500000x128xf32, #tpu.memory_space<hbm>>) target(%arg8 : memref<128x128xf32, #tpu.memory_space<vmem>>) offsets(%arg6 : memref<128xi32, #tpu.memory_space<vmem>>) semaphore(%arg12 : memref<!tpu.dma_semaphore, #tpu.memory_space<semaphore_mem>>)
    %scan3A_9 = arith.constant 0 : i32
    %scan3A_10 = arith.constant 100 : i32
    %scan3A_11 = arith.addi %scan3A_9, %scan3A_10 : i32
    %scan3A_12 = arith.constant 1 : i32
    scf.for %scan3A_21 = %scan3A_9 to %scan3A_11 step %scan3A_12  : i32 {
      %mul3A_22 = arith.constant 2 : i32
      %mul3A_23 = arith.muli %scan3A_21, %mul3A_22 : i32
      %add3A_24 = arith.constant 0 : i32
      %add3A_25 = arith.addi %add3A_24, %mul3A_23 : i32
      %add3A_26 = arith.constant 0 : i32
      %add3A_27 = arith.addi %add3A_25, %add3A_26 : i32
      %add3A_28 = arith.constant 1 : i32
      %add3A_29 = arith.addi %add3A_27, %add3A_28 : i32
      %lt3A = arith.constant 200 : i32
      %lt3A_30 = arith.cmpi slt, %add3A_29, %lt3A : i32
      %convert_element_type3A = arith.extui %lt3A_30 : i1 to i32
      %cond3A = arith.constant 0 : i32
      %cond3A_31 = arith.cmpi ne, %convert_element_type3A, %cond3A : i32
      scf.if %cond3A_31 {
        %add3A_86 = arith.constant 1 : i32
        %add3A_87 = arith.addi %add3A_27, %add3A_86 : i32
        %scan3A_88 = arith.constant 0 : i32
        %scan3A_89 = arith.constant 8 : i32
        %scan3A_90 = arith.addi %scan3A_88, %scan3A_89 : i32
        %scan3A_91 = arith.constant 1 : i32
        scf.for %scan3A_96 = %scan3A_88 to %scan3A_90 step %scan3A_91  : i32 {
          %mul3A_97 = arith.constant 1 : i32
          %mul3A_98 = arith.muli %scan3A_96, %mul3A_97 : i32
          %add3A_99 = arith.constant 0 : i32
          %add3A_100 = arith.addi %add3A_99, %mul3A_98 : i32
          %mul3A_101 = arith.constant 16 : i32
          %mul3A_102 = arith.muli %add3A_100, %mul3A_101 : i32
          %get3A = arith.index_cast %add3A_87 : i32 to index
          %get3A_103 = arith.index_cast %mul3A_102 : i32 to index
          %get3A_104 = tpu.vector_load %arg5[%get3A, %get3A_103] {strides = array<i32>} : memref<200x128xi32, #tpu.memory_space<vmem>>, vector<1x16xi32>,
          %get3A_105 = vector.shape_cast %get3A_104 : vector<1x16xi32> to vector<16xi32>
          %shift_right_arithmetic3A = arith.constant 1 : i32
          %shift_right_arithmetic3A_106 = vector.broadcast %shift_right_arithmetic3A : i32 to vector<16xi32>
          %shift_right_arithmetic3A_107 = arith.shrsi %get3A_105, %shift_right_arithmetic3A_106 : vector<16xi32>
          %mul3A_108 = arith.constant 16 : i32
          %mul3A_109 = arith.muli %add3A_100, %mul3A_108 : i32
          %swap3A = arith.index_cast %mul3A_109 : i32 to index
          %swap3A_110 = tpu.vector_load %arg7[%swap3A] {strides = array<i32>} : memref<128xi32, #tpu.memory_space<vmem>>, vector<16xi32>,
          %swap3A_111 = vector.shape_cast %swap3A_110 : vector<16xi32> to vector<16xi32>
          %swap3A_112 = vector.shape_cast %shift_right_arithmetic3A_107 : vector<16xi32> to vector<16xi32>
          tpu.vector_store %arg7[%swap3A], %swap3A_112 {strides = array<i32>} : memref<128xi32, #tpu.memory_space<vmem>>, vector<16xi32>,
        }
        %scan3A_92 = arith.constant 8 : i32
        %dma_start3A_93 = arith.constant 0 : i32
        %dma_start3A_94 = arith.constant 0 : i32
        %dma_start3A_95 = tpu.memref_slice %arg2[%dma_start3A_93, %dma_start3A_94] : memref<500000x128xf32, #tpu.memory_space<hbm>> -> memref<500000x128xf32, #tpu.memory_space<hbm>>
        tpu.enqueue_indirect_dma source(%dma_start3A_95 : memref<500000x128xf32, #tpu.memory_space<hbm>>) target(%arg9 : memref<128x128xf32, #tpu.memory_space<vmem>>) offsets(%arg7 : memref<128xi32, #tpu.memory_space<vmem>>) semaphore(%arg13 : memref<!tpu.dma_semaphore, #tpu.memory_space<semaphore_mem>>)
      } else {
      }
      %dma_wait3A_32 = arith.constant 0 : i32
      %dma_wait3A_33 = arith.constant 0 : i32
      %dma_wait3A_34 = tpu.memref_slice %arg2[%dma_wait3A_32, %dma_wait3A_33] : memref<500000x128xf32, #tpu.memory_space<hbm>> -> memref<128x128xf32, #tpu.memory_space<hbm>>
      %dma_wait3A_35 = arith.constant 0 : i32
      %dma_wait3A_36 = arith.constant 0 : i32
      %dma_wait3A_37 = tpu.memref_slice %arg2[%dma_wait3A_35, %dma_wait3A_36] : memref<500000x128xf32, #tpu.memory_space<hbm>> -> memref<128x128xf32, #tpu.memory_space<hbm>>
      tpu.wait_dma2 semaphore(%arg12 : memref<!tpu.dma_semaphore, #tpu.memory_space<semaphore_mem>>) src(%dma_wait3A_37 : memref<128x128xf32, #tpu.memory_space<hbm>>) dst(%arg8 : memref<128x128xf32, #tpu.memory_space<vmem>>)
      %ge3A = arith.constant 2 : i32
      %ge3A_38 = arith.cmpi sge, %add3A_27, %ge3A : i32
      %convert_element_type3A_39 = arith.extui %ge3A_38 : i1 to i32
      %cond3A_40 = arith.constant 0 : i32
      %cond3A_41 = arith.cmpi ne, %convert_element_type3A_39, %cond3A_40 : i32
      scf.if %cond3A_41 {
        %dma_wait3A_86 = arith.constant 0 : i32
        %dma_wait3A_87 = tpu.memref_slice %arg4[%mul3A_2, %dma_wait3A_86] : memref<819200x64xf32, #tpu.memory_space<hbm>> -> memref<128x64xf32, #tpu.memory_space<hbm>>
        %dma_wait3A_88 = arith.constant 0 : i32
        %dma_wait3A_89 = tpu.memref_slice %arg4[%mul3A_2, %dma_wait3A_88] : memref<819200x64xf32, #tpu.memory_space<hbm>> -> memref<128x64xf32, #tpu.memory_space<hbm>>
        tpu.wait_dma2 semaphore(%arg14 : memref<!tpu.dma_semaphore, #tpu.memory_space<semaphore_mem>>) src(%arg10 : memref<128x64xf32, #tpu.memory_space<vmem>>) dst(%dma_wait3A_89 : memref<128x64xf32, #tpu.memory_space<hbm>>)
      } else {
      }
      %scan3A_42 = arith.constant 0 : i32
      %scan3A_43 = arith.constant 8 : i32
      %scan3A_44 = arith.addi %scan3A_42, %scan3A_43 : i32
      %scan3A_45 = arith.constant 1 : i32
      scf.for %scan3A_86 = %scan3A_42 to %scan3A_44 step %scan3A_45  : i32 {
        %mul3A_87 = arith.constant 1 : i32
        %mul3A_88 = arith.muli %scan3A_86, %mul3A_87 : i32
        %add3A_89 = arith.constant 0 : i32
        %add3A_90 = arith.addi %add3A_89, %mul3A_88 : i32
        %mul3A_91 = arith.constant 16 : i32
        %mul3A_92 = arith.muli %add3A_90, %mul3A_91 : i32
        %get3A = arith.index_cast %add3A_27 : i32 to index
        %get3A_93 = arith.index_cast %mul3A_92 : i32 to index
        %get3A_94 = tpu.vector_load %arg5[%get3A, %get3A_93] {strides = array<i32>} : memref<200x128xi32, #tpu.memory_space<vmem>>, vector<1x16xi32>,
        %get3A_95 = vector.shape_cast %get3A_94 : vector<1x16xi32> to vector<16xi32>
        %and3A = arith.constant 1 : i32
        %and3A_96 = vector.broadcast %and3A : i32 to vector<16xi32>
        %and3A_97 = arith.andi %get3A_95, %and3A_96 : vector<16xi32>
        %mul3A_98 = arith.constant 64 : i32
        %mul3A_99 = vector.broadcast %mul3A_98 : i32 to vector<16xi32>
        %mul3A_100 = arith.muli %and3A_97, %mul3A_99 : vector<16xi32>
        %mul3A_101 = arith.constant 16 : i32
        %mul3A_102 = arith.muli %add3A_90, %mul3A_101 : i32
        %add3A_103 = arith.constant 0 : i32
        %add3A_104 = arith.addi %mul3A_102, %add3A_103 : i32
        %slice3A = vector.extract_strided_slice %mul3A_100 {offsets = [0], sizes = [1], strides = [1]} : vector<16xi32> to vector<1xi32>
        %squeeze3A = vector.extract %slice3A[0] : i32 from vector<1xi32>
        %add3A_105 = arith.constant 0 : i32
        %add3A_106 = arith.addi %squeeze3A, %add3A_105 : i32
        %get3A_107 = arith.index_cast %add3A_104 : i32 to index
        %get3A_108 = arith.index_cast %add3A_106 : i32 to index
        %get3A_109 = tpu.vector_load %arg8[%get3A_107, %get3A_108] {strides = array<i32>} : memref<128x128xf32, #tpu.memory_space<vmem>>, vector<1x16xf32>,
        %get3A_110 = vector.shape_cast %get3A_109 : vector<1x16xf32> to vector<16xf32>
        %swap3A = arith.index_cast %add3A_104 : i32 to index
        %swap3A_111 = arith.constant 0 : index
        %swap3A_112 = tpu.vector_load %arg10[%swap3A, %swap3A_111] {strides = array<i32>} : memref<128x64xf32, #tpu.memory_space<vmem>>, vector<1x16xf32>,
        %swap3A_113 = vector.shape_cast %swap3A_112 : vector<1x16xf32> to vector<16xf32>
        %swap3A_114 = vector.shape_cast %get3A_110 : vector<16xf32> to vector<1x16xf32>
        tpu.vector_store %arg10[%swap3A, %swap3A_111], %swap3A_114 {strides = array<i32>} : memref<128x64xf32, #tpu.memory_space<vmem>>, vector<1x16xf32>,
        %add3A_115 = arith.constant 16 : i32
        %add3A_116 = arith.addi %squeeze3A, %add3A_115 : i32
        %get3A_117 = arith.index_cast %add3A_104 : i32 to index
        %get3A_118 = arith.index_cast %add3A_116 : i32 to index
        %get3A_119 = tpu.vector_load %arg8[%get3A_117, %get3A_118] {strides = array<i32>} : memref<128x128xf32, #tpu.memory_space<vmem>>, vector<1x16xf32>,
        %get3A_120 = vector.shape_cast %get3A_119 : vector<1x16xf32> to vector<16xf32>
        %swap3A_121 = arith.index_cast %add3A_104 : i32 to index
        %swap3A_122 = arith.constant 16 : index
        %swap3A_123 = tpu.vector_load %arg10[%swap3A_121, %swap3A_122] {strides = array<i32>} : memref<128x64xf32, #tpu.memory_space<vmem>>, vector<1x16xf32>,
        %swap3A_124 = vector.shape_cast %swap3A_123 : vector<1x16xf32> to vector<16xf32>
        %swap3A_125 = vector.shape_cast %get3A_120 : vector<16xf32> to vector<1x16xf32>
        tpu.vector_store %arg10[%swap3A_121, %swap3A_122], %swap3A_125 {strides = array<i32>} : memref<128x64xf32, #tpu.memory_space<vmem>>, vector<1x16xf32>,
        %add3A_126 = arith.constant 32 : i32
        %add3A_127 = arith.addi %squeeze3A, %add3A_126 : i32
        %get3A_128 = arith.index_cast %add3A_104 : i32 to index
        %get3A_129 = arith.index_cast %add3A_127 : i32 to index
        %get3A_130 = tpu.vector_load %arg8[%get3A_128, %get3A_129] {strides = array<i32>} : memref<128x128xf32, #tpu.memory_space<vmem>>, vector<1x16xf32>,
        %get3A_131 = vector.shape_cast %get3A_130 : vector<1x16xf32> to vector<16xf32>
        %swap3A_132 = arith.index_cast %add3A_104 : i32 to index
        %swap3A_133 = arith.constant 32 : index
        %swap3A_134 = tpu.vector_load %arg10[%swap3A_132, %swap3A_133] {strides = array<i32>} : memref<128x64xf32, #tpu.memory_space<vmem>>, vector<1x16xf32>,
        %swap3A_135 = vector.shape_cast %swap3A_134 : vector<1x16xf32> to vector<16xf32>
        %swap3A_136 = vector.shape_cast %get3A_131 : vector<16xf32> to vector<1x16xf32>
        tpu.vector_store %arg10[%swap3A_132, %swap3A_133], %swap3A_136 {strides = array<i32>} : memref<128x64xf32, #tpu.memory_space<vmem>>, vector<1x16xf32>,
        %add3A_137 = arith.constant 48 : i32
        %add3A_138 = arith.addi %squeeze3A, %add3A_137 : i32
        %get3A_139 = arith.index_cast %add3A_104 : i32 to index
        %get3A_140 = arith.index_cast %add3A_138 : i32 to index
        %get3A_141 = tpu.vector_load %arg8[%get3A_139, %get3A_140] {strides = array<i32>} : memref<128x128xf32, #tpu.memory_space<vmem>>, vector<1x16xf32>,
        %get3A_142 = vector.shape_cast %get3A_141 : vector<1x16xf32> to vector<16xf32>
        %swap3A_143 = arith.index_cast %add3A_104 : i32 to index
        %swap3A_144 = arith.constant 48 : index
        %swap3A_145 = tpu.vector_load %arg10[%swap3A_143, %swap3A_144] {strides = array<i32>} : memref<128x64xf32, #tpu.memory_space<vmem>>, vector<1x16xf32>,
        %swap3A_146 = vector.shape_cast %swap3A_145 : vector<1x16xf32> to vector<16xf32>
        %swap3A_147 = vector.shape_cast %get3A_142 : vector<16xf32> to vector<1x16xf32>
        tpu.vector_store %arg10[%swap3A_143, %swap3A_144], %swap3A_147 {strides = array<i32>} : memref<128x64xf32, #tpu.memory_space<vmem>>, vector<1x16xf32>,
        %mul3A_148 = arith.constant 16 : i32
        %mul3A_149 = arith.muli %add3A_90, %mul3A_148 : i32
        %add3A_150 = arith.constant 1 : i32
        %add3A_151 = arith.addi %mul3A_149, %add3A_150 : i32
        %slice3A_152 = vector.extract_strided_slice %mul3A_100 {offsets = [1], sizes = [1], strides = [1]} : vector<16xi32> to vector<1xi32>
        %squeeze3A_153 = vector.extract %slice3A_152[0] : i32 from vector<1xi32>
        %add3A_154 = arith.constant 0 : i32
        %add3A_155 = arith.addi %squeeze3A_153, %add3A_154 : i32
        %get3A_156 = arith.index_cast %add3A_151 : i32 to index
        %get3A_157 = arith.index_cast %add3A_155 : i32 to index
        %get3A_158 = tpu.vector_load %arg8[%get3A_156, %get3A_157] {strides = array<i32>} : memref<128x128xf32, #tpu.memory_space<vmem>>, vector<1x16xf32>,
        %get3A_159 = vector.shape_cast %get3A_158 : vector<1x16xf32> to vector<16xf32>
        %swap3A_160 = arith.index_cast %add3A_151 : i32 to index
        %swap3A_161 = arith.constant 0 : index
        %swap3A_162 = tpu.vector_load %arg10[%swap3A_160, %swap3A_161] {strides = array<i32>} : memref<128x64xf32, #tpu.memory_space<vmem>>, vector<1x16xf32>,
        %swap3A_163 = vector.shape_cast %swap3A_162 : vector<1x16xf32> to vector<16xf32>
        %swap3A_164 = vector.shape_cast %get3A_159 : vector<16xf32> to vector<1x16xf32>
        tpu.vector_store %arg10[%swap3A_160, %swap3A_161], %swap3A_164 {strides = array<i32>} : memref<128x64xf32, #tpu.memory_space<vmem>>, vector<1x16xf32>,
        %add3A_165 = arith.constant 16 : i32
        %add3A_166 = arith.addi %squeeze3A_153, %add3A_165 : i32
        %get3A_167 = arith.index_cast %add3A_151 : i32 to index
        %get3A_168 = arith.index_cast %add3A_166 : i32 to index
        %get3A_169 = tpu.vector_load %arg8[%get3A_167, %get3A_168] {strides = array<i32>} : memref<128x128xf32, #tpu.memory_space<vmem>>, vector<1x16xf32>,
        %get3A_170 = vector.shape_cast %get3A_169 : vector<1x16xf32> to vector<16xf32>
        %swap3A_171 = arith.index_cast %add3A_151 : i32 to index
        %swap3A_172 = arith.constant 16 : index
        %swap3A_173 = tpu.vector_load %arg10[%swap3A_171, %swap3A_172] {strides = array<i32>} : memref<128x64xf32, #tpu.memory_space<vmem>>, vector<1x16xf32>,
        %swap3A_174 = vector.shape_cast %swap3A_173 : vector<1x16xf32> to vector<16xf32>
        %swap3A_175 = vector.shape_cast %get3A_170 : vector<16xf32> to vector<1x16xf32>
        tpu.vector_store %arg10[%swap3A_171, %swap3A_172], %swap3A_175 {strides = array<i32>} : memref<128x64xf32, #tpu.memory_space<vmem>>, vector<1x16xf32>,
        %add3A_176 = arith.constant 32 : i32
        %add3A_177 = arith.addi %squeeze3A_153, %add3A_176 : i32
        %get3A_178 = arith.index_cast %add3A_151 : i32 to index
        %get3A_179 = arith.index_cast %add3A_177 : i32 to index
        %get3A_180 = tpu.vector_load %arg8[%get3A_178, %get3A_179] {strides = array<i32>} : memref<128x128xf32, #tpu.memory_space<vmem>>, vector<1x16xf32>,
        %get3A_181 = vector.shape_cast %get3A_180 : vector<1x16xf32> to vector<16xf32>
        %swap3A_182 = arith.index_cast %add3A_151 : i32 to index
        %swap3A_183 = arith.constant 32 : index
        %swap3A_184 = tpu.vector_load %arg10[%swap3A_182, %swap3A_183] {strides = array<i32>} : memref<128x64xf32, #tpu.memory_space<vmem>>, vector<1x16xf32>,
        %swap3A_185 = vector.shape_cast %swap3A_184 : vector<1x16xf32> to vector<16xf32>
        %swap3A_186 = vector.shape_cast %get3A_181 : vector<16xf32> to vector<1x16xf32>
        tpu.vector_store %arg10[%swap3A_182, %swap3A_183], %swap3A_186 {strides = array<i32>} : memref<128x64xf32, #tpu.memory_space<vmem>>, vector<1x16xf32>,
        %add3A_187 = arith.constant 48 : i32
        %add3A_188 = arith.addi %squeeze3A_153, %add3A_187 : i32
        %get3A_189 = arith.index_cast %add3A_151 : i32 to index
        %get3A_190 = arith.index_cast %add3A_188 : i32 to index
        %get3A_191 = tpu.vector_load %arg8[%get3A_189, %get3A_190] {strides = array<i32>} : memref<128x128xf32, #tpu.memory_space<vmem>>, vector<1x16xf32>,
        %get3A_192 = vector.shape_cast %get3A_191 : vector<1x16xf32> to vector<16xf32>
        %swap3A_193 = arith.index_cast %add3A_151 : i32 to index
        %swap3A_194 = arith.constant 48 : index
        %swap3A_195 = tpu.vector_load %arg10[%swap3A_193, %swap3A_194] {strides = array<i32>} : memref<128x64xf32, #tpu.memory_space<vmem>>, vector<1x16xf32>,
        %swap3A_196 = vector.shape_cast %swap3A_195 : vector<1x16xf32> to vector<16xf32>
        %swap3A_197 = vector.shape_cast %get3A_192 : vector<16xf32> to vector<1x16xf32>
        tpu.vector_store %arg10[%swap3A_193, %swap3A_194], %swap3A_197 {strides = array<i32>} : memref<128x64xf32, #tpu.memory_space<vmem>>, vector<1x16xf32>,
        %mul3A_198 = arith.constant 16 : i32
        %mul3A_199 = arith.muli %add3A_90, %mul3A_198 : i32
        %add3A_200 = arith.constant 2 : i32
        %add3A_201 = arith.addi %mul3A_199, %add3A_200 : i32
        %slice3A_202 = vector.extract_strided_slice %mul3A_100 {offsets = [2], sizes = [1], strides = [1]} : vector<16xi32> to vector<1xi32>
        %squeeze3A_203 = vector.extract %slice3A_202[0] : i32 from vector<1xi32>
        %add3A_204 = arith.constant 0 : i32
        %add3A_205 = arith.addi %squeeze3A_203, %add3A_204 : i32
        %get3A_206 = arith.index_cast %add3A_201 : i32 to index
        %get3A_207 = arith.index_cast %add3A_205 : i32 to index
        %get3A_208 = tpu.vector_load %arg8[%get3A_206, %get3A_207] {strides = array<i32>} : memref<128x128xf32, #tpu.memory_space<vmem>>, vector<1x16xf32>,
        %get3A_209 = vector.shape_cast %get3A_208 : vector<1x16xf32> to vector<16xf32>
        %swap3A_210 = arith.index_cast %add3A_201 : i32 to index
        %swap3A_211 = arith.constant 0 : index
        %swap3A_212 = tpu.vector_load %arg10[%swap3A_210, %swap3A_211] {strides = array<i32>} : memref<128x64xf32, #tpu.memory_space<vmem>>, vector<1x16xf32>,
        %swap3A_213 = vector.shape_cast %swap3A_212 : vector<1x16xf32> to vector<16xf32>
        %swap3A_214 = vector.shape_cast %get3A_209 : vector<16xf32> to vector<1x16xf32>
        tpu.vector_store %arg10[%swap3A_210, %swap3A_211], %swap3A_214 {strides = array<i32>} : memref<128x64xf32, #tpu.memory_space<vmem>>, vector<1x16xf32>,
        %add3A_215 = arith.constant 16 : i32
        %add3A_216 = arith.addi %squeeze3A_203, %add3A_215 : i32
        %get3A_217 = arith.index_cast %add3A_201 : i32 to index
        %get3A_218 = arith.index_cast %add3A_216 : i32 to index
        %get3A_219 = tpu.vector_load %arg8[%get3A_217, %get3A_218] {strides = array<i32>} : memref<128x128xf32, #tpu.memory_space<vmem>>, vector<1x16xf32>,
        %get3A_220 = vector.shape_cast %get3A_219 : vector<1x16xf32> to vector<16xf32>
        %swap3A_221 = arith.index_cast %add3A_201 : i32 to index
        %swap3A_222 = arith.constant 16 : index
        %swap3A_223 = tpu.vector_load %arg10[%swap3A_221, %swap3A_222] {strides = array<i32>} : memref<128x64xf32, #tpu.memory_space<vmem>>, vector<1x16xf32>,
        %swap3A_224 = vector.shape_cast %swap3A_223 : vector<1x16xf32> to vector<16xf32>
        %swap3A_225 = vector.shape_cast %get3A_220 : vector<16xf32> to vector<1x16xf32>
        tpu.vector_store %arg10[%swap3A_221, %swap3A_222], %swap3A_225 {strides = array<i32>} : memref<128x64xf32, #tpu.memory_space<vmem>>, vector<1x16xf32>,
        %add3A_226 = arith.constant 32 : i32
        %add3A_227 = arith.addi %squeeze3A_203, %add3A_226 : i32
        %get3A_228 = arith.index_cast %add3A_201 : i32 to index
        %get3A_229 = arith.index_cast %add3A_227 : i32 to index
        %get3A_230 = tpu.vector_load %arg8[%get3A_228, %get3A_229] {strides = array<i32>} : memref<128x128xf32, #tpu.memory_space<vmem>>, vector<1x16xf32>,
        %get3A_231 = vector.shape_cast %get3A_230 : vector<1x16xf32> to vector<16xf32>
        %swap3A_232 = arith.index_cast %add3A_201 : i32 to index
        %swap3A_233 = arith.constant 32 : index
        %swap3A_234 = tpu.vector_load %arg10[%swap3A_232, %swap3A_233] {strides = array<i32>} : memref<128x64xf32, #tpu.memory_space<vmem>>, vector<1x16xf32>,
        %swap3A_235 = vector.shape_cast %swap3A_234 : vector<1x16xf32> to vector<16xf32>
        %swap3A_236 = vector.shape_cast %get3A_231 : vector<16xf32> to vector<1x16xf32>
        tpu.vector_store %arg10[%swap3A_232, %swap3A_233], %swap3A_236 {strides = array<i32>} : memref<128x64xf32, #tpu.memory_space<vmem>>, vector<1x16xf32>,
        %add3A_237 = arith.constant 48 : i32
        %add3A_238 = arith.addi %squeeze3A_203, %add3A_237 : i32
        %get3A_239 = arith.index_cast %add3A_201 : i32 to index
        %get3A_240 = arith.index_cast %add3A_238 : i32 to index
        %get3A_241 = tpu.vector_load %arg8[%get3A_239, %get3A_240] {strides = array<i32>} : memref<128x128xf32, #tpu.memory_space<vmem>>, vector<1x16xf32>,
        %get3A_242 = vector.shape_cast %get3A_241 : vector<1x16xf32> to vector<16xf32>
        %swap3A_243 = arith.index_cast %add3A_201 : i32 to index
        %swap3A_244 = arith.constant 48 : index
        %swap3A_245 = tpu.vector_load %arg10[%swap3A_243, %swap3A_244] {strides = array<i32>} : memref<128x64xf32, #tpu.memory_space<vmem>>, vector<1x16xf32>,
        %swap3A_246 = vector.shape_cast %swap3A_245 : vector<1x16xf32> to vector<16xf32>
        %swap3A_247 = vector.shape_cast %get3A_242 : vector<16xf32> to vector<1x16xf32>
        tpu.vector_store %arg10[%swap3A_243, %swap3A_244], %swap3A_247 {strides = array<i32>} : memref<128x64xf32, #tpu.memory_space<vmem>>, vector<1x16xf32>,
        %mul3A_248 = arith.constant 16 : i32
        %mul3A_249 = arith.muli %add3A_90, %mul3A_248 : i32
        %add3A_250 = arith.constant 3 : i32
        %add3A_251 = arith.addi %mul3A_249, %add3A_250 : i32
        %slice3A_252 = vector.extract_strided_slice %mul3A_100 {offsets = [3], sizes = [1], strides = [1]} : vector<16xi32> to vector<1xi32>
        %squeeze3A_253 = vector.extract %slice3A_252[0] : i32 from vector<1xi32>
        %add3A_254 = arith.constant 0 : i32
        %add3A_255 = arith.addi %squeeze3A_253, %add3A_254 : i32
        %get3A_256 = arith.index_cast %add3A_251 : i32 to index
        %get3A_257 = arith.index_cast %add3A_255 : i32 to index
        %get3A_258 = tpu.vector_load %arg8[%get3A_256, %get3A_257] {strides = array<i32>} : memref<128x128xf32, #tpu.memory_space<vmem>>, vector<1x16xf32>,
        %get3A_259 = vector.shape_cast %get3A_258 : vector<1x16xf32> to vector<16xf32>
        %swap3A_260 = arith.index_cast %add3A_251 : i32 to index
        %swap3A_261 = arith.constant 0 : index
        %swap3A_262 = tpu.vector_load %arg10[%swap3A_260, %swap3A_261] {strides = array<i32>} : memref<128x64xf32, #tpu.memory_space<vmem>>, vector<1x16xf32>,
        %swap3A_263 = vector.shape_cast %swap3A_262 : vector<1x16xf32> to vector<16xf32>
        %swap3A_264 = vector.shape_cast %get3A_259 : vector<16xf32> to vector<1x16xf32>
        tpu.vector_store %arg10[%swap3A_260, %swap3A_261], %swap3A_264 {strides = array<i32>} : memref<128x64xf32, #tpu.memory_space<vmem>>, vector<1x16xf32>,
        %add3A_265 = arith.constant 16 : i32
        %add3A_266 = arith.addi %squeeze3A_253, %add3A_265 : i32
        %get3A_267 = arith.index_cast %add3A_251 : i32 to index
        %get3A_268 = arith.index_cast %add3A_266 : i32 to index
        %get3A_269 = tpu.vector_load %arg8[%get3A_267, %get3A_268] {strides = array<i32>} : memref<128x128xf32, #tpu.memory_space<vmem>>, vector<1x16xf32>,
        %get3A_270 = vector.shape_cast %get3A_269 : vector<1x16xf32> to vector<16xf32>
        %swap3A_271 = arith.index_cast %add3A_251 : i32 to index
        %swap3A_272 = arith.constant 16 : index
        %swap3A_273 = tpu.vector_load %arg10[%swap3A_271, %swap3A_272] {strides = array<i32>} : memref<128x64xf32, #tpu.memory_space<vmem>>, vector<1x16xf32>,
        %swap3A_274 = vector.shape_cast %swap3A_273 : vector<1x16xf32> to vector<16xf32>
        %swap3A_275 = vector.shape_cast %get3A_270 : vector<16xf32> to vector<1x16xf32>
        tpu.vector_store %arg10[%swap3A_271, %swap3A_272], %swap3A_275 {strides = array<i32>} : memref<128x64xf32, #tpu.memory_space<vmem>>, vector<1x16xf32>,
        %add3A_276 = arith.constant 32 : i32
        %add3A_277 = arith.addi %squeeze3A_253, %add3A_276 : i32
        %get3A_278 = arith.index_cast %add3A_251 : i32 to index
        %get3A_279 = arith.index_cast %add3A_277 : i32 to index
        %get3A_280 = tpu.vector_load %arg8[%get3A_278, %get3A_279] {strides = array<i32>} : memref<128x128xf32, #tpu.memory_space<vmem>>, vector<1x16xf32>,
        %get3A_281 = vector.shape_cast %get3A_280 : vector<1x16xf32> to vector<16xf32>
        %swap3A_282 = arith.index_cast %add3A_251 : i32 to index
        %swap3A_283 = arith.constant 32 : index
        %swap3A_284 = tpu.vector_load %arg10[%swap3A_282, %swap3A_283] {strides = array<i32>} : memref<128x64xf32, #tpu.memory_space<vmem>>, vector<1x16xf32>,
        %swap3A_285 = vector.shape_cast %swap3A_284 : vector<1x16xf32> to vector<16xf32>
        %swap3A_286 = vector.shape_cast %get3A_281 : vector<16xf32> to vector<1x16xf32>
        tpu.vector_store %arg10[%swap3A_282, %swap3A_283], %swap3A_286 {strides = array<i32>} : memref<128x64xf32, #tpu.memory_space<vmem>>, vector<1x16xf32>,
        %add3A_287 = arith.constant 48 : i32
        %add3A_288 = arith.addi %squeeze3A_253, %add3A_287 : i32
        %get3A_289 = arith.index_cast %add3A_251 : i32 to index
        %get3A_290 = arith.index_cast %add3A_288 : i32 to index
        %get3A_291 = tpu.vector_load %arg8[%get3A_289, %get3A_290] {strides = array<i32>} : memref<128x128xf32, #tpu.memory_space<vmem>>, vector<1x16xf32>,
        %get3A_292 = vector.shape_cast %get3A_291 : vector<1x16xf32> to vector<16xf32>
        %swap3A_293 = arith.index_cast %add3A_251 : i32 to index
        %swap3A_294 = arith.constant 48 : index
        %swap3A_295 = tpu.vector_load %arg10[%swap3A_293, %swap3A_294] {strides = array<i32>} : memref<128x64xf32, #tpu.memory_space<vmem>>, vector<1x16xf32>,
        %swap3A_296 = vector.shape_cast %swap3A_295 : vector<1x16xf32> to vector<16xf32>
        %swap3A_297 = vector.shape_cast %get3A_292 : vector<16xf32> to vector<1x16xf32>
        tpu.vector_store %arg10[%swap3A_293, %swap3A_294], %swap3A_297 {strides = array<i32>} : memref<128x64xf32, #tpu.memory_space<vmem>>, vector<1x16xf32>,
        %mul3A_298 = arith.constant 16 : i32
        %mul3A_299 = arith.muli %add3A_90, %mul3A_298 : i32
        %add3A_300 = arith.constant 4 : i32
        %add3A_301 = arith.addi %mul3A_299, %add3A_300 : i32
        %slice3A_302 = vector.extract_strided_slice %mul3A_100 {offsets = [4], sizes = [1], strides = [1]} : vector<16xi32> to vector<1xi32>
        %squeeze3A_303 = vector.extract %slice3A_302[0] : i32 from vector<1xi32>
        %add3A_304 = arith.constant 0 : i32
        %add3A_305 = arith.addi %squeeze3A_303, %add3A_304 : i32
        %get3A_306 = arith.index_cast %add3A_301 : i32 to index
        %get3A_307 = arith.index_cast %add3A_305 : i32 to index
        %get3A_308 = tpu.vector_load %arg8[%get3A_306, %get3A_307] {strides = array<i32>} : memref<128x128xf32, #tpu.memory_space<vmem>>, vector<1x16xf32>,
        %get3A_309 = vector.shape_cast %get3A_308 : vector<1x16xf32> to vector<16xf32>
        %swap3A_310 = arith.index_cast %add3A_301 : i32 to index
        %swap3A_311 = arith.constant 0 : index
        %swap3A_312 = tpu.vector_load %arg10[%swap3A_310, %swap3A_311] {strides = array<i32>} : memref<128x64xf32, #tpu.memory_space<vmem>>, vector<1x16xf32>,
        %swap3A_313 = vector.shape_cast %swap3A_312 : vector<1x16xf32> to vector<16xf32>
        %swap3A_314 = vector.shape_cast %get3A_309 : vector<16xf32> to vector<1x16xf32>
        tpu.vector_store %arg10[%swap3A_310, %swap3A_311], %swap3A_314 {strides = array<i32>} : memref<128x64xf32, #tpu.memory_space<vmem>>, vector<1x16xf32>,
        %add3A_315 = arith.constant 16 : i32
        %add3A_316 = arith.addi %squeeze3A_303, %add3A_315 : i32
        %get3A_317 = arith.index_cast %add3A_301 : i32 to index
        %get3A_318 = arith.index_cast %add3A_316 : i32 to index
        %get3A_319 = tpu.vector_load %arg8[%get3A_317, %get3A_318] {strides = array<i32>} : memref<128x128xf32, #tpu.memory_space<vmem>>, vector<1x16xf32>,
        %get3A_320 = vector.shape_cast %get3A_319 : vector<1x16xf32> to vector<16xf32>
        %swap3A_321 = arith.index_cast %add3A_301 : i32 to index
        %swap3A_322 = arith.constant 16 : index
        %swap3A_323 = tpu.vector_load %arg10[%swap3A_321, %swap3A_322] {strides = array<i32>} : memref<128x64xf32, #tpu.memory_space<vmem>>, vector<1x16xf32>,
        %swap3A_324 = vector.shape_cast %swap3A_323 : vector<1x16xf32> to vector<16xf32>
        %swap3A_325 = vector.shape_cast %get3A_320 : vector<16xf32> to vector<1x16xf32>
        tpu.vector_store %arg10[%swap3A_321, %swap3A_322], %swap3A_325 {strides = array<i32>} : memref<128x64xf32, #tpu.memory_space<vmem>>, vector<1x16xf32>,
        %add3A_326 = arith.constant 32 : i32
        %add3A_327 = arith.addi %squeeze3A_303, %add3A_326 : i32
        %get3A_328 = arith.index_cast %add3A_301 : i32 to index
        %get3A_329 = arith.index_cast %add3A_327 : i32 to index
        %get3A_330 = tpu.vector_load %arg8[%get3A_328, %get3A_329] {strides = array<i32>} : memref<128x128xf32, #tpu.memory_space<vmem>>, vector<1x16xf32>,
        %get3A_331 = vector.shape_cast %get3A_330 : vector<1x16xf32> to vector<16xf32>
        %swap3A_332 = arith.index_cast %add3A_301 : i32 to index
        %swap3A_333 = arith.constant 32 : index
        %swap3A_334 = tpu.vector_load %arg10[%swap3A_332, %swap3A_333] {strides = array<i32>} : memref<128x64xf32, #tpu.memory_space<vmem>>, vector<1x16xf32>,
        %swap3A_335 = vector.shape_cast %swap3A_334 : vector<1x16xf32> to vector<16xf32>
        %swap3A_336 = vector.shape_cast %get3A_331 : vector<16xf32> to vector<1x16xf32>
        tpu.vector_store %arg10[%swap3A_332, %swap3A_333], %swap3A_336 {strides = array<i32>} : memref<128x64xf32, #tpu.memory_space<vmem>>, vector<1x16xf32>,
        %add3A_337 = arith.constant 48 : i32
        %add3A_338 = arith.addi %squeeze3A_303, %add3A_337 : i32
        %get3A_339 = arith.index_cast %add3A_301 : i32 to index
        %get3A_340 = arith.index_cast %add3A_338 : i32 to index
        %get3A_341 = tpu.vector_load %arg8[%get3A_339, %get3A_340] {strides = array<i32>} : memref<128x128xf32, #tpu.memory_space<vmem>>, vector<1x16xf32>,
        %get3A_342 = vector.shape_cast %get3A_341 : vector<1x16xf32> to vector<16xf32>
        %swap3A_343 = arith.index_cast %add3A_301 : i32 to index
        %swap3A_344 = arith.constant 48 : index
        %swap3A_345 = tpu.vector_load %arg10[%swap3A_343, %swap3A_344] {strides = array<i32>} : memref<128x64xf32, #tpu.memory_space<vmem>>, vector<1x16xf32>,
        %swap3A_346 = vector.shape_cast %swap3A_345 : vector<1x16xf32> to vector<16xf32>
        %swap3A_347 = vector.shape_cast %get3A_342 : vector<16xf32> to vector<1x16xf32>
        tpu.vector_store %arg10[%swap3A_343, %swap3A_344], %swap3A_347 {strides = array<i32>} : memref<128x64xf32, #tpu.memory_space<vmem>>, vector<1x16xf32>,
        %mul3A_348 = arith.constant 16 : i32
        %mul3A_349 = arith.muli %add3A_90, %mul3A_348 : i32
        %add3A_350 = arith.constant 5 : i32
        %add3A_351 = arith.addi %mul3A_349, %add3A_350 : i32
        %slice3A_352 = vector.extract_strided_slice %mul3A_100 {offsets = [5], sizes = [1], strides = [1]} : vector<16xi32> to vector<1xi32>
        %squeeze3A_353 = vector.extract %slice3A_352[0] : i32 from vector<1xi32>
        %add3A_354 = arith.constant 0 : i32
        %add3A_355 = arith.addi %squeeze3A_353, %add3A_354 : i32
        %get3A_356 = arith.index_cast %add3A_351 : i32 to index
        %get3A_357 = arith.index_cast %add3A_355 : i32 to index
        %get3A_358 = tpu.vector_load %arg8[%get3A_356, %get3A_357] {strides = array<i32>} : memref<128x128xf32, #tpu.memory_space<vmem>>, vector<1x16xf32>,
        %get3A_359 = vector.shape_cast %get3A_358 : vector<1x16xf32> to vector<16xf32>
        %swap3A_360 = arith.index_cast %add3A_351 : i32 to index
        %swap3A_361 = arith.constant 0 : index
        %swap3A_362 = tpu.vector_load %arg10[%swap3A_360, %swap3A_361] {strides = array<i32>} : memref<128x64xf32, #tpu.memory_space<vmem>>, vector<1x16xf32>,
        %swap3A_363 = vector.shape_cast %swap3A_362 : vector<1x16xf32> to vector<16xf32>
        %swap3A_364 = vector.shape_cast %get3A_359 : vector<16xf32> to vector<1x16xf32>
        tpu.vector_store %arg10[%swap3A_360, %swap3A_361], %swap3A_364 {strides = array<i32>} : memref<128x64xf32, #tpu.memory_space<vmem>>, vector<1x16xf32>,
        %add3A_365 = arith.constant 16 : i32
        %add3A_366 = arith.addi %squeeze3A_353, %add3A_365 : i32
        %get3A_367 = arith.index_cast %add3A_351 : i32 to index
        %get3A_368 = arith.index_cast %add3A_366 : i32 to index
        %get3A_369 = tpu.vector_load %arg8[%get3A_367, %get3A_368] {strides = array<i32>} : memref<128x128xf32, #tpu.memory_space<vmem>>, vector<1x16xf32>,
        %get3A_370 = vector.shape_cast %get3A_369 : vector<1x16xf32> to vector<16xf32>
        %swap3A_371 = arith.index_cast %add3A_351 : i32 to index
        %swap3A_372 = arith.constant 16 : index
        %swap3A_373 = tpu.vector_load %arg10[%swap3A_371, %swap3A_372] {strides = array<i32>} : memref<128x64xf32, #tpu.memory_space<vmem>>, vector<1x16xf32>,
        %swap3A_374 = vector.shape_cast %swap3A_373 : vector<1x16xf32> to vector<16xf32>
        %swap3A_375 = vector.shape_cast %get3A_370 : vector<16xf32> to vector<1x16xf32>
        tpu.vector_store %arg10[%swap3A_371, %swap3A_372], %swap3A_375 {strides = array<i32>} : memref<128x64xf32, #tpu.memory_space<vmem>>, vector<1x16xf32>,
        %add3A_376 = arith.constant 32 : i32
        %add3A_377 = arith.addi %squeeze3A_353, %add3A_376 : i32
        %get3A_378 = arith.index_cast %add3A_351 : i32 to index
        %get3A_379 = arith.index_cast %add3A_377 : i32 to index
        %get3A_380 = tpu.vector_load %arg8[%get3A_378, %get3A_379] {strides = array<i32>} : memref<128x128xf32, #tpu.memory_space<vmem>>, vector<1x16xf32>,
        %get3A_381 = vector.shape_cast %get3A_380 : vector<1x16xf32> to vector<16xf32>
        %swap3A_382 = arith.index_cast %add3A_351 : i32 to index
        %swap3A_383 = arith.constant 32 : index
        %swap3A_384 = tpu.vector_load %arg10[%swap3A_382, %swap3A_383] {strides = array<i32>} : memref<128x64xf32, #tpu.memory_space<vmem>>, vector<1x16xf32>,
        %swap3A_385 = vector.shape_cast %swap3A_384 : vector<1x16xf32> to vector<16xf32>
        %swap3A_386 = vector.shape_cast %get3A_381 : vector<16xf32> to vector<1x16xf32>
        tpu.vector_store %arg10[%swap3A_382, %swap3A_383], %swap3A_386 {strides = array<i32>} : memref<128x64xf32, #tpu.memory_space<vmem>>, vector<1x16xf32>,
        %add3A_387 = arith.constant 48 : i32
        %add3A_388 = arith.addi %squeeze3A_353, %add3A_387 : i32
        %get3A_389 = arith.index_cast %add3A_351 : i32 to index
        %get3A_390 = arith.index_cast %add3A_388 : i32 to index
        %get3A_391 = tpu.vector_load %arg8[%get3A_389, %get3A_390] {strides = array<i32>} : memref<128x128xf32, #tpu.memory_space<vmem>>, vector<1x16xf32>,
        %get3A_392 = vector.shape_cast %get3A_391 : vector<1x16xf32> to vector<16xf32>
        %swap3A_393 = arith.index_cast %add3A_351 : i32 to index
        %swap3A_394 = arith.constant 48 : index
        %swap3A_395 = tpu.vector_load %arg10[%swap3A_393, %swap3A_394] {strides = array<i32>} : memref<128x64xf32, #tpu.memory_space<vmem>>, vector<1x16xf32>,
        %swap3A_396 = vector.shape_cast %swap3A_395 : vector<1x16xf32> to vector<16xf32>
        %swap3A_397 = vector.shape_cast %get3A_392 : vector<16xf32> to vector<1x16xf32>
        tpu.vector_store %arg10[%swap3A_393, %swap3A_394], %swap3A_397 {strides = array<i32>} : memref<128x64xf32, #tpu.memory_space<vmem>>, vector<1x16xf32>,
        %mul3A_398 = arith.constant 16 : i32
        %mul3A_399 = arith.muli %add3A_90, %mul3A_398 : i32
        %add3A_400 = arith.constant 6 : i32
        %add3A_401 = arith.addi %mul3A_399, %add3A_400 : i32
        %slice3A_402 = vector.extract_strided_slice %mul3A_100 {offsets = [6], sizes = [1], strides = [1]} : vector<16xi32> to vector<1xi32>
        %squeeze3A_403 = vector.extract %slice3A_402[0] : i32 from vector<1xi32>
        %add3A_404 = arith.constant 0 : i32
        %add3A_405 = arith.addi %squeeze3A_403, %add3A_404 : i32
        %get3A_406 = arith.index_cast %add3A_401 : i32 to index
        %get3A_407 = arith.index_cast %add3A_405 : i32 to index
        %get3A_408 = tpu.vector_load %arg8[%get3A_406, %get3A_407] {strides = array<i32>} : memref<128x128xf32, #tpu.memory_space<vmem>>, vector<1x16xf32>,
        %get3A_409 = vector.shape_cast %get3A_408 : vector<1x16xf32> to vector<16xf32>
        %swap3A_410 = arith.index_cast %add3A_401 : i32 to index
        %swap3A_411 = arith.constant 0 : index
        %swap3A_412 = tpu.vector_load %arg10[%swap3A_410, %swap3A_411] {strides = array<i32>} : memref<128x64xf32, #tpu.memory_space<vmem>>, vector<1x16xf32>,
        %swap3A_413 = vector.shape_cast %swap3A_412 : vector<1x16xf32> to vector<16xf32>
        %swap3A_414 = vector.shape_cast %get3A_409 : vector<16xf32> to vector<1x16xf32>
        tpu.vector_store %arg10[%swap3A_410, %swap3A_411], %swap3A_414 {strides = array<i32>} : memref<128x64xf32, #tpu.memory_space<vmem>>, vector<1x16xf32>,
        %add3A_415 = arith.constant 16 : i32
        %add3A_416 = arith.addi %squeeze3A_403, %add3A_415 : i32
        %get3A_417 = arith.index_cast %add3A_401 : i32 to index
        %get3A_418 = arith.index_cast %add3A_416 : i32 to index
        %get3A_419 = tpu.vector_load %arg8[%get3A_417, %get3A_418] {strides = array<i32>} : memref<128x128xf32, #tpu.memory_space<vmem>>, vector<1x16xf32>,
        %get3A_420 = vector.shape_cast %get3A_419 : vector<1x16xf32> to vector<16xf32>
        %swap3A_421 = arith.index_cast %add3A_401 : i32 to index
        %swap3A_422 = arith.constant 16 : index
        %swap3A_423 = tpu.vector_load %arg10[%swap3A_421, %swap3A_422] {strides = array<i32>} : memref<128x64xf32, #tpu.memory_space<vmem>>, vector<1x16xf32>,
        %swap3A_424 = vector.shape_cast %swap3A_423 : vector<1x16xf32> to vector<16xf32>
        %swap3A_425 = vector.shape_cast %get3A_420 : vector<16xf32> to vector<1x16xf32>
        tpu.vector_store %arg10[%swap3A_421, %swap3A_422], %swap3A_425 {strides = array<i32>} : memref<128x64xf32, #tpu.memory_space<vmem>>, vector<1x16xf32>,
        %add3A_426 = arith.constant 32 : i32
        %add3A_427 = arith.addi %squeeze3A_403, %add3A_426 : i32
        %get3A_428 = arith.index_cast %add3A_401 : i32 to index
        %get3A_429 = arith.index_cast %add3A_427 : i32 to index
        %get3A_430 = tpu.vector_load %arg8[%get3A_428, %get3A_429] {strides = array<i32>} : memref<128x128xf32, #tpu.memory_space<vmem>>, vector<1x16xf32>,
        %get3A_431 = vector.shape_cast %get3A_430 : vector<1x16xf32> to vector<16xf32>
        %swap3A_432 = arith.index_cast %add3A_401 : i32 to index
        %swap3A_433 = arith.constant 32 : index
        %swap3A_434 = tpu.vector_load %arg10[%swap3A_432, %swap3A_433] {strides = array<i32>} : memref<128x64xf32, #tpu.memory_space<vmem>>, vector<1x16xf32>,
        %swap3A_435 = vector.shape_cast %swap3A_434 : vector<1x16xf32> to vector<16xf32>
        %swap3A_436 = vector.shape_cast %get3A_431 : vector<16xf32> to vector<1x16xf32>
        tpu.vector_store %arg10[%swap3A_432, %swap3A_433], %swap3A_436 {strides = array<i32>} : memref<128x64xf32, #tpu.memory_space<vmem>>, vector<1x16xf32>,
        %add3A_437 = arith.constant 48 : i32
        %add3A_438 = arith.addi %squeeze3A_403, %add3A_437 : i32
        %get3A_439 = arith.index_cast %add3A_401 : i32 to index
        %get3A_440 = arith.index_cast %add3A_438 : i32 to index
        %get3A_441 = tpu.vector_load %arg8[%get3A_439, %get3A_440] {strides = array<i32>} : memref<128x128xf32, #tpu.memory_space<vmem>>, vector<1x16xf32>,
        %get3A_442 = vector.shape_cast %get3A_441 : vector<1x16xf32> to vector<16xf32>
        %swap3A_443 = arith.index_cast %add3A_401 : i32 to index
        %swap3A_444 = arith.constant 48 : index
        %swap3A_445 = tpu.vector_load %arg10[%swap3A_443, %swap3A_444] {strides = array<i32>} : memref<128x64xf32, #tpu.memory_space<vmem>>, vector<1x16xf32>,
        %swap3A_446 = vector.shape_cast %swap3A_445 : vector<1x16xf32> to vector<16xf32>
        %swap3A_447 = vector.shape_cast %get3A_442 : vector<16xf32> to vector<1x16xf32>
        tpu.vector_store %arg10[%swap3A_443, %swap3A_444], %swap3A_447 {strides = array<i32>} : memref<128x64xf32, #tpu.memory_space<vmem>>, vector<1x16xf32>,
        %mul3A_448 = arith.constant 16 : i32
        %mul3A_449 = arith.muli %add3A_90, %mul3A_448 : i32
        %add3A_450 = arith.constant 7 : i32
        %add3A_451 = arith.addi %mul3A_449, %add3A_450 : i32
        %slice3A_452 = vector.extract_strided_slice %mul3A_100 {offsets = [7], sizes = [1], strides = [1]} : vector<16xi32> to vector<1xi32>
        %squeeze3A_453 = vector.extract %slice3A_452[0] : i32 from vector<1xi32>
        %add3A_454 = arith.constant 0 : i32
        %add3A_455 = arith.addi %squeeze3A_453, %add3A_454 : i32
        %get3A_456 = arith.index_cast %add3A_451 : i32 to index
        %get3A_457 = arith.index_cast %add3A_455 : i32 to index
        %get3A_458 = tpu.vector_load %arg8[%get3A_456, %get3A_457] {strides = array<i32>} : memref<128x128xf32, #tpu.memory_space<vmem>>, vector<1x16xf32>,
        %get3A_459 = vector.shape_cast %get3A_458 : vector<1x16xf32> to vector<16xf32>
        %swap3A_460 = arith.index_cast %add3A_451 : i32 to index
        %swap3A_461 = arith.constant 0 : index
        %swap3A_462 = tpu.vector_load %arg10[%swap3A_460, %swap3A_461] {strides = array<i32>} : memref<128x64xf32, #tpu.memory_space<vmem>>, vector<1x16xf32>,
        %swap3A_463 = vector.shape_cast %swap3A_462 : vector<1x16xf32> to vector<16xf32>
        %swap3A_464 = vector.shape_cast %get3A_459 : vector<16xf32> to vector<1x16xf32>
        tpu.vector_store %arg10[%swap3A_460, %swap3A_461], %swap3A_464 {strides = array<i32>} : memref<128x64xf32, #tpu.memory_space<vmem>>, vector<1x16xf32>,
        %add3A_465 = arith.constant 16 : i32
        %add3A_466 = arith.addi %squeeze3A_453, %add3A_465 : i32
        %get3A_467 = arith.index_cast %add3A_451 : i32 to index
        %get3A_468 = arith.index_cast %add3A_466 : i32 to index
        %get3A_469 = tpu.vector_load %arg8[%get3A_467, %get3A_468] {strides = array<i32>} : memref<128x128xf32, #tpu.memory_space<vmem>>, vector<1x16xf32>,
        %get3A_470 = vector.shape_cast %get3A_469 : vector<1x16xf32> to vector<16xf32>
        %swap3A_471 = arith.index_cast %add3A_451 : i32 to index
        %swap3A_472 = arith.constant 16 : index
        %swap3A_473 = tpu.vector_load %arg10[%swap3A_471, %swap3A_472] {strides = array<i32>} : memref<128x64xf32, #tpu.memory_space<vmem>>, vector<1x16xf32>,
        %swap3A_474 = vector.shape_cast %swap3A_473 : vector<1x16xf32> to vector<16xf32>
        %swap3A_475 = vector.shape_cast %get3A_470 : vector<16xf32> to vector<1x16xf32>
        tpu.vector_store %arg10[%swap3A_471, %swap3A_472], %swap3A_475 {strides = array<i32>} : memref<128x64xf32, #tpu.memory_space<vmem>>, vector<1x16xf32>,
        %add3A_476 = arith.constant 32 : i32
        %add3A_477 = arith.addi %squeeze3A_453, %add3A_476 : i32
        %get3A_478 = arith.index_cast %add3A_451 : i32 to index
        %get3A_479 = arith.index_cast %add3A_477 : i32 to index
        %get3A_480 = tpu.vector_load %arg8[%get3A_478, %get3A_479] {strides = array<i32>} : memref<128x128xf32, #tpu.memory_space<vmem>>, vector<1x16xf32>,
        %get3A_481 = vector.shape_cast %get3A_480 : vector<1x16xf32> to vector<16xf32>
        %swap3A_482 = arith.index_cast %add3A_451 : i32 to index
        %swap3A_483 = arith.constant 32 : index
        %swap3A_484 = tpu.vector_load %arg10[%swap3A_482, %swap3A_483] {strides = array<i32>} : memref<128x64xf32, #tpu.memory_space<vmem>>, vector<1x16xf32>,
        %swap3A_485 = vector.shape_cast %swap3A_484 : vector<1x16xf32> to vector<16xf32>
        %swap3A_486 = vector.shape_cast %get3A_481 : vector<16xf32> to vector<1x16xf32>
        tpu.vector_store %arg10[%swap3A_482, %swap3A_483], %swap3A_486 {strides = array<i32>} : memref<128x64xf32, #tpu.memory_space<vmem>>, vector<1x16xf32>,
        %add3A_487 = arith.constant 48 : i32
        %add3A_488 = arith.addi %squeeze3A_453, %add3A_487 : i32
        %get3A_489 = arith.index_cast %add3A_451 : i32 to index
        %get3A_490 = arith.index_cast %add3A_488 : i32 to index
        %get3A_491 = tpu.vector_load %arg8[%get3A_489, %get3A_490] {strides = array<i32>} : memref<128x128xf32, #tpu.memory_space<vmem>>, vector<1x16xf32>,
        %get3A_492 = vector.shape_cast %get3A_491 : vector<1x16xf32> to vector<16xf32>
        %swap3A_493 = arith.index_cast %add3A_451 : i32 to index
        %swap3A_494 = arith.constant 48 : index
        %swap3A_495 = tpu.vector_load %arg10[%swap3A_493, %swap3A_494] {strides = array<i32>} : memref<128x64xf32, #tpu.memory_space<vmem>>, vector<1x16xf32>,
        %swap3A_496 = vector.shape_cast %swap3A_495 : vector<1x16xf32> to vector<16xf32>
        %swap3A_497 = vector.shape_cast %get3A_492 : vector<16xf32> to vector<1x16xf32>
        tpu.vector_store %arg10[%swap3A_493, %swap3A_494], %swap3A_497 {strides = array<i32>} : memref<128x64xf32, #tpu.memory_space<vmem>>, vector<1x16xf32>,
        %mul3A_498 = arith.constant 16 : i32
        %mul3A_499 = arith.muli %add3A_90, %mul3A_498 : i32
        %add3A_500 = arith.constant 8 : i32
        %add3A_501 = arith.addi %mul3A_499, %add3A_500 : i32
        %slice3A_502 = vector.extract_strided_slice %mul3A_100 {offsets = [8], sizes = [1], strides = [1]} : vector<16xi32> to vector<1xi32>
        %squeeze3A_503 = vector.extract %slice3A_502[0] : i32 from vector<1xi32>
        %add3A_504 = arith.constant 0 : i32
        %add3A_505 = arith.addi %squeeze3A_503, %add3A_504 : i32
        %get3A_506 = arith.index_cast %add3A_501 : i32 to index
        %get3A_507 = arith.index_cast %add3A_505 : i32 to index
        %get3A_508 = tpu.vector_load %arg8[%get3A_506, %get3A_507] {strides = array<i32>} : memref<128x128xf32, #tpu.memory_space<vmem>>, vector<1x16xf32>,
        %get3A_509 = vector.shape_cast %get3A_508 : vector<1x16xf32> to vector<16xf32>
        %swap3A_510 = arith.index_cast %add3A_501 : i32 to index
        %swap3A_511 = arith.constant 0 : index
        %swap3A_512 = tpu.vector_load %arg10[%swap3A_510, %swap3A_511] {strides = array<i32>} : memref<128x64xf32, #tpu.memory_space<vmem>>, vector<1x16xf32>,
        %swap3A_513 = vector.shape_cast %swap3A_512 : vector<1x16xf32> to vector<16xf32>
        %swap3A_514 = vector.shape_cast %get3A_509 : vector<16xf32> to vector<1x16xf32>
        tpu.vector_store %arg10[%swap3A_510, %swap3A_511], %swap3A_514 {strides = array<i32>} : memref<128x64xf32, #tpu.memory_space<vmem>>, vector<1x16xf32>,
        %add3A_515 = arith.constant 16 : i32
        %add3A_516 = arith.addi %squeeze3A_503, %add3A_515 : i32
        %get3A_517 = arith.index_cast %add3A_501 : i32 to index
        %get3A_518 = arith.index_cast %add3A_516 : i32 to index
        %get3A_519 = tpu.vector_load %arg8[%get3A_517, %get3A_518] {strides = array<i32>} : memref<128x128xf32, #tpu.memory_space<vmem>>, vector<1x16xf32>,
        %get3A_520 = vector.shape_cast %get3A_519 : vector<1x16xf32> to vector<16xf32>
        %swap3A_521 = arith.index_cast %add3A_501 : i32 to index
        %swap3A_522 = arith.constant 16 : index
        %swap3A_523 = tpu.vector_load %arg10[%swap3A_521, %swap3A_522] {strides = array<i32>} : memref<128x64xf32, #tpu.memory_space<vmem>>, vector<1x16xf32>,
        %swap3A_524 = vector.shape_cast %swap3A_523 : vector<1x16xf32> to vector<16xf32>
        %swap3A_525 = vector.shape_cast %get3A_520 : vector<16xf32> to vector<1x16xf32>
        tpu.vector_store %arg10[%swap3A_521, %swap3A_522], %swap3A_525 {strides = array<i32>} : memref<128x64xf32, #tpu.memory_space<vmem>>, vector<1x16xf32>,
        %add3A_526 = arith.constant 32 : i32
        %add3A_527 = arith.addi %squeeze3A_503, %add3A_526 : i32
        %get3A_528 = arith.index_cast %add3A_501 : i32 to index
        %get3A_529 = arith.index_cast %add3A_527 : i32 to index
        %get3A_530 = tpu.vector_load %arg8[%get3A_528, %get3A_529] {strides = array<i32>} : memref<128x128xf32, #tpu.memory_space<vmem>>, vector<1x16xf32>,
        %get3A_531 = vector.shape_cast %get3A_530 : vector<1x16xf32> to vector<16xf32>
        %swap3A_532 = arith.index_cast %add3A_501 : i32 to index
        %swap3A_533 = arith.constant 32 : index
        %swap3A_534 = tpu.vector_load %arg10[%swap3A_532, %swap3A_533] {strides = array<i32>} : memref<128x64xf32, #tpu.memory_space<vmem>>, vector<1x16xf32>,
        %swap3A_535 = vector.shape_cast %swap3A_534 : vector<1x16xf32> to vector<16xf32>
        %swap3A_536 = vector.shape_cast %get3A_531 : vector<16xf32> to vector<1x16xf32>
        tpu.vector_store %arg10[%swap3A_532, %swap3A_533], %swap3A_536 {strides = array<i32>} : memref<128x64xf32, #tpu.memory_space<vmem>>, vector<1x16xf32>,
        %add3A_537 = arith.constant 48 : i32
        %add3A_538 = arith.addi %squeeze3A_503, %add3A_537 : i32
        %get3A_539 = arith.index_cast %add3A_501 : i32 to index
        %get3A_540 = arith.index_cast %add3A_538 : i32 to index
        %get3A_541 = tpu.vector_load %arg8[%get3A_539, %get3A_540] {strides = array<i32>} : memref<128x128xf32, #tpu.memory_space<vmem>>, vector<1x16xf32>,
        %get3A_542 = vector.shape_cast %get3A_541 : vector<1x16xf32> to vector<16xf32>
        %swap3A_543 = arith.index_cast %add3A_501 : i32 to index
        %swap3A_544 = arith.constant 48 : index
        %swap3A_545 = tpu.vector_load %arg10[%swap3A_543, %swap3A_544] {strides = array<i32>} : memref<128x64xf32, #tpu.memory_space<vmem>>, vector<1x16xf32>,
        %swap3A_546 = vector.shape_cast %swap3A_545 : vector<1x16xf32> to vector<16xf32>
        %swap3A_547 = vector.shape_cast %get3A_542 : vector<16xf32> to vector<1x16xf32>
        tpu.vector_store %arg10[%swap3A_543, %swap3A_544], %swap3A_547 {strides = array<i32>} : memref<128x64xf32, #tpu.memory_space<vmem>>, vector<1x16xf32>,
        %mul3A_548 = arith.constant 16 : i32
        %mul3A_549 = arith.muli %add3A_90, %mul3A_548 : i32
        %add3A_550 = arith.constant 9 : i32
        %add3A_551 = arith.addi %mul3A_549, %add3A_550 : i32
        %slice3A_552 = vector.extract_strided_slice %mul3A_100 {offsets = [9], sizes = [1], strides = [1]} : vector<16xi32> to vector<1xi32>
        %squeeze3A_553 = vector.extract %slice3A_552[0] : i32 from vector<1xi32>
        %add3A_554 = arith.constant 0 : i32
        %add3A_555 = arith.addi %squeeze3A_553, %add3A_554 : i32
        %get3A_556 = arith.index_cast %add3A_551 : i32 to index
        %get3A_557 = arith.index_cast %add3A_555 : i32 to index
        %get3A_558 = tpu.vector_load %arg8[%get3A_556, %get3A_557] {strides = array<i32>} : memref<128x128xf32, #tpu.memory_space<vmem>>, vector<1x16xf32>,
        %get3A_559 = vector.shape_cast %get3A_558 : vector<1x16xf32> to vector<16xf32>
        %swap3A_560 = arith.index_cast %add3A_551 : i32 to index
        %swap3A_561 = arith.constant 0 : index
        %swap3A_562 = tpu.vector_load %arg10[%swap3A_560, %swap3A_561] {strides = array<i32>} : memref<128x64xf32, #tpu.memory_space<vmem>>, vector<1x16xf32>,
        %swap3A_563 = vector.shape_cast %swap3A_562 : vector<1x16xf32> to vector<16xf32>
        %swap3A_564 = vector.shape_cast %get3A_559 : vector<16xf32> to vector<1x16xf32>
        tpu.vector_store %arg10[%swap3A_560, %swap3A_561], %swap3A_564 {strides = array<i32>} : memref<128x64xf32, #tpu.memory_space<vmem>>, vector<1x16xf32>,
        %add3A_565 = arith.constant 16 : i32
        %add3A_566 = arith.addi %squeeze3A_553, %add3A_565 : i32
        %get3A_567 = arith.index_cast %add3A_551 : i32 to index
        %get3A_568 = arith.index_cast %add3A_566 : i32 to index
        %get3A_569 = tpu.vector_load %arg8[%get3A_567, %get3A_568] {strides = array<i32>} : memref<128x128xf32, #tpu.memory_space<vmem>>, vector<1x16xf32>,
        %get3A_570 = vector.shape_cast %get3A_569 : vector<1x16xf32> to vector<16xf32>
        %swap3A_571 = arith.index_cast %add3A_551 : i32 to index
        %swap3A_572 = arith.constant 16 : index
        %swap3A_573 = tpu.vector_load %arg10[%swap3A_571, %swap3A_572] {strides = array<i32>} : memref<128x64xf32, #tpu.memory_space<vmem>>, vector<1x16xf32>,
        %swap3A_574 = vector.shape_cast %swap3A_573 : vector<1x16xf32> to vector<16xf32>
        %swap3A_575 = vector.shape_cast %get3A_570 : vector<16xf32> to vector<1x16xf32>
        tpu.vector_store %arg10[%swap3A_571, %swap3A_572], %swap3A_575 {strides = array<i32>} : memref<128x64xf32, #tpu.memory_space<vmem>>, vector<1x16xf32>,
        %add3A_576 = arith.constant 32 : i32
        %add3A_577 = arith.addi %squeeze3A_553, %add3A_576 : i32
        %get3A_578 = arith.index_cast %add3A_551 : i32 to index
        %get3A_579 = arith.index_cast %add3A_577 : i32 to index
        %get3A_580 = tpu.vector_load %arg8[%get3A_578, %get3A_579] {strides = array<i32>} : memref<128x128xf32, #tpu.memory_space<vmem>>, vector<1x16xf32>,
        %get3A_581 = vector.shape_cast %get3A_580 : vector<1x16xf32> to vector<16xf32>
        %swap3A_582 = arith.index_cast %add3A_551 : i32 to index
        %swap3A_583 = arith.constant 32 : index
        %swap3A_584 = tpu.vector_load %arg10[%swap3A_582, %swap3A_583] {strides = array<i32>} : memref<128x64xf32, #tpu.memory_space<vmem>>, vector<1x16xf32>,
        %swap3A_585 = vector.shape_cast %swap3A_584 : vector<1x16xf32> to vector<16xf32>
        %swap3A_586 = vector.shape_cast %get3A_581 : vector<16xf32> to vector<1x16xf32>
        tpu.vector_store %arg10[%swap3A_582, %swap3A_583], %swap3A_586 {strides = array<i32>} : memref<128x64xf32, #tpu.memory_space<vmem>>, vector<1x16xf32>,
        %add3A_587 = arith.constant 48 : i32
        %add3A_588 = arith.addi %squeeze3A_553, %add3A_587 : i32
        %get3A_589 = arith.index_cast %add3A_551 : i32 to index
        %get3A_590 = arith.index_cast %add3A_588 : i32 to index
        %get3A_591 = tpu.vector_load %arg8[%get3A_589, %get3A_590] {strides = array<i32>} : memref<128x128xf32, #tpu.memory_space<vmem>>, vector<1x16xf32>,
        %get3A_592 = vector.shape_cast %get3A_591 : vector<1x16xf32> to vector<16xf32>
        %swap3A_593 = arith.index_cast %add3A_551 : i32 to index
        %swap3A_594 = arith.constant 48 : index
        %swap3A_595 = tpu.vector_load %arg10[%swap3A_593, %swap3A_594] {strides = array<i32>} : memref<128x64xf32, #tpu.memory_space<vmem>>, vector<1x16xf32>,
        %swap3A_596 = vector.shape_cast %swap3A_595 : vector<1x16xf32> to vector<16xf32>
        %swap3A_597 = vector.shape_cast %get3A_592 : vector<16xf32> to vector<1x16xf32>
        tpu.vector_store %arg10[%swap3A_593, %swap3A_594], %swap3A_597 {strides = array<i32>} : memref<128x64xf32, #tpu.memory_space<vmem>>, vector<1x16xf32>,
        %mul3A_598 = arith.constant 16 : i32
        %mul3A_599 = arith.muli %add3A_90, %mul3A_598 : i32
        %add3A_600 = arith.constant 10 : i32
        %add3A_601 = arith.addi %mul3A_599, %add3A_600 : i32
        %slice3A_602 = vector.extract_strided_slice %mul3A_100 {offsets = [10], sizes = [1], strides = [1]} : vector<16xi32> to vector<1xi32>
        %squeeze3A_603 = vector.extract %slice3A_602[0] : i32 from vector<1xi32>
        %add3A_604 = arith.constant 0 : i32
        %add3A_605 = arith.addi %squeeze3A_603, %add3A_604 : i32
        %get3A_606 = arith.index_cast %add3A_601 : i32 to index
        %get3A_607 = arith.index_cast %add3A_605 : i32 to index
        %get3A_608 = tpu.vector_load %arg8[%get3A_606, %get3A_607] {strides = array<i32>} : memref<128x128xf32, #tpu.memory_space<vmem>>, vector<1x16xf32>,
        %get3A_609 = vector.shape_cast %get3A_608 : vector<1x16xf32> to vector<16xf32>
        %swap3A_610 = arith.index_cast %add3A_601 : i32 to index
        %swap3A_611 = arith.constant 0 : index
        %swap3A_612 = tpu.vector_load %arg10[%swap3A_610, %swap3A_611] {strides = array<i32>} : memref<128x64xf32, #tpu.memory_space<vmem>>, vector<1x16xf32>,
        %swap3A_613 = vector.shape_cast %swap3A_612 : vector<1x16xf32> to vector<16xf32>
        %swap3A_614 = vector.shape_cast %get3A_609 : vector<16xf32> to vector<1x16xf32>
        tpu.vector_store %arg10[%swap3A_610, %swap3A_611], %swap3A_614 {strides = array<i32>} : memref<128x64xf32, #tpu.memory_space<vmem>>, vector<1x16xf32>,
        %add3A_615 = arith.constant 16 : i32
        %add3A_616 = arith.addi %squeeze3A_603, %add3A_615 : i32
        %get3A_617 = arith.index_cast %add3A_601 : i32 to index
        %get3A_618 = arith.index_cast %add3A_616 : i32 to index
        %get3A_619 = tpu.vector_load %arg8[%get3A_617, %get3A_618] {strides = array<i32>} : memref<128x128xf32, #tpu.memory_space<vmem>>, vector<1x16xf32>,
        %get3A_620 = vector.shape_cast %get3A_619 : vector<1x16xf32> to vector<16xf32>
        %swap3A_621 = arith.index_cast %add3A_601 : i32 to index
        %swap3A_622 = arith.constant 16 : index
        %swap3A_623 = tpu.vector_load %arg10[%swap3A_621, %swap3A_622] {strides = array<i32>} : memref<128x64xf32, #tpu.memory_space<vmem>>, vector<1x16xf32>,
        %swap3A_624 = vector.shape_cast %swap3A_623 : vector<1x16xf32> to vector<16xf32>
        %swap3A_625 = vector.shape_cast %get3A_620 : vector<16xf32> to vector<1x16xf32>
        tpu.vector_store %arg10[%swap3A_621, %swap3A_622], %swap3A_625 {strides = array<i32>} : memref<128x64xf32, #tpu.memory_space<vmem>>, vector<1x16xf32>,
        %add3A_626 = arith.constant 32 : i32
        %add3A_627 = arith.addi %squeeze3A_603, %add3A_626 : i32
        %get3A_628 = arith.index_cast %add3A_601 : i32 to index
        %get3A_629 = arith.index_cast %add3A_627 : i32 to index
        %get3A_630 = tpu.vector_load %arg8[%get3A_628, %get3A_629] {strides = array<i32>} : memref<128x128xf32, #tpu.memory_space<vmem>>, vector<1x16xf32>,
        %get3A_631 = vector.shape_cast %get3A_630 : vector<1x16xf32> to vector<16xf32>
        %swap3A_632 = arith.index_cast %add3A_601 : i32 to index
        %swap3A_633 = arith.constant 32 : index
        %swap3A_634 = tpu.vector_load %arg10[%swap3A_632, %swap3A_633] {strides = array<i32>} : memref<128x64xf32, #tpu.memory_space<vmem>>, vector<1x16xf32>,
        %swap3A_635 = vector.shape_cast %swap3A_634 : vector<1x16xf32> to vector<16xf32>
        %swap3A_636 = vector.shape_cast %get3A_631 : vector<16xf32> to vector<1x16xf32>
        tpu.vector_store %arg10[%swap3A_632, %swap3A_633], %swap3A_636 {strides = array<i32>} : memref<128x64xf32, #tpu.memory_space<vmem>>, vector<1x16xf32>,
        %add3A_637 = arith.constant 48 : i32
        %add3A_638 = arith.addi %squeeze3A_603, %add3A_637 : i32
        %get3A_639 = arith.index_cast %add3A_601 : i32 to index
        %get3A_640 = arith.index_cast %add3A_638 : i32 to index
        %get3A_641 = tpu.vector_load %arg8[%get3A_639, %get3A_640] {strides = array<i32>} : memref<128x128xf32, #tpu.memory_space<vmem>>, vector<1x16xf32>,
        %get3A_642 = vector.shape_cast %get3A_641 : vector<1x16xf32> to vector<16xf32>
        %swap3A_643 = arith.index_cast %add3A_601 : i32 to index
        %swap3A_644 = arith.constant 48 : index
        %swap3A_645 = tpu.vector_load %arg10[%swap3A_643, %swap3A_644] {strides = array<i32>} : memref<128x64xf32, #tpu.memory_space<vmem>>, vector<1x16xf32>,
        %swap3A_646 = vector.shape_cast %swap3A_645 : vector<1x16xf32> to vector<16xf32>
        %swap3A_647 = vector.shape_cast %get3A_642 : vector<16xf32> to vector<1x16xf32>
        tpu.vector_store %arg10[%swap3A_643, %swap3A_644], %swap3A_647 {strides = array<i32>} : memref<128x64xf32, #tpu.memory_space<vmem>>, vector<1x16xf32>,
        %mul3A_648 = arith.constant 16 : i32
        %mul3A_649 = arith.muli %add3A_90, %mul3A_648 : i32
        %add3A_650 = arith.constant 11 : i32
        %add3A_651 = arith.addi %mul3A_649, %add3A_650 : i32
        %slice3A_652 = vector.extract_strided_slice %mul3A_100 {offsets = [11], sizes = [1], strides = [1]} : vector<16xi32> to vector<1xi32>
        %squeeze3A_653 = vector.extract %slice3A_652[0] : i32 from vector<1xi32>
        %add3A_654 = arith.constant 0 : i32
        %add3A_655 = arith.addi %squeeze3A_653, %add3A_654 : i32
        %get3A_656 = arith.index_cast %add3A_651 : i32 to index
        %get3A_657 = arith.index_cast %add3A_655 : i32 to index
        %get3A_658 = tpu.vector_load %arg8[%get3A_656, %get3A_657] {strides = array<i32>} : memref<128x128xf32, #tpu.memory_space<vmem>>, vector<1x16xf32>,
        %get3A_659 = vector.shape_cast %get3A_658 : vector<1x16xf32> to vector<16xf32>
        %swap3A_660 = arith.index_cast %add3A_651 : i32 to index
        %swap3A_661 = arith.constant 0 : index
        %swap3A_662 = tpu.vector_load %arg10[%swap3A_660, %swap3A_661] {strides = array<i32>} : memref<128x64xf32, #tpu.memory_space<vmem>>, vector<1x16xf32>,
        %swap3A_663 = vector.shape_cast %swap3A_662 : vector<1x16xf32> to vector<16xf32>
        %swap3A_664 = vector.shape_cast %get3A_659 : vector<16xf32> to vector<1x16xf32>
        tpu.vector_store %arg10[%swap3A_660, %swap3A_661], %swap3A_664 {strides = array<i32>} : memref<128x64xf32, #tpu.memory_space<vmem>>, vector<1x16xf32>,
        %add3A_665 = arith.constant 16 : i32
        %add3A_666 = arith.addi %squeeze3A_653, %add3A_665 : i32
        %get3A_667 = arith.index_cast %add3A_651 : i32 to index
        %get3A_668 = arith.index_cast %add3A_666 : i32 to index
        %get3A_669 = tpu.vector_load %arg8[%get3A_667, %get3A_668] {strides = array<i32>} : memref<128x128xf32, #tpu.memory_space<vmem>>, vector<1x16xf32>,
        %get3A_670 = vector.shape_cast %get3A_669 : vector<1x16xf32> to vector<16xf32>
        %swap3A_671 = arith.index_cast %add3A_651 : i32 to index
        %swap3A_672 = arith.constant 16 : index
        %swap3A_673 = tpu.vector_load %arg10[%swap3A_671, %swap3A_672] {strides = array<i32>} : memref<128x64xf32, #tpu.memory_space<vmem>>, vector<1x16xf32>,
        %swap3A_674 = vector.shape_cast %swap3A_673 : vector<1x16xf32> to vector<16xf32>
        %swap3A_675 = vector.shape_cast %get3A_670 : vector<16xf32> to vector<1x16xf32>
        tpu.vector_store %arg10[%swap3A_671, %swap3A_672], %swap3A_675 {strides = array<i32>} : memref<128x64xf32, #tpu.memory_space<vmem>>, vector<1x16xf32>,
        %add3A_676 = arith.constant 32 : i32
        %add3A_677 = arith.addi %squeeze3A_653, %add3A_676 : i32
        %get3A_678 = arith.index_cast %add3A_651 : i32 to index
        %get3A_679 = arith.index_cast %add3A_677 : i32 to index
        %get3A_680 = tpu.vector_load %arg8[%get3A_678, %get3A_679] {strides = array<i32>} : memref<128x128xf32, #tpu.memory_space<vmem>>, vector<1x16xf32>,
        %get3A_681 = vector.shape_cast %get3A_680 : vector<1x16xf32> to vector<16xf32>
        %swap3A_682 = arith.index_cast %add3A_651 : i32 to index
        %swap3A_683 = arith.constant 32 : index
        %swap3A_684 = tpu.vector_load %arg10[%swap3A_682, %swap3A_683] {strides = array<i32>} : memref<128x64xf32, #tpu.memory_space<vmem>>, vector<1x16xf32>,
        %swap3A_685 = vector.shape_cast %swap3A_684 : vector<1x16xf32> to vector<16xf32>
        %swap3A_686 = vector.shape_cast %get3A_681 : vector<16xf32> to vector<1x16xf32>
        tpu.vector_store %arg10[%swap3A_682, %swap3A_683], %swap3A_686 {strides = array<i32>} : memref<128x64xf32, #tpu.memory_space<vmem>>, vector<1x16xf32>,
        %add3A_687 = arith.constant 48 : i32
        %add3A_688 = arith.addi %squeeze3A_653, %add3A_687 : i32
        %get3A_689 = arith.index_cast %add3A_651 : i32 to index
        %get3A_690 = arith.index_cast %add3A_688 : i32 to index
        %get3A_691 = tpu.vector_load %arg8[%get3A_689, %get3A_690] {strides = array<i32>} : memref<128x128xf32, #tpu.memory_space<vmem>>, vector<1x16xf32>,
        %get3A_692 = vector.shape_cast %get3A_691 : vector<1x16xf32> to vector<16xf32>
        %swap3A_693 = arith.index_cast %add3A_651 : i32 to index
        %swap3A_694 = arith.constant 48 : index
        %swap3A_695 = tpu.vector_load %arg10[%swap3A_693, %swap3A_694] {strides = array<i32>} : memref<128x64xf32, #tpu.memory_space<vmem>>, vector<1x16xf32>,
        %swap3A_696 = vector.shape_cast %swap3A_695 : vector<1x16xf32> to vector<16xf32>
        %swap3A_697 = vector.shape_cast %get3A_692 : vector<16xf32> to vector<1x16xf32>
        tpu.vector_store %arg10[%swap3A_693, %swap3A_694], %swap3A_697 {strides = array<i32>} : memref<128x64xf32, #tpu.memory_space<vmem>>, vector<1x16xf32>,
        %mul3A_698 = arith.constant 16 : i32
        %mul3A_699 = arith.muli %add3A_90, %mul3A_698 : i32
        %add3A_700 = arith.constant 12 : i32
        %add3A_701 = arith.addi %mul3A_699, %add3A_700 : i32
        %slice3A_702 = vector.extract_strided_slice %mul3A_100 {offsets = [12], sizes = [1], strides = [1]} : vector<16xi32> to vector<1xi32>
        %squeeze3A_703 = vector.extract %slice3A_702[0] : i32 from vector<1xi32>
        %add3A_704 = arith.constant 0 : i32
        %add3A_705 = arith.addi %squeeze3A_703, %add3A_704 : i32
        %get3A_706 = arith.index_cast %add3A_701 : i32 to index
        %get3A_707 = arith.index_cast %add3A_705 : i32 to index
        %get3A_708 = tpu.vector_load %arg8[%get3A_706, %get3A_707] {strides = array<i32>} : memref<128x128xf32, #tpu.memory_space<vmem>>, vector<1x16xf32>,
        %get3A_709 = vector.shape_cast %get3A_708 : vector<1x16xf32> to vector<16xf32>
        %swap3A_710 = arith.index_cast %add3A_701 : i32 to index
        %swap3A_711 = arith.constant 0 : index
        %swap3A_712 = tpu.vector_load %arg10[%swap3A_710, %swap3A_711] {strides = array<i32>} : memref<128x64xf32, #tpu.memory_space<vmem>>, vector<1x16xf32>,
        %swap3A_713 = vector.shape_cast %swap3A_712 : vector<1x16xf32> to vector<16xf32>
        %swap3A_714 = vector.shape_cast %get3A_709 : vector<16xf32> to vector<1x16xf32>
        tpu.vector_store %arg10[%swap3A_710, %swap3A_711], %swap3A_714 {strides = array<i32>} : memref<128x64xf32, #tpu.memory_space<vmem>>, vector<1x16xf32>,
        %add3A_715 = arith.constant 16 : i32
        %add3A_716 = arith.addi %squeeze3A_703, %add3A_715 : i32
        %get3A_717 = arith.index_cast %add3A_701 : i32 to index
        %get3A_718 = arith.index_cast %add3A_716 : i32 to index
        %get3A_719 = tpu.vector_load %arg8[%get3A_717, %get3A_718] {strides = array<i32>} : memref<128x128xf32, #tpu.memory_space<vmem>>, vector<1x16xf32>,
        %get3A_720 = vector.shape_cast %get3A_719 : vector<1x16xf32> to vector<16xf32>
        %swap3A_721 = arith.index_cast %add3A_701 : i32 to index
        %swap3A_722 = arith.constant 16 : index
        %swap3A_723 = tpu.vector_load %arg10[%swap3A_721, %swap3A_722] {strides = array<i32>} : memref<128x64xf32, #tpu.memory_space<vmem>>, vector<1x16xf32>,
        %swap3A_724 = vector.shape_cast %swap3A_723 : vector<1x16xf32> to vector<16xf32>
        %swap3A_725 = vector.shape_cast %get3A_720 : vector<16xf32> to vector<1x16xf32>
        tpu.vector_store %arg10[%swap3A_721, %swap3A_722], %swap3A_725 {strides = array<i32>} : memref<128x64xf32, #tpu.memory_space<vmem>>, vector<1x16xf32>,
        %add3A_726 = arith.constant 32 : i32
        %add3A_727 = arith.addi %squeeze3A_703, %add3A_726 : i32
        %get3A_728 = arith.index_cast %add3A_701 : i32 to index
        %get3A_729 = arith.index_cast %add3A_727 : i32 to index
        %get3A_730 = tpu.vector_load %arg8[%get3A_728, %get3A_729] {strides = array<i32>} : memref<128x128xf32, #tpu.memory_space<vmem>>, vector<1x16xf32>,
        %get3A_731 = vector.shape_cast %get3A_730 : vector<1x16xf32> to vector<16xf32>
        %swap3A_732 = arith.index_cast %add3A_701 : i32 to index
        %swap3A_733 = arith.constant 32 : index
        %swap3A_734 = tpu.vector_load %arg10[%swap3A_732, %swap3A_733] {strides = array<i32>} : memref<128x64xf32, #tpu.memory_space<vmem>>, vector<1x16xf32>,
        %swap3A_735 = vector.shape_cast %swap3A_734 : vector<1x16xf32> to vector<16xf32>
        %swap3A_736 = vector.shape_cast %get3A_731 : vector<16xf32> to vector<1x16xf32>
        tpu.vector_store %arg10[%swap3A_732, %swap3A_733], %swap3A_736 {strides = array<i32>} : memref<128x64xf32, #tpu.memory_space<vmem>>, vector<1x16xf32>,
        %add3A_737 = arith.constant 48 : i32
        %add3A_738 = arith.addi %squeeze3A_703, %add3A_737 : i32
        %get3A_739 = arith.index_cast %add3A_701 : i32 to index
        %get3A_740 = arith.index_cast %add3A_738 : i32 to index
        %get3A_741 = tpu.vector_load %arg8[%get3A_739, %get3A_740] {strides = array<i32>} : memref<128x128xf32, #tpu.memory_space<vmem>>, vector<1x16xf32>,
        %get3A_742 = vector.shape_cast %get3A_741 : vector<1x16xf32> to vector<16xf32>
        %swap3A_743 = arith.index_cast %add3A_701 : i32 to index
        %swap3A_744 = arith.constant 48 : index
        %swap3A_745 = tpu.vector_load %arg10[%swap3A_743, %swap3A_744] {strides = array<i32>} : memref<128x64xf32, #tpu.memory_space<vmem>>, vector<1x16xf32>,
        %swap3A_746 = vector.shape_cast %swap3A_745 : vector<1x16xf32> to vector<16xf32>
        %swap3A_747 = vector.shape_cast %get3A_742 : vector<16xf32> to vector<1x16xf32>
        tpu.vector_store %arg10[%swap3A_743, %swap3A_744], %swap3A_747 {strides = array<i32>} : memref<128x64xf32, #tpu.memory_space<vmem>>, vector<1x16xf32>,
        %mul3A_748 = arith.constant 16 : i32
        %mul3A_749 = arith.muli %add3A_90, %mul3A_748 : i32
        %add3A_750 = arith.constant 13 : i32
        %add3A_751 = arith.addi %mul3A_749, %add3A_750 : i32
        %slice3A_752 = vector.extract_strided_slice %mul3A_100 {offsets = [13], sizes = [1], strides = [1]} : vector<16xi32> to vector<1xi32>
        %squeeze3A_753 = vector.extract %slice3A_752[0] : i32 from vector<1xi32>
        %add3A_754 = arith.constant 0 : i32
        %add3A_755 = arith.addi %squeeze3A_753, %add3A_754 : i32
        %get3A_756 = arith.index_cast %add3A_751 : i32 to index
        %get3A_757 = arith.index_cast %add3A_755 : i32 to index
        %get3A_758 = tpu.vector_load %arg8[%get3A_756, %get3A_757] {strides = array<i32>} : memref<128x128xf32, #tpu.memory_space<vmem>>, vector<1x16xf32>,
        %get3A_759 = vector.shape_cast %get3A_758 : vector<1x16xf32> to vector<16xf32>
        %swap3A_760 = arith.index_cast %add3A_751 : i32 to index
        %swap3A_761 = arith.constant 0 : index
        %swap3A_762 = tpu.vector_load %arg10[%swap3A_760, %swap3A_761] {strides = array<i32>} : memref<128x64xf32, #tpu.memory_space<vmem>>, vector<1x16xf32>,
        %swap3A_763 = vector.shape_cast %swap3A_762 : vector<1x16xf32> to vector<16xf32>
        %swap3A_764 = vector.shape_cast %get3A_759 : vector<16xf32> to vector<1x16xf32>
        tpu.vector_store %arg10[%swap3A_760, %swap3A_761], %swap3A_764 {strides = array<i32>} : memref<128x64xf32, #tpu.memory_space<vmem>>, vector<1x16xf32>,
        %add3A_765 = arith.constant 16 : i32
        %add3A_766 = arith.addi %squeeze3A_753, %add3A_765 : i32
        %get3A_767 = arith.index_cast %add3A_751 : i32 to index
        %get3A_768 = arith.index_cast %add3A_766 : i32 to index
        %get3A_769 = tpu.vector_load %arg8[%get3A_767, %get3A_768] {strides = array<i32>} : memref<128x128xf32, #tpu.memory_space<vmem>>, vector<1x16xf32>,
        %get3A_770 = vector.shape_cast %get3A_769 : vector<1x16xf32> to vector<16xf32>
        %swap3A_771 = arith.index_cast %add3A_751 : i32 to index
        %swap3A_772 = arith.constant 16 : index
        %swap3A_773 = tpu.vector_load %arg10[%swap3A_771, %swap3A_772] {strides = array<i32>} : memref<128x64xf32, #tpu.memory_space<vmem>>, vector<1x16xf32>,
        %swap3A_774 = vector.shape_cast %swap3A_773 : vector<1x16xf32> to vector<16xf32>
        %swap3A_775 = vector.shape_cast %get3A_770 : vector<16xf32> to vector<1x16xf32>
        tpu.vector_store %arg10[%swap3A_771, %swap3A_772], %swap3A_775 {strides = array<i32>} : memref<128x64xf32, #tpu.memory_space<vmem>>, vector<1x16xf32>,
        %add3A_776 = arith.constant 32 : i32
        %add3A_777 = arith.addi %squeeze3A_753, %add3A_776 : i32
        %get3A_778 = arith.index_cast %add3A_751 : i32 to index
        %get3A_779 = arith.index_cast %add3A_777 : i32 to index
        %get3A_780 = tpu.vector_load %arg8[%get3A_778, %get3A_779] {strides = array<i32>} : memref<128x128xf32, #tpu.memory_space<vmem>>, vector<1x16xf32>,
        %get3A_781 = vector.shape_cast %get3A_780 : vector<1x16xf32> to vector<16xf32>
        %swap3A_782 = arith.index_cast %add3A_751 : i32 to index
        %swap3A_783 = arith.constant 32 : index
        %swap3A_784 = tpu.vector_load %arg10[%swap3A_782, %swap3A_783] {strides = array<i32>} : memref<128x64xf32, #tpu.memory_space<vmem>>, vector<1x16xf32>,
        %swap3A_785 = vector.shape_cast %swap3A_784 : vector<1x16xf32> to vector<16xf32>
        %swap3A_786 = vector.shape_cast %get3A_781 : vector<16xf32> to vector<1x16xf32>
        tpu.vector_store %arg10[%swap3A_782, %swap3A_783], %swap3A_786 {strides = array<i32>} : memref<128x64xf32, #tpu.memory_space<vmem>>, vector<1x16xf32>,
        %add3A_787 = arith.constant 48 : i32
        %add3A_788 = arith.addi %squeeze3A_753, %add3A_787 : i32
        %get3A_789 = arith.index_cast %add3A_751 : i32 to index
        %get3A_790 = arith.index_cast %add3A_788 : i32 to index
        %get3A_791 = tpu.vector_load %arg8[%get3A_789, %get3A_790] {strides = array<i32>} : memref<128x128xf32, #tpu.memory_space<vmem>>, vector<1x16xf32>,
        %get3A_792 = vector.shape_cast %get3A_791 : vector<1x16xf32> to vector<16xf32>
        %swap3A_793 = arith.index_cast %add3A_751 : i32 to index
        %swap3A_794 = arith.constant 48 : index
        %swap3A_795 = tpu.vector_load %arg10[%swap3A_793, %swap3A_794] {strides = array<i32>} : memref<128x64xf32, #tpu.memory_space<vmem>>, vector<1x16xf32>,
        %swap3A_796 = vector.shape_cast %swap3A_795 : vector<1x16xf32> to vector<16xf32>
        %swap3A_797 = vector.shape_cast %get3A_792 : vector<16xf32> to vector<1x16xf32>
        tpu.vector_store %arg10[%swap3A_793, %swap3A_794], %swap3A_797 {strides = array<i32>} : memref<128x64xf32, #tpu.memory_space<vmem>>, vector<1x16xf32>,
        %mul3A_798 = arith.constant 16 : i32
        %mul3A_799 = arith.muli %add3A_90, %mul3A_798 : i32
        %add3A_800 = arith.constant 14 : i32
        %add3A_801 = arith.addi %mul3A_799, %add3A_800 : i32
        %slice3A_802 = vector.extract_strided_slice %mul3A_100 {offsets = [14], sizes = [1], strides = [1]} : vector<16xi32> to vector<1xi32>
        %squeeze3A_803 = vector.extract %slice3A_802[0] : i32 from vector<1xi32>
        %add3A_804 = arith.constant 0 : i32
        %add3A_805 = arith.addi %squeeze3A_803, %add3A_804 : i32
        %get3A_806 = arith.index_cast %add3A_801 : i32 to index
        %get3A_807 = arith.index_cast %add3A_805 : i32 to index
        %get3A_808 = tpu.vector_load %arg8[%get3A_806, %get3A_807] {strides = array<i32>} : memref<128x128xf32, #tpu.memory_space<vmem>>, vector<1x16xf32>,
        %get3A_809 = vector.shape_cast %get3A_808 : vector<1x16xf32> to vector<16xf32>
        %swap3A_810 = arith.index_cast %add3A_801 : i32 to index
        %swap3A_811 = arith.constant 0 : index
        %swap3A_812 = tpu.vector_load %arg10[%swap3A_810, %swap3A_811] {strides = array<i32>} : memref<128x64xf32, #tpu.memory_space<vmem>>, vector<1x16xf32>,
        %swap3A_813 = vector.shape_cast %swap3A_812 : vector<1x16xf32> to vector<16xf32>
        %swap3A_814 = vector.shape_cast %get3A_809 : vector<16xf32> to vector<1x16xf32>
        tpu.vector_store %arg10[%swap3A_810, %swap3A_811], %swap3A_814 {strides = array<i32>} : memref<128x64xf32, #tpu.memory_space<vmem>>, vector<1x16xf32>,
        %add3A_815 = arith.constant 16 : i32
        %add3A_816 = arith.addi %squeeze3A_803, %add3A_815 : i32
        %get3A_817 = arith.index_cast %add3A_801 : i32 to index
        %get3A_818 = arith.index_cast %add3A_816 : i32 to index
        %get3A_819 = tpu.vector_load %arg8[%get3A_817, %get3A_818] {strides = array<i32>} : memref<128x128xf32, #tpu.memory_space<vmem>>, vector<1x16xf32>,
        %get3A_820 = vector.shape_cast %get3A_819 : vector<1x16xf32> to vector<16xf32>
        %swap3A_821 = arith.index_cast %add3A_801 : i32 to index
        %swap3A_822 = arith.constant 16 : index
        %swap3A_823 = tpu.vector_load %arg10[%swap3A_821, %swap3A_822] {strides = array<i32>} : memref<128x64xf32, #tpu.memory_space<vmem>>, vector<1x16xf32>,
        %swap3A_824 = vector.shape_cast %swap3A_823 : vector<1x16xf32> to vector<16xf32>
        %swap3A_825 = vector.shape_cast %get3A_820 : vector<16xf32> to vector<1x16xf32>
        tpu.vector_store %arg10[%swap3A_821, %swap3A_822], %swap3A_825 {strides = array<i32>} : memref<128x64xf32, #tpu.memory_space<vmem>>, vector<1x16xf32>,
        %add3A_826 = arith.constant 32 : i32
        %add3A_827 = arith.addi %squeeze3A_803, %add3A_826 : i32
        %get3A_828 = arith.index_cast %add3A_801 : i32 to index
        %get3A_829 = arith.index_cast %add3A_827 : i32 to index
        %get3A_830 = tpu.vector_load %arg8[%get3A_828, %get3A_829] {strides = array<i32>} : memref<128x128xf32, #tpu.memory_space<vmem>>, vector<1x16xf32>,
        %get3A_831 = vector.shape_cast %get3A_830 : vector<1x16xf32> to vector<16xf32>
        %swap3A_832 = arith.index_cast %add3A_801 : i32 to index
        %swap3A_833 = arith.constant 32 : index
        %swap3A_834 = tpu.vector_load %arg10[%swap3A_832, %swap3A_833] {strides = array<i32>} : memref<128x64xf32, #tpu.memory_space<vmem>>, vector<1x16xf32>,
        %swap3A_835 = vector.shape_cast %swap3A_834 : vector<1x16xf32> to vector<16xf32>
        %swap3A_836 = vector.shape_cast %get3A_831 : vector<16xf32> to vector<1x16xf32>
        tpu.vector_store %arg10[%swap3A_832, %swap3A_833], %swap3A_836 {strides = array<i32>} : memref<128x64xf32, #tpu.memory_space<vmem>>, vector<1x16xf32>,
        %add3A_837 = arith.constant 48 : i32
        %add3A_838 = arith.addi %squeeze3A_803, %add3A_837 : i32
        %get3A_839 = arith.index_cast %add3A_801 : i32 to index
        %get3A_840 = arith.index_cast %add3A_838 : i32 to index
        %get3A_841 = tpu.vector_load %arg8[%get3A_839, %get3A_840] {strides = array<i32>} : memref<128x128xf32, #tpu.memory_space<vmem>>, vector<1x16xf32>,
        %get3A_842 = vector.shape_cast %get3A_841 : vector<1x16xf32> to vector<16xf32>
        %swap3A_843 = arith.index_cast %add3A_801 : i32 to index
        %swap3A_844 = arith.constant 48 : index
        %swap3A_845 = tpu.vector_load %arg10[%swap3A_843, %swap3A_844] {strides = array<i32>} : memref<128x64xf32, #tpu.memory_space<vmem>>, vector<1x16xf32>,
        %swap3A_846 = vector.shape_cast %swap3A_845 : vector<1x16xf32> to vector<16xf32>
        %swap3A_847 = vector.shape_cast %get3A_842 : vector<16xf32> to vector<1x16xf32>
        tpu.vector_store %arg10[%swap3A_843, %swap3A_844], %swap3A_847 {strides = array<i32>} : memref<128x64xf32, #tpu.memory_space<vmem>>, vector<1x16xf32>,
        %mul3A_848 = arith.constant 16 : i32
        %mul3A_849 = arith.muli %add3A_90, %mul3A_848 : i32
        %add3A_850 = arith.constant 15 : i32
        %add3A_851 = arith.addi %mul3A_849, %add3A_850 : i32
        %slice3A_852 = vector.extract_strided_slice %mul3A_100 {offsets = [15], sizes = [1], strides = [1]} : vector<16xi32> to vector<1xi32>
        %squeeze3A_853 = vector.extract %slice3A_852[0] : i32 from vector<1xi32>
        %add3A_854 = arith.constant 0 : i32
        %add3A_855 = arith.addi %squeeze3A_853, %add3A_854 : i32
        %get3A_856 = arith.index_cast %add3A_851 : i32 to index
        %get3A_857 = arith.index_cast %add3A_855 : i32 to index
        %get3A_858 = tpu.vector_load %arg8[%get3A_856, %get3A_857] {strides = array<i32>} : memref<128x128xf32, #tpu.memory_space<vmem>>, vector<1x16xf32>,
        %get3A_859 = vector.shape_cast %get3A_858 : vector<1x16xf32> to vector<16xf32>
        %swap3A_860 = arith.index_cast %add3A_851 : i32 to index
        %swap3A_861 = arith.constant 0 : index
        %swap3A_862 = tpu.vector_load %arg10[%swap3A_860, %swap3A_861] {strides = array<i32>} : memref<128x64xf32, #tpu.memory_space<vmem>>, vector<1x16xf32>,
        %swap3A_863 = vector.shape_cast %swap3A_862 : vector<1x16xf32> to vector<16xf32>
        %swap3A_864 = vector.shape_cast %get3A_859 : vector<16xf32> to vector<1x16xf32>
        tpu.vector_store %arg10[%swap3A_860, %swap3A_861], %swap3A_864 {strides = array<i32>} : memref<128x64xf32, #tpu.memory_space<vmem>>, vector<1x16xf32>,
        %add3A_865 = arith.constant 16 : i32
        %add3A_866 = arith.addi %squeeze3A_853, %add3A_865 : i32
        %get3A_867 = arith.index_cast %add3A_851 : i32 to index
        %get3A_868 = arith.index_cast %add3A_866 : i32 to index
        %get3A_869 = tpu.vector_load %arg8[%get3A_867, %get3A_868] {strides = array<i32>} : memref<128x128xf32, #tpu.memory_space<vmem>>, vector<1x16xf32>,
        %get3A_870 = vector.shape_cast %get3A_869 : vector<1x16xf32> to vector<16xf32>
        %swap3A_871 = arith.index_cast %add3A_851 : i32 to index
        %swap3A_872 = arith.constant 16 : index
        %swap3A_873 = tpu.vector_load %arg10[%swap3A_871, %swap3A_872] {strides = array<i32>} : memref<128x64xf32, #tpu.memory_space<vmem>>, vector<1x16xf32>,
        %swap3A_874 = vector.shape_cast %swap3A_873 : vector<1x16xf32> to vector<16xf32>
        %swap3A_875 = vector.shape_cast %get3A_870 : vector<16xf32> to vector<1x16xf32>
        tpu.vector_store %arg10[%swap3A_871, %swap3A_872], %swap3A_875 {strides = array<i32>} : memref<128x64xf32, #tpu.memory_space<vmem>>, vector<1x16xf32>,
        %add3A_876 = arith.constant 32 : i32
        %add3A_877 = arith.addi %squeeze3A_853, %add3A_876 : i32
        %get3A_878 = arith.index_cast %add3A_851 : i32 to index
        %get3A_879 = arith.index_cast %add3A_877 : i32 to index
        %get3A_880 = tpu.vector_load %arg8[%get3A_878, %get3A_879] {strides = array<i32>} : memref<128x128xf32, #tpu.memory_space<vmem>>, vector<1x16xf32>,
        %get3A_881 = vector.shape_cast %get3A_880 : vector<1x16xf32> to vector<16xf32>
        %swap3A_882 = arith.index_cast %add3A_851 : i32 to index
        %swap3A_883 = arith.constant 32 : index
        %swap3A_884 = tpu.vector_load %arg10[%swap3A_882, %swap3A_883] {strides = array<i32>} : memref<128x64xf32, #tpu.memory_space<vmem>>, vector<1x16xf32>,
        %swap3A_885 = vector.shape_cast %swap3A_884 : vector<1x16xf32> to vector<16xf32>
        %swap3A_886 = vector.shape_cast %get3A_881 : vector<16xf32> to vector<1x16xf32>
        tpu.vector_store %arg10[%swap3A_882, %swap3A_883], %swap3A_886 {strides = array<i32>} : memref<128x64xf32, #tpu.memory_space<vmem>>, vector<1x16xf32>,
        %add3A_887 = arith.constant 48 : i32
        %add3A_888 = arith.addi %squeeze3A_853, %add3A_887 : i32
        %get3A_889 = arith.index_cast %add3A_851 : i32 to index
        %get3A_890 = arith.index_cast %add3A_888 : i32 to index
        %get3A_891 = tpu.vector_load %arg8[%get3A_889, %get3A_890] {strides = array<i32>} : memref<128x128xf32, #tpu.memory_space<vmem>>, vector<1x16xf32>,
        %get3A_892 = vector.shape_cast %get3A_891 : vector<1x16xf32> to vector<16xf32>
        %swap3A_893 = arith.index_cast %add3A_851 : i32 to index
        %swap3A_894 = arith.constant 48 : index
        %swap3A_895 = tpu.vector_load %arg10[%swap3A_893, %swap3A_894] {strides = array<i32>} : memref<128x64xf32, #tpu.memory_space<vmem>>, vector<1x16xf32>,
        %swap3A_896 = vector.shape_cast %swap3A_895 : vector<1x16xf32> to vector<16xf32>
        %swap3A_897 = vector.shape_cast %get3A_892 : vector<16xf32> to vector<1x16xf32>
        tpu.vector_store %arg10[%swap3A_893, %swap3A_894], %swap3A_897 {strides = array<i32>} : memref<128x64xf32, #tpu.memory_space<vmem>>, vector<1x16xf32>,
      }
      %scan3A_46 = arith.constant 8 : i32
      %mul3A_47 = arith.constant 128 : i32
      %mul3A_48 = arith.muli %add3A_27, %mul3A_47 : i32
      %add3A_49 = arith.addi %mul3A_2, %mul3A_48 : i32
      %dma_start3A_50 = arith.constant 0 : i32
      %dma_start3A_51 = tpu.memref_slice %arg4[%add3A_49, %dma_start3A_50] : memref<819200x64xf32, #tpu.memory_space<hbm>> -> memref<128x64xf32, #tpu.memory_space<hbm>>
      %dma_start3A_52 = arith.constant 0 : i32
      %dma_start3A_53 = tpu.memref_slice %arg4[%add3A_49, %dma_start3A_52] : memref<819200x64xf32, #tpu.memory_space<hbm>> -> memref<128x64xf32, #tpu.memory_space<hbm>>
      tpu.enqueue_dma source(%arg10 : memref<128x64xf32, #tpu.memory_space<vmem>>) target(%dma_start3A_53 : memref<128x64xf32, #tpu.memory_space<hbm>>) target_semaphore(%arg14 : memref<!tpu.dma_semaphore, #tpu.memory_space<semaphore_mem>>)
      %add3A_54 = arith.constant 1 : i32
      %add3A_55 = arith.addi %add3A_25, %add3A_54 : i32
      %add3A_56 = arith.constant 1 : i32
      %add3A_57 = arith.addi %add3A_55, %add3A_56 : i32
      %lt3A_58 = arith.constant 200 : i32
      %lt3A_59 = arith.cmpi slt, %add3A_57, %lt3A_58 : i32
      %convert_element_type3A_60 = arith.extui %lt3A_59 : i1 to i32
      %cond3A_61 = arith.constant 0 : i32
      %cond3A_62 = arith.cmpi ne, %convert_element_type3A_60, %cond3A_61 : i32
      scf.if %cond3A_62 {
        %add3A_86 = arith.constant 1 : i32
        %add3A_87 = arith.addi %add3A_55, %add3A_86 : i32
        %scan3A_88 = arith.constant 0 : i32
        %scan3A_89 = arith.constant 8 : i32
        %scan3A_90 = arith.addi %scan3A_88, %scan3A_89 : i32
        %scan3A_91 = arith.constant 1 : i32
        scf.for %scan3A_96 = %scan3A_88 to %scan3A_90 step %scan3A_91  : i32 {
          %mul3A_97 = arith.constant 1 : i32
          %mul3A_98 = arith.muli %scan3A_96, %mul3A_97 : i32
          %add3A_99 = arith.constant 0 : i32
          %add3A_100 = arith.addi %add3A_99, %mul3A_98 : i32
          %mul3A_101 = arith.constant 16 : i32
          %mul3A_102 = arith.muli %add3A_100, %mul3A_101 : i32
          %get3A = arith.index_cast %add3A_87 : i32 to index
          %get3A_103 = arith.index_cast %mul3A_102 : i32 to index
          %get3A_104 = tpu.vector_load %arg5[%get3A, %get3A_103] {strides = array<i32>} : memref<200x128xi32, #tpu.memory_space<vmem>>, vector<1x16xi32>,
          %get3A_105 = vector.shape_cast %get3A_104 : vector<1x16xi32> to vector<16xi32>
          %shift_right_arithmetic3A = arith.constant 1 : i32
          %shift_right_arithmetic3A_106 = vector.broadcast %shift_right_arithmetic3A : i32 to vector<16xi32>
          %shift_right_arithmetic3A_107 = arith.shrsi %get3A_105, %shift_right_arithmetic3A_106 : vector<16xi32>
          %mul3A_108 = arith.constant 16 : i32
          %mul3A_109 = arith.muli %add3A_100, %mul3A_108 : i32
          %swap3A = arith.index_cast %mul3A_109 : i32 to index
          %swap3A_110 = tpu.vector_load %arg6[%swap3A] {strides = array<i32>} : memref<128xi32, #tpu.memory_space<vmem>>, vector<16xi32>,
          %swap3A_111 = vector.shape_cast %swap3A_110 : vector<16xi32> to vector<16xi32>
          %swap3A_112 = vector.shape_cast %shift_right_arithmetic3A_107 : vector<16xi32> to vector<16xi32>
          tpu.vector_store %arg6[%swap3A], %swap3A_112 {strides = array<i32>} : memref<128xi32, #tpu.memory_space<vmem>>, vector<16xi32>,
        }
        %scan3A_92 = arith.constant 8 : i32
        %dma_start3A_93 = arith.constant 0 : i32
        %dma_start3A_94 = arith.constant 0 : i32
        %dma_start3A_95 = tpu.memref_slice %arg2[%dma_start3A_93, %dma_start3A_94] : memref<500000x128xf32, #tpu.memory_space<hbm>> -> memref<500000x128xf32, #tpu.memory_space<hbm>>
        tpu.enqueue_indirect_dma source(%dma_start3A_95 : memref<500000x128xf32, #tpu.memory_space<hbm>>) target(%arg8 : memref<128x128xf32, #tpu.memory_space<vmem>>) offsets(%arg6 : memref<128xi32, #tpu.memory_space<vmem>>) semaphore(%arg12 : memref<!tpu.dma_semaphore, #tpu.memory_space<semaphore_mem>>)
      } else {
      }
      %dma_wait3A_63 = arith.constant 0 : i32
      %dma_wait3A_64 = arith.constant 0 : i32
      %dma_wait3A_65 = tpu.memref_slice %arg2[%dma_wait3A_63, %dma_wait3A_64] : memref<500000x128xf32, #tpu.memory_space<hbm>> -> memref<128x128xf32, #tpu.memory_space<hbm>>
      %dma_wait3A_66 = arith.constant 0 : i32
      %dma_wait3A_67 = arith.constant 0 : i32
      %dma_wait3A_68 = tpu.memref_slice %arg2[%dma_wait3A_66, %dma_wait3A_67] : memref<500000x128xf32, #tpu.memory_space<hbm>> -> memref<128x128xf32, #tpu.memory_space<hbm>>
      tpu.wait_dma2 semaphore(%arg13 : memref<!tpu.dma_semaphore, #tpu.memory_space<semaphore_mem>>) src(%dma_wait3A_68 : memref<128x128xf32, #tpu.memory_space<hbm>>) dst(%arg9 : memref<128x128xf32, #tpu.memory_space<vmem>>)
      %ge3A_69 = arith.constant 2 : i32
      %ge3A_70 = arith.cmpi sge, %add3A_55, %ge3A_69 : i32
      %convert_element_type3A_71 = arith.extui %ge3A_70 : i1 to i32
      %cond3A_72 = arith.constant 0 : i32
      %cond3A_73 = arith.cmpi ne, %convert_element_type3A_71, %cond3A_72 : i32
      scf.if %cond3A_73 {
        %dma_wait3A_86 = arith.constant 0 : i32
        %dma_wait3A_87 = tpu.memref_slice %arg4[%mul3A_2, %dma_wait3A_86] : memref<819200x64xf32, #tpu.memory_space<hbm>> -> memref<128x64xf32, #tpu.memory_space<hbm>>
        %dma_wait3A_88 = arith.constant 0 : i32
        %dma_wait3A_89 = tpu.memref_slice %arg4[%mul3A_2, %dma_wait3A_88] : memref<819200x64xf32, #tpu.memory_space<hbm>> -> memref<128x64xf32, #tpu.memory_space<hbm>>
        tpu.wait_dma2 semaphore(%arg15 : memref<!tpu.dma_semaphore, #tpu.memory_space<semaphore_mem>>) src(%arg11 : memref<128x64xf32, #tpu.memory_space<vmem>>) dst(%dma_wait3A_89 : memref<128x64xf32, #tpu.memory_space<hbm>>)
      } else {
      }
      %scan3A_74 = arith.constant 0 : i32
      %scan3A_75 = arith.constant 8 : i32
      %scan3A_76 = arith.addi %scan3A_74, %scan3A_75 : i32
      %scan3A_77 = arith.constant 1 : i32
      scf.for %scan3A_86 = %scan3A_74 to %scan3A_76 step %scan3A_77  : i32 {
        %mul3A_87 = arith.constant 1 : i32
        %mul3A_88 = arith.muli %scan3A_86, %mul3A_87 : i32
        %add3A_89 = arith.constant 0 : i32
        %add3A_90 = arith.addi %add3A_89, %mul3A_88 : i32
        %mul3A_91 = arith.constant 16 : i32
        %mul3A_92 = arith.muli %add3A_90, %mul3A_91 : i32
        %get3A = arith.index_cast %add3A_55 : i32 to index
        %get3A_93 = arith.index_cast %mul3A_92 : i32 to index
        %get3A_94 = tpu.vector_load %arg5[%get3A, %get3A_93] {strides = array<i32>} : memref<200x128xi32, #tpu.memory_space<vmem>>, vector<1x16xi32>,
        %get3A_95 = vector.shape_cast %get3A_94 : vector<1x16xi32> to vector<16xi32>
        %and3A = arith.constant 1 : i32
        %and3A_96 = vector.broadcast %and3A : i32 to vector<16xi32>
        %and3A_97 = arith.andi %get3A_95, %and3A_96 : vector<16xi32>
        %mul3A_98 = arith.constant 64 : i32
        %mul3A_99 = vector.broadcast %mul3A_98 : i32 to vector<16xi32>
        %mul3A_100 = arith.muli %and3A_97, %mul3A_99 : vector<16xi32>
        %mul3A_101 = arith.constant 16 : i32
        %mul3A_102 = arith.muli %add3A_90, %mul3A_101 : i32
        %add3A_103 = arith.constant 0 : i32
        %add3A_104 = arith.addi %mul3A_102, %add3A_103 : i32
        %slice3A = vector.extract_strided_slice %mul3A_100 {offsets = [0], sizes = [1], strides = [1]} : vector<16xi32> to vector<1xi32>
        %squeeze3A = vector.extract %slice3A[0] : i32 from vector<1xi32>
        %add3A_105 = arith.constant 0 : i32
        %add3A_106 = arith.addi %squeeze3A, %add3A_105 : i32
        %get3A_107 = arith.index_cast %add3A_104 : i32 to index
        %get3A_108 = arith.index_cast %add3A_106 : i32 to index
        %get3A_109 = tpu.vector_load %arg9[%get3A_107, %get3A_108] {strides = array<i32>} : memref<128x128xf32, #tpu.memory_space<vmem>>, vector<1x16xf32>,
        %get3A_110 = vector.shape_cast %get3A_109 : vector<1x16xf32> to vector<16xf32>
        %swap3A = arith.index_cast %add3A_104 : i32 to index
        %swap3A_111 = arith.constant 0 : index
        %swap3A_112 = tpu.vector_load %arg11[%swap3A, %swap3A_111] {strides = array<i32>} : memref<128x64xf32, #tpu.memory_space<vmem>>, vector<1x16xf32>,
        %swap3A_113 = vector.shape_cast %swap3A_112 : vector<1x16xf32> to vector<16xf32>
        %swap3A_114 = vector.shape_cast %get3A_110 : vector<16xf32> to vector<1x16xf32>
        tpu.vector_store %arg11[%swap3A, %swap3A_111], %swap3A_114 {strides = array<i32>} : memref<128x64xf32, #tpu.memory_space<vmem>>, vector<1x16xf32>,
        %add3A_115 = arith.constant 16 : i32
        %add3A_116 = arith.addi %squeeze3A, %add3A_115 : i32
        %get3A_117 = arith.index_cast %add3A_104 : i32 to index
        %get3A_118 = arith.index_cast %add3A_116 : i32 to index
        %get3A_119 = tpu.vector_load %arg9[%get3A_117, %get3A_118] {strides = array<i32>} : memref<128x128xf32, #tpu.memory_space<vmem>>, vector<1x16xf32>,
        %get3A_120 = vector.shape_cast %get3A_119 : vector<1x16xf32> to vector<16xf32>
        %swap3A_121 = arith.index_cast %add3A_104 : i32 to index
        %swap3A_122 = arith.constant 16 : index
        %swap3A_123 = tpu.vector_load %arg11[%swap3A_121, %swap3A_122] {strides = array<i32>} : memref<128x64xf32, #tpu.memory_space<vmem>>, vector<1x16xf32>,
        %swap3A_124 = vector.shape_cast %swap3A_123 : vector<1x16xf32> to vector<16xf32>
        %swap3A_125 = vector.shape_cast %get3A_120 : vector<16xf32> to vector<1x16xf32>
        tpu.vector_store %arg11[%swap3A_121, %swap3A_122], %swap3A_125 {strides = array<i32>} : memref<128x64xf32, #tpu.memory_space<vmem>>, vector<1x16xf32>,
        %add3A_126 = arith.constant 32 : i32
        %add3A_127 = arith.addi %squeeze3A, %add3A_126 : i32
        %get3A_128 = arith.index_cast %add3A_104 : i32 to index
        %get3A_129 = arith.index_cast %add3A_127 : i32 to index
        %get3A_130 = tpu.vector_load %arg9[%get3A_128, %get3A_129] {strides = array<i32>} : memref<128x128xf32, #tpu.memory_space<vmem>>, vector<1x16xf32>,
        %get3A_131 = vector.shape_cast %get3A_130 : vector<1x16xf32> to vector<16xf32>
        %swap3A_132 = arith.index_cast %add3A_104 : i32 to index
        %swap3A_133 = arith.constant 32 : index
        %swap3A_134 = tpu.vector_load %arg11[%swap3A_132, %swap3A_133] {strides = array<i32>} : memref<128x64xf32, #tpu.memory_space<vmem>>, vector<1x16xf32>,
        %swap3A_135 = vector.shape_cast %swap3A_134 : vector<1x16xf32> to vector<16xf32>
        %swap3A_136 = vector.shape_cast %get3A_131 : vector<16xf32> to vector<1x16xf32>
        tpu.vector_store %arg11[%swap3A_132, %swap3A_133], %swap3A_136 {strides = array<i32>} : memref<128x64xf32, #tpu.memory_space<vmem>>, vector<1x16xf32>,
        %add3A_137 = arith.constant 48 : i32
        %add3A_138 = arith.addi %squeeze3A, %add3A_137 : i32
        %get3A_139 = arith.index_cast %add3A_104 : i32 to index
        %get3A_140 = arith.index_cast %add3A_138 : i32 to index
        %get3A_141 = tpu.vector_load %arg9[%get3A_139, %get3A_140] {strides = array<i32>} : memref<128x128xf32, #tpu.memory_space<vmem>>, vector<1x16xf32>,
        %get3A_142 = vector.shape_cast %get3A_141 : vector<1x16xf32> to vector<16xf32>
        %swap3A_143 = arith.index_cast %add3A_104 : i32 to index
        %swap3A_144 = arith.constant 48 : index
        %swap3A_145 = tpu.vector_load %arg11[%swap3A_143, %swap3A_144] {strides = array<i32>} : memref<128x64xf32, #tpu.memory_space<vmem>>, vector<1x16xf32>,
        %swap3A_146 = vector.shape_cast %swap3A_145 : vector<1x16xf32> to vector<16xf32>
        %swap3A_147 = vector.shape_cast %get3A_142 : vector<16xf32> to vector<1x16xf32>
        tpu.vector_store %arg11[%swap3A_143, %swap3A_144], %swap3A_147 {strides = array<i32>} : memref<128x64xf32, #tpu.memory_space<vmem>>, vector<1x16xf32>,
        %mul3A_148 = arith.constant 16 : i32
        %mul3A_149 = arith.muli %add3A_90, %mul3A_148 : i32
        %add3A_150 = arith.constant 1 : i32
        %add3A_151 = arith.addi %mul3A_149, %add3A_150 : i32
        %slice3A_152 = vector.extract_strided_slice %mul3A_100 {offsets = [1], sizes = [1], strides = [1]} : vector<16xi32> to vector<1xi32>
        %squeeze3A_153 = vector.extract %slice3A_152[0] : i32 from vector<1xi32>
        %add3A_154 = arith.constant 0 : i32
        %add3A_155 = arith.addi %squeeze3A_153, %add3A_154 : i32
        %get3A_156 = arith.index_cast %add3A_151 : i32 to index
        %get3A_157 = arith.index_cast %add3A_155 : i32 to index
        %get3A_158 = tpu.vector_load %arg9[%get3A_156, %get3A_157] {strides = array<i32>} : memref<128x128xf32, #tpu.memory_space<vmem>>, vector<1x16xf32>,
        %get3A_159 = vector.shape_cast %get3A_158 : vector<1x16xf32> to vector<16xf32>
        %swap3A_160 = arith.index_cast %add3A_151 : i32 to index
        %swap3A_161 = arith.constant 0 : index
        %swap3A_162 = tpu.vector_load %arg11[%swap3A_160, %swap3A_161] {strides = array<i32>} : memref<128x64xf32, #tpu.memory_space<vmem>>, vector<1x16xf32>,
        %swap3A_163 = vector.shape_cast %swap3A_162 : vector<1x16xf32> to vector<16xf32>
        %swap3A_164 = vector.shape_cast %get3A_159 : vector<16xf32> to vector<1x16xf32>
        tpu.vector_store %arg11[%swap3A_160, %swap3A_161], %swap3A_164 {strides = array<i32>} : memref<128x64xf32, #tpu.memory_space<vmem>>, vector<1x16xf32>,
        %add3A_165 = arith.constant 16 : i32
        %add3A_166 = arith.addi %squeeze3A_153, %add3A_165 : i32
        %get3A_167 = arith.index_cast %add3A_151 : i32 to index
        %get3A_168 = arith.index_cast %add3A_166 : i32 to index
        %get3A_169 = tpu.vector_load %arg9[%get3A_167, %get3A_168] {strides = array<i32>} : memref<128x128xf32, #tpu.memory_space<vmem>>, vector<1x16xf32>,
        %get3A_170 = vector.shape_cast %get3A_169 : vector<1x16xf32> to vector<16xf32>
        %swap3A_171 = arith.index_cast %add3A_151 : i32 to index
        %swap3A_172 = arith.constant 16 : index
        %swap3A_173 = tpu.vector_load %arg11[%swap3A_171, %swap3A_172] {strides = array<i32>} : memref<128x64xf32, #tpu.memory_space<vmem>>, vector<1x16xf32>,
        %swap3A_174 = vector.shape_cast %swap3A_173 : vector<1x16xf32> to vector<16xf32>
        %swap3A_175 = vector.shape_cast %get3A_170 : vector<16xf32> to vector<1x16xf32>
        tpu.vector_store %arg11[%swap3A_171, %swap3A_172], %swap3A_175 {strides = array<i32>} : memref<128x64xf32, #tpu.memory_space<vmem>>, vector<1x16xf32>,
        %add3A_176 = arith.constant 32 : i32
        %add3A_177 = arith.addi %squeeze3A_153, %add3A_176 : i32
        %get3A_178 = arith.index_cast %add3A_151 : i32 to index
        %get3A_179 = arith.index_cast %add3A_177 : i32 to index
        %get3A_180 = tpu.vector_load %arg9[%get3A_178, %get3A_179] {strides = array<i32>} : memref<128x128xf32, #tpu.memory_space<vmem>>, vector<1x16xf32>,
        %get3A_181 = vector.shape_cast %get3A_180 : vector<1x16xf32> to vector<16xf32>
        %swap3A_182 = arith.index_cast %add3A_151 : i32 to index
        %swap3A_183 = arith.constant 32 : index
        %swap3A_184 = tpu.vector_load %arg11[%swap3A_182, %swap3A_183] {strides = array<i32>} : memref<128x64xf32, #tpu.memory_space<vmem>>, vector<1x16xf32>,
        %swap3A_185 = vector.shape_cast %swap3A_184 : vector<1x16xf32> to vector<16xf32>
        %swap3A_186 = vector.shape_cast %get3A_181 : vector<16xf32> to vector<1x16xf32>
        tpu.vector_store %arg11[%swap3A_182, %swap3A_183], %swap3A_186 {strides = array<i32>} : memref<128x64xf32, #tpu.memory_space<vmem>>, vector<1x16xf32>,
        %add3A_187 = arith.constant 48 : i32
        %add3A_188 = arith.addi %squeeze3A_153, %add3A_187 : i32
        %get3A_189 = arith.index_cast %add3A_151 : i32 to index
        %get3A_190 = arith.index_cast %add3A_188 : i32 to index
        %get3A_191 = tpu.vector_load %arg9[%get3A_189, %get3A_190] {strides = array<i32>} : memref<128x128xf32, #tpu.memory_space<vmem>>, vector<1x16xf32>,
        %get3A_192 = vector.shape_cast %get3A_191 : vector<1x16xf32> to vector<16xf32>
        %swap3A_193 = arith.index_cast %add3A_151 : i32 to index
        %swap3A_194 = arith.constant 48 : index
        %swap3A_195 = tpu.vector_load %arg11[%swap3A_193, %swap3A_194] {strides = array<i32>} : memref<128x64xf32, #tpu.memory_space<vmem>>, vector<1x16xf32>,
        %swap3A_196 = vector.shape_cast %swap3A_195 : vector<1x16xf32> to vector<16xf32>
        %swap3A_197 = vector.shape_cast %get3A_192 : vector<16xf32> to vector<1x16xf32>
        tpu.vector_store %arg11[%swap3A_193, %swap3A_194], %swap3A_197 {strides = array<i32>} : memref<128x64xf32, #tpu.memory_space<vmem>>, vector<1x16xf32>,
        %mul3A_198 = arith.constant 16 : i32
        %mul3A_199 = arith.muli %add3A_90, %mul3A_198 : i32
        %add3A_200 = arith.constant 2 : i32
        %add3A_201 = arith.addi %mul3A_199, %add3A_200 : i32
        %slice3A_202 = vector.extract_strided_slice %mul3A_100 {offsets = [2], sizes = [1], strides = [1]} : vector<16xi32> to vector<1xi32>
        %squeeze3A_203 = vector.extract %slice3A_202[0] : i32 from vector<1xi32>
        %add3A_204 = arith.constant 0 : i32
        %add3A_205 = arith.addi %squeeze3A_203, %add3A_204 : i32
        %get3A_206 = arith.index_cast %add3A_201 : i32 to index
        %get3A_207 = arith.index_cast %add3A_205 : i32 to index
        %get3A_208 = tpu.vector_load %arg9[%get3A_206, %get3A_207] {strides = array<i32>} : memref<128x128xf32, #tpu.memory_space<vmem>>, vector<1x16xf32>,
        %get3A_209 = vector.shape_cast %get3A_208 : vector<1x16xf32> to vector<16xf32>
        %swap3A_210 = arith.index_cast %add3A_201 : i32 to index
        %swap3A_211 = arith.constant 0 : index
        %swap3A_212 = tpu.vector_load %arg11[%swap3A_210, %swap3A_211] {strides = array<i32>} : memref<128x64xf32, #tpu.memory_space<vmem>>, vector<1x16xf32>,
        %swap3A_213 = vector.shape_cast %swap3A_212 : vector<1x16xf32> to vector<16xf32>
        %swap3A_214 = vector.shape_cast %get3A_209 : vector<16xf32> to vector<1x16xf32>
        tpu.vector_store %arg11[%swap3A_210, %swap3A_211], %swap3A_214 {strides = array<i32>} : memref<128x64xf32, #tpu.memory_space<vmem>>, vector<1x16xf32>,
        %add3A_215 = arith.constant 16 : i32
        %add3A_216 = arith.addi %squeeze3A_203, %add3A_215 : i32
        %get3A_217 = arith.index_cast %add3A_201 : i32 to index
        %get3A_218 = arith.index_cast %add3A_216 : i32 to index
        %get3A_219 = tpu.vector_load %arg9[%get3A_217, %get3A_218] {strides = array<i32>} : memref<128x128xf32, #tpu.memory_space<vmem>>, vector<1x16xf32>,
        %get3A_220 = vector.shape_cast %get3A_219 : vector<1x16xf32> to vector<16xf32>
        %swap3A_221 = arith.index_cast %add3A_201 : i32 to index
        %swap3A_222 = arith.constant 16 : index
        %swap3A_223 = tpu.vector_load %arg11[%swap3A_221, %swap3A_222] {strides = array<i32>} : memref<128x64xf32, #tpu.memory_space<vmem>>, vector<1x16xf32>,
        %swap3A_224 = vector.shape_cast %swap3A_223 : vector<1x16xf32> to vector<16xf32>
        %swap3A_225 = vector.shape_cast %get3A_220 : vector<16xf32> to vector<1x16xf32>
        tpu.vector_store %arg11[%swap3A_221, %swap3A_222], %swap3A_225 {strides = array<i32>} : memref<128x64xf32, #tpu.memory_space<vmem>>, vector<1x16xf32>,
        %add3A_226 = arith.constant 32 : i32
        %add3A_227 = arith.addi %squeeze3A_203, %add3A_226 : i32
        %get3A_228 = arith.index_cast %add3A_201 : i32 to index
        %get3A_229 = arith.index_cast %add3A_227 : i32 to index
        %get3A_230 = tpu.vector_load %arg9[%get3A_228, %get3A_229] {strides = array<i32>} : memref<128x128xf32, #tpu.memory_space<vmem>>, vector<1x16xf32>,
        %get3A_231 = vector.shape_cast %get3A_230 : vector<1x16xf32> to vector<16xf32>
        %swap3A_232 = arith.index_cast %add3A_201 : i32 to index
        %swap3A_233 = arith.constant 32 : index
        %swap3A_234 = tpu.vector_load %arg11[%swap3A_232, %swap3A_233] {strides = array<i32>} : memref<128x64xf32, #tpu.memory_space<vmem>>, vector<1x16xf32>,
        %swap3A_235 = vector.shape_cast %swap3A_234 : vector<1x16xf32> to vector<16xf32>
        %swap3A_236 = vector.shape_cast %get3A_231 : vector<16xf32> to vector<1x16xf32>
        tpu.vector_store %arg11[%swap3A_232, %swap3A_233], %swap3A_236 {strides = array<i32>} : memref<128x64xf32, #tpu.memory_space<vmem>>, vector<1x16xf32>,
        %add3A_237 = arith.constant 48 : i32
        %add3A_238 = arith.addi %squeeze3A_203, %add3A_237 : i32
        %get3A_239 = arith.index_cast %add3A_201 : i32 to index
        %get3A_240 = arith.index_cast %add3A_238 : i32 to index
        %get3A_241 = tpu.vector_load %arg9[%get3A_239, %get3A_240] {strides = array<i32>} : memref<128x128xf32, #tpu.memory_space<vmem>>, vector<1x16xf32>,
        %get3A_242 = vector.shape_cast %get3A_241 : vector<1x16xf32> to vector<16xf32>
        %swap3A_243 = arith.index_cast %add3A_201 : i32 to index
        %swap3A_244 = arith.constant 48 : index
        %swap3A_245 = tpu.vector_load %arg11[%swap3A_243, %swap3A_244] {strides = array<i32>} : memref<128x64xf32, #tpu.memory_space<vmem>>, vector<1x16xf32>,
        %swap3A_246 = vector.shape_cast %swap3A_245 : vector<1x16xf32> to vector<16xf32>
        %swap3A_247 = vector.shape_cast %get3A_242 : vector<16xf32> to vector<1x16xf32>
        tpu.vector_store %arg11[%swap3A_243, %swap3A_244], %swap3A_247 {strides = array<i32>} : memref<128x64xf32, #tpu.memory_space<vmem>>, vector<1x16xf32>,
        %mul3A_248 = arith.constant 16 : i32
        %mul3A_249 = arith.muli %add3A_90, %mul3A_248 : i32
        %add3A_250 = arith.constant 3 : i32
        %add3A_251 = arith.addi %mul3A_249, %add3A_250 : i32
        %slice3A_252 = vector.extract_strided_slice %mul3A_100 {offsets = [3], sizes = [1], strides = [1]} : vector<16xi32> to vector<1xi32>
        %squeeze3A_253 = vector.extract %slice3A_252[0] : i32 from vector<1xi32>
        %add3A_254 = arith.constant 0 : i32
        %add3A_255 = arith.addi %squeeze3A_253, %add3A_254 : i32
        %get3A_256 = arith.index_cast %add3A_251 : i32 to index
        %get3A_257 = arith.index_cast %add3A_255 : i32 to index
        %get3A_258 = tpu.vector_load %arg9[%get3A_256, %get3A_257] {strides = array<i32>} : memref<128x128xf32, #tpu.memory_space<vmem>>, vector<1x16xf32>,
        %get3A_259 = vector.shape_cast %get3A_258 : vector<1x16xf32> to vector<16xf32>
        %swap3A_260 = arith.index_cast %add3A_251 : i32 to index
        %swap3A_261 = arith.constant 0 : index
        %swap3A_262 = tpu.vector_load %arg11[%swap3A_260, %swap3A_261] {strides = array<i32>} : memref<128x64xf32, #tpu.memory_space<vmem>>, vector<1x16xf32>,
        %swap3A_263 = vector.shape_cast %swap3A_262 : vector<1x16xf32> to vector<16xf32>
        %swap3A_264 = vector.shape_cast %get3A_259 : vector<16xf32> to vector<1x16xf32>
        tpu.vector_store %arg11[%swap3A_260, %swap3A_261], %swap3A_264 {strides = array<i32>} : memref<128x64xf32, #tpu.memory_space<vmem>>, vector<1x16xf32>,
        %add3A_265 = arith.constant 16 : i32
        %add3A_266 = arith.addi %squeeze3A_253, %add3A_265 : i32
        %get3A_267 = arith.index_cast %add3A_251 : i32 to index
        %get3A_268 = arith.index_cast %add3A_266 : i32 to index
        %get3A_269 = tpu.vector_load %arg9[%get3A_267, %get3A_268] {strides = array<i32>} : memref<128x128xf32, #tpu.memory_space<vmem>>, vector<1x16xf32>,
        %get3A_270 = vector.shape_cast %get3A_269 : vector<1x16xf32> to vector<16xf32>
        %swap3A_271 = arith.index_cast %add3A_251 : i32 to index
        %swap3A_272 = arith.constant 16 : index
        %swap3A_273 = tpu.vector_load %arg11[%swap3A_271, %swap3A_272] {strides = array<i32>} : memref<128x64xf32, #tpu.memory_space<vmem>>, vector<1x16xf32>,
        %swap3A_274 = vector.shape_cast %swap3A_273 : vector<1x16xf32> to vector<16xf32>
        %swap3A_275 = vector.shape_cast %get3A_270 : vector<16xf32> to vector<1x16xf32>
        tpu.vector_store %arg11[%swap3A_271, %swap3A_272], %swap3A_275 {strides = array<i32>} : memref<128x64xf32, #tpu.memory_space<vmem>>, vector<1x16xf32>,
        %add3A_276 = arith.constant 32 : i32
        %add3A_277 = arith.addi %squeeze3A_253, %add3A_276 : i32
        %get3A_278 = arith.index_cast %add3A_251 : i32 to index
        %get3A_279 = arith.index_cast %add3A_277 : i32 to index
        %get3A_280 = tpu.vector_load %arg9[%get3A_278, %get3A_279] {strides = array<i32>} : memref<128x128xf32, #tpu.memory_space<vmem>>, vector<1x16xf32>,
        %get3A_281 = vector.shape_cast %get3A_280 : vector<1x16xf32> to vector<16xf32>
        %swap3A_282 = arith.index_cast %add3A_251 : i32 to index
        %swap3A_283 = arith.constant 32 : index
        %swap3A_284 = tpu.vector_load %arg11[%swap3A_282, %swap3A_283] {strides = array<i32>} : memref<128x64xf32, #tpu.memory_space<vmem>>, vector<1x16xf32>,
        %swap3A_285 = vector.shape_cast %swap3A_284 : vector<1x16xf32> to vector<16xf32>
        %swap3A_286 = vector.shape_cast %get3A_281 : vector<16xf32> to vector<1x16xf32>
        tpu.vector_store %arg11[%swap3A_282, %swap3A_283], %swap3A_286 {strides = array<i32>} : memref<128x64xf32, #tpu.memory_space<vmem>>, vector<1x16xf32>,
        %add3A_287 = arith.constant 48 : i32
        %add3A_288 = arith.addi %squeeze3A_253, %add3A_287 : i32
        %get3A_289 = arith.index_cast %add3A_251 : i32 to index
        %get3A_290 = arith.index_cast %add3A_288 : i32 to index
        %get3A_291 = tpu.vector_load %arg9[%get3A_289, %get3A_290] {strides = array<i32>} : memref<128x128xf32, #tpu.memory_space<vmem>>, vector<1x16xf32>,
        %get3A_292 = vector.shape_cast %get3A_291 : vector<1x16xf32> to vector<16xf32>
        %swap3A_293 = arith.index_cast %add3A_251 : i32 to index
        %swap3A_294 = arith.constant 48 : index
        %swap3A_295 = tpu.vector_load %arg11[%swap3A_293, %swap3A_294] {strides = array<i32>} : memref<128x64xf32, #tpu.memory_space<vmem>>, vector<1x16xf32>,
        %swap3A_296 = vector.shape_cast %swap3A_295 : vector<1x16xf32> to vector<16xf32>
        %swap3A_297 = vector.shape_cast %get3A_292 : vector<16xf32> to vector<1x16xf32>
        tpu.vector_store %arg11[%swap3A_293, %swap3A_294], %swap3A_297 {strides = array<i32>} : memref<128x64xf32, #tpu.memory_space<vmem>>, vector<1x16xf32>,
        %mul3A_298 = arith.constant 16 : i32
        %mul3A_299 = arith.muli %add3A_90, %mul3A_298 : i32
        %add3A_300 = arith.constant 4 : i32
        %add3A_301 = arith.addi %mul3A_299, %add3A_300 : i32
        %slice3A_302 = vector.extract_strided_slice %mul3A_100 {offsets = [4], sizes = [1], strides = [1]} : vector<16xi32> to vector<1xi32>
        %squeeze3A_303 = vector.extract %slice3A_302[0] : i32 from vector<1xi32>
        %add3A_304 = arith.constant 0 : i32
        %add3A_305 = arith.addi %squeeze3A_303, %add3A_304 : i32
        %get3A_306 = arith.index_cast %add3A_301 : i32 to index
        %get3A_307 = arith.index_cast %add3A_305 : i32 to index
        %get3A_308 = tpu.vector_load %arg9[%get3A_306, %get3A_307] {strides = array<i32>} : memref<128x128xf32, #tpu.memory_space<vmem>>, vector<1x16xf32>,
        %get3A_309 = vector.shape_cast %get3A_308 : vector<1x16xf32> to vector<16xf32>
        %swap3A_310 = arith.index_cast %add3A_301 : i32 to index
        %swap3A_311 = arith.constant 0 : index
        %swap3A_312 = tpu.vector_load %arg11[%swap3A_310, %swap3A_311] {strides = array<i32>} : memref<128x64xf32, #tpu.memory_space<vmem>>, vector<1x16xf32>,
        %swap3A_313 = vector.shape_cast %swap3A_312 : vector<1x16xf32> to vector<16xf32>
        %swap3A_314 = vector.shape_cast %get3A_309 : vector<16xf32> to vector<1x16xf32>
        tpu.vector_store %arg11[%swap3A_310, %swap3A_311], %swap3A_314 {strides = array<i32>} : memref<128x64xf32, #tpu.memory_space<vmem>>, vector<1x16xf32>,
        %add3A_315 = arith.constant 16 : i32
        %add3A_316 = arith.addi %squeeze3A_303, %add3A_315 : i32
        %get3A_317 = arith.index_cast %add3A_301 : i32 to index
        %get3A_318 = arith.index_cast %add3A_316 : i32 to index
        %get3A_319 = tpu.vector_load %arg9[%get3A_317, %get3A_318] {strides = array<i32>} : memref<128x128xf32, #tpu.memory_space<vmem>>, vector<1x16xf32>,
        %get3A_320 = vector.shape_cast %get3A_319 : vector<1x16xf32> to vector<16xf32>
        %swap3A_321 = arith.index_cast %add3A_301 : i32 to index
        %swap3A_322 = arith.constant 16 : index
        %swap3A_323 = tpu.vector_load %arg11[%swap3A_321, %swap3A_322] {strides = array<i32>} : memref<128x64xf32, #tpu.memory_space<vmem>>, vector<1x16xf32>,
        %swap3A_324 = vector.shape_cast %swap3A_323 : vector<1x16xf32> to vector<16xf32>
        %swap3A_325 = vector.shape_cast %get3A_320 : vector<16xf32> to vector<1x16xf32>
        tpu.vector_store %arg11[%swap3A_321, %swap3A_322], %swap3A_325 {strides = array<i32>} : memref<128x64xf32, #tpu.memory_space<vmem>>, vector<1x16xf32>,
        %add3A_326 = arith.constant 32 : i32
        %add3A_327 = arith.addi %squeeze3A_303, %add3A_326 : i32
        %get3A_328 = arith.index_cast %add3A_301 : i32 to index
        %get3A_329 = arith.index_cast %add3A_327 : i32 to index
        %get3A_330 = tpu.vector_load %arg9[%get3A_328, %get3A_329] {strides = array<i32>} : memref<128x128xf32, #tpu.memory_space<vmem>>, vector<1x16xf32>,
        %get3A_331 = vector.shape_cast %get3A_330 : vector<1x16xf32> to vector<16xf32>
        %swap3A_332 = arith.index_cast %add3A_301 : i32 to index
        %swap3A_333 = arith.constant 32 : index
        %swap3A_334 = tpu.vector_load %arg11[%swap3A_332, %swap3A_333] {strides = array<i32>} : memref<128x64xf32, #tpu.memory_space<vmem>>, vector<1x16xf32>,
        %swap3A_335 = vector.shape_cast %swap3A_334 : vector<1x16xf32> to vector<16xf32>
        %swap3A_336 = vector.shape_cast %get3A_331 : vector<16xf32> to vector<1x16xf32>
        tpu.vector_store %arg11[%swap3A_332, %swap3A_333], %swap3A_336 {strides = array<i32>} : memref<128x64xf32, #tpu.memory_space<vmem>>, vector<1x16xf32>,
        %add3A_337 = arith.constant 48 : i32
        %add3A_338 = arith.addi %squeeze3A_303, %add3A_337 : i32
        %get3A_339 = arith.index_cast %add3A_301 : i32 to index
        %get3A_340 = arith.index_cast %add3A_338 : i32 to index
        %get3A_341 = tpu.vector_load %arg9[%get3A_339, %get3A_340] {strides = array<i32>} : memref<128x128xf32, #tpu.memory_space<vmem>>, vector<1x16xf32>,
        %get3A_342 = vector.shape_cast %get3A_341 : vector<1x16xf32> to vector<16xf32>
        %swap3A_343 = arith.index_cast %add3A_301 : i32 to index
        %swap3A_344 = arith.constant 48 : index
        %swap3A_345 = tpu.vector_load %arg11[%swap3A_343, %swap3A_344] {strides = array<i32>} : memref<128x64xf32, #tpu.memory_space<vmem>>, vector<1x16xf32>,
        %swap3A_346 = vector.shape_cast %swap3A_345 : vector<1x16xf32> to vector<16xf32>
        %swap3A_347 = vector.shape_cast %get3A_342 : vector<16xf32> to vector<1x16xf32>
        tpu.vector_store %arg11[%swap3A_343, %swap3A_344], %swap3A_347 {strides = array<i32>} : memref<128x64xf32, #tpu.memory_space<vmem>>, vector<1x16xf32>,
        %mul3A_348 = arith.constant 16 : i32
        %mul3A_349 = arith.muli %add3A_90, %mul3A_348 : i32
        %add3A_350 = arith.constant 5 : i32
        %add3A_351 = arith.addi %mul3A_349, %add3A_350 : i32
        %slice3A_352 = vector.extract_strided_slice %mul3A_100 {offsets = [5], sizes = [1], strides = [1]} : vector<16xi32> to vector<1xi32>
        %squeeze3A_353 = vector.extract %slice3A_352[0] : i32 from vector<1xi32>
        %add3A_354 = arith.constant 0 : i32
        %add3A_355 = arith.addi %squeeze3A_353, %add3A_354 : i32
        %get3A_356 = arith.index_cast %add3A_351 : i32 to index
        %get3A_357 = arith.index_cast %add3A_355 : i32 to index
        %get3A_358 = tpu.vector_load %arg9[%get3A_356, %get3A_357] {strides = array<i32>} : memref<128x128xf32, #tpu.memory_space<vmem>>, vector<1x16xf32>,
        %get3A_359 = vector.shape_cast %get3A_358 : vector<1x16xf32> to vector<16xf32>
        %swap3A_360 = arith.index_cast %add3A_351 : i32 to index
        %swap3A_361 = arith.constant 0 : index
        %swap3A_362 = tpu.vector_load %arg11[%swap3A_360, %swap3A_361] {strides = array<i32>} : memref<128x64xf32, #tpu.memory_space<vmem>>, vector<1x16xf32>,
        %swap3A_363 = vector.shape_cast %swap3A_362 : vector<1x16xf32> to vector<16xf32>
        %swap3A_364 = vector.shape_cast %get3A_359 : vector<16xf32> to vector<1x16xf32>
        tpu.vector_store %arg11[%swap3A_360, %swap3A_361], %swap3A_364 {strides = array<i32>} : memref<128x64xf32, #tpu.memory_space<vmem>>, vector<1x16xf32>,
        %add3A_365 = arith.constant 16 : i32
        %add3A_366 = arith.addi %squeeze3A_353, %add3A_365 : i32
        %get3A_367 = arith.index_cast %add3A_351 : i32 to index
        %get3A_368 = arith.index_cast %add3A_366 : i32 to index
        %get3A_369 = tpu.vector_load %arg9[%get3A_367, %get3A_368] {strides = array<i32>} : memref<128x128xf32, #tpu.memory_space<vmem>>, vector<1x16xf32>,
        %get3A_370 = vector.shape_cast %get3A_369 : vector<1x16xf32> to vector<16xf32>
        %swap3A_371 = arith.index_cast %add3A_351 : i32 to index
        %swap3A_372 = arith.constant 16 : index
        %swap3A_373 = tpu.vector_load %arg11[%swap3A_371, %swap3A_372] {strides = array<i32>} : memref<128x64xf32, #tpu.memory_space<vmem>>, vector<1x16xf32>,
        %swap3A_374 = vector.shape_cast %swap3A_373 : vector<1x16xf32> to vector<16xf32>
        %swap3A_375 = vector.shape_cast %get3A_370 : vector<16xf32> to vector<1x16xf32>
        tpu.vector_store %arg11[%swap3A_371, %swap3A_372], %swap3A_375 {strides = array<i32>} : memref<128x64xf32, #tpu.memory_space<vmem>>, vector<1x16xf32>,
        %add3A_376 = arith.constant 32 : i32
        %add3A_377 = arith.addi %squeeze3A_353, %add3A_376 : i32
        %get3A_378 = arith.index_cast %add3A_351 : i32 to index
        %get3A_379 = arith.index_cast %add3A_377 : i32 to index
        %get3A_380 = tpu.vector_load %arg9[%get3A_378, %get3A_379] {strides = array<i32>} : memref<128x128xf32, #tpu.memory_space<vmem>>, vector<1x16xf32>,
        %get3A_381 = vector.shape_cast %get3A_380 : vector<1x16xf32> to vector<16xf32>
        %swap3A_382 = arith.index_cast %add3A_351 : i32 to index
        %swap3A_383 = arith.constant 32 : index
        %swap3A_384 = tpu.vector_load %arg11[%swap3A_382, %swap3A_383] {strides = array<i32>} : memref<128x64xf32, #tpu.memory_space<vmem>>, vector<1x16xf32>,
        %swap3A_385 = vector.shape_cast %swap3A_384 : vector<1x16xf32> to vector<16xf32>
        %swap3A_386 = vector.shape_cast %get3A_381 : vector<16xf32> to vector<1x16xf32>
        tpu.vector_store %arg11[%swap3A_382, %swap3A_383], %swap3A_386 {strides = array<i32>} : memref<128x64xf32, #tpu.memory_space<vmem>>, vector<1x16xf32>,
        %add3A_387 = arith.constant 48 : i32
        %add3A_388 = arith.addi %squeeze3A_353, %add3A_387 : i32
        %get3A_389 = arith.index_cast %add3A_351 : i32 to index
        %get3A_390 = arith.index_cast %add3A_388 : i32 to index
        %get3A_391 = tpu.vector_load %arg9[%get3A_389, %get3A_390] {strides = array<i32>} : memref<128x128xf32, #tpu.memory_space<vmem>>, vector<1x16xf32>,
        %get3A_392 = vector.shape_cast %get3A_391 : vector<1x16xf32> to vector<16xf32>
        %swap3A_393 = arith.index_cast %add3A_351 : i32 to index
        %swap3A_394 = arith.constant 48 : index
        %swap3A_395 = tpu.vector_load %arg11[%swap3A_393, %swap3A_394] {strides = array<i32>} : memref<128x64xf32, #tpu.memory_space<vmem>>, vector<1x16xf32>,
        %swap3A_396 = vector.shape_cast %swap3A_395 : vector<1x16xf32> to vector<16xf32>
        %swap3A_397 = vector.shape_cast %get3A_392 : vector<16xf32> to vector<1x16xf32>
        tpu.vector_store %arg11[%swap3A_393, %swap3A_394], %swap3A_397 {strides = array<i32>} : memref<128x64xf32, #tpu.memory_space<vmem>>, vector<1x16xf32>,
        %mul3A_398 = arith.constant 16 : i32
        %mul3A_399 = arith.muli %add3A_90, %mul3A_398 : i32
        %add3A_400 = arith.constant 6 : i32
        %add3A_401 = arith.addi %mul3A_399, %add3A_400 : i32
        %slice3A_402 = vector.extract_strided_slice %mul3A_100 {offsets = [6], sizes = [1], strides = [1]} : vector<16xi32> to vector<1xi32>
        %squeeze3A_403 = vector.extract %slice3A_402[0] : i32 from vector<1xi32>
        %add3A_404 = arith.constant 0 : i32
        %add3A_405 = arith.addi %squeeze3A_403, %add3A_404 : i32
        %get3A_406 = arith.index_cast %add3A_401 : i32 to index
        %get3A_407 = arith.index_cast %add3A_405 : i32 to index
        %get3A_408 = tpu.vector_load %arg9[%get3A_406, %get3A_407] {strides = array<i32>} : memref<128x128xf32, #tpu.memory_space<vmem>>, vector<1x16xf32>,
        %get3A_409 = vector.shape_cast %get3A_408 : vector<1x16xf32> to vector<16xf32>
        %swap3A_410 = arith.index_cast %add3A_401 : i32 to index
        %swap3A_411 = arith.constant 0 : index
        %swap3A_412 = tpu.vector_load %arg11[%swap3A_410, %swap3A_411] {strides = array<i32>} : memref<128x64xf32, #tpu.memory_space<vmem>>, vector<1x16xf32>,
        %swap3A_413 = vector.shape_cast %swap3A_412 : vector<1x16xf32> to vector<16xf32>
        %swap3A_414 = vector.shape_cast %get3A_409 : vector<16xf32> to vector<1x16xf32>
        tpu.vector_store %arg11[%swap3A_410, %swap3A_411], %swap3A_414 {strides = array<i32>} : memref<128x64xf32, #tpu.memory_space<vmem>>, vector<1x16xf32>,
        %add3A_415 = arith.constant 16 : i32
        %add3A_416 = arith.addi %squeeze3A_403, %add3A_415 : i32
        %get3A_417 = arith.index_cast %add3A_401 : i32 to index
        %get3A_418 = arith.index_cast %add3A_416 : i32 to index
        %get3A_419 = tpu.vector_load %arg9[%get3A_417, %get3A_418] {strides = array<i32>} : memref<128x128xf32, #tpu.memory_space<vmem>>, vector<1x16xf32>,
        %get3A_420 = vector.shape_cast %get3A_419 : vector<1x16xf32> to vector<16xf32>
        %swap3A_421 = arith.index_cast %add3A_401 : i32 to index
        %swap3A_422 = arith.constant 16 : index
        %swap3A_423 = tpu.vector_load %arg11[%swap3A_421, %swap3A_422] {strides = array<i32>} : memref<128x64xf32, #tpu.memory_space<vmem>>, vector<1x16xf32>,
        %swap3A_424 = vector.shape_cast %swap3A_423 : vector<1x16xf32> to vector<16xf32>
        %swap3A_425 = vector.shape_cast %get3A_420 : vector<16xf32> to vector<1x16xf32>
        tpu.vector_store %arg11[%swap3A_421, %swap3A_422], %swap3A_425 {strides = array<i32>} : memref<128x64xf32, #tpu.memory_space<vmem>>, vector<1x16xf32>,
        %add3A_426 = arith.constant 32 : i32
        %add3A_427 = arith.addi %squeeze3A_403, %add3A_426 : i32
        %get3A_428 = arith.index_cast %add3A_401 : i32 to index
        %get3A_429 = arith.index_cast %add3A_427 : i32 to index
        %get3A_430 = tpu.vector_load %arg9[%get3A_428, %get3A_429] {strides = array<i32>} : memref<128x128xf32, #tpu.memory_space<vmem>>, vector<1x16xf32>,
        %get3A_431 = vector.shape_cast %get3A_430 : vector<1x16xf32> to vector<16xf32>
        %swap3A_432 = arith.index_cast %add3A_401 : i32 to index
        %swap3A_433 = arith.constant 32 : index
        %swap3A_434 = tpu.vector_load %arg11[%swap3A_432, %swap3A_433] {strides = array<i32>} : memref<128x64xf32, #tpu.memory_space<vmem>>, vector<1x16xf32>,
        %swap3A_435 = vector.shape_cast %swap3A_434 : vector<1x16xf32> to vector<16xf32>
        %swap3A_436 = vector.shape_cast %get3A_431 : vector<16xf32> to vector<1x16xf32>
        tpu.vector_store %arg11[%swap3A_432, %swap3A_433], %swap3A_436 {strides = array<i32>} : memref<128x64xf32, #tpu.memory_space<vmem>>, vector<1x16xf32>,
        %add3A_437 = arith.constant 48 : i32
        %add3A_438 = arith.addi %squeeze3A_403, %add3A_437 : i32
        %get3A_439 = arith.index_cast %add3A_401 : i32 to index
        %get3A_440 = arith.index_cast %add3A_438 : i32 to index
        %get3A_441 = tpu.vector_load %arg9[%get3A_439, %get3A_440] {strides = array<i32>} : memref<128x128xf32, #tpu.memory_space<vmem>>, vector<1x16xf32>,
        %get3A_442 = vector.shape_cast %get3A_441 : vector<1x16xf32> to vector<16xf32>
        %swap3A_443 = arith.index_cast %add3A_401 : i32 to index
        %swap3A_444 = arith.constant 48 : index
        %swap3A_445 = tpu.vector_load %arg11[%swap3A_443, %swap3A_444] {strides = array<i32>} : memref<128x64xf32, #tpu.memory_space<vmem>>, vector<1x16xf32>,
        %swap3A_446 = vector.shape_cast %swap3A_445 : vector<1x16xf32> to vector<16xf32>
        %swap3A_447 = vector.shape_cast %get3A_442 : vector<16xf32> to vector<1x16xf32>
        tpu.vector_store %arg11[%swap3A_443, %swap3A_444], %swap3A_447 {strides = array<i32>} : memref<128x64xf32, #tpu.memory_space<vmem>>, vector<1x16xf32>,
        %mul3A_448 = arith.constant 16 : i32
        %mul3A_449 = arith.muli %add3A_90, %mul3A_448 : i32
        %add3A_450 = arith.constant 7 : i32
        %add3A_451 = arith.addi %mul3A_449, %add3A_450 : i32
        %slice3A_452 = vector.extract_strided_slice %mul3A_100 {offsets = [7], sizes = [1], strides = [1]} : vector<16xi32> to vector<1xi32>
        %squeeze3A_453 = vector.extract %slice3A_452[0] : i32 from vector<1xi32>
        %add3A_454 = arith.constant 0 : i32
        %add3A_455 = arith.addi %squeeze3A_453, %add3A_454 : i32
        %get3A_456 = arith.index_cast %add3A_451 : i32 to index
        %get3A_457 = arith.index_cast %add3A_455 : i32 to index
        %get3A_458 = tpu.vector_load %arg9[%get3A_456, %get3A_457] {strides = array<i32>} : memref<128x128xf32, #tpu.memory_space<vmem>>, vector<1x16xf32>,
        %get3A_459 = vector.shape_cast %get3A_458 : vector<1x16xf32> to vector<16xf32>
        %swap3A_460 = arith.index_cast %add3A_451 : i32 to index
        %swap3A_461 = arith.constant 0 : index
        %swap3A_462 = tpu.vector_load %arg11[%swap3A_460, %swap3A_461] {strides = array<i32>} : memref<128x64xf32, #tpu.memory_space<vmem>>, vector<1x16xf32>,
        %swap3A_463 = vector.shape_cast %swap3A_462 : vector<1x16xf32> to vector<16xf32>
        %swap3A_464 = vector.shape_cast %get3A_459 : vector<16xf32> to vector<1x16xf32>
        tpu.vector_store %arg11[%swap3A_460, %swap3A_461], %swap3A_464 {strides = array<i32>} : memref<128x64xf32, #tpu.memory_space<vmem>>, vector<1x16xf32>,
        %add3A_465 = arith.constant 16 : i32
        %add3A_466 = arith.addi %squeeze3A_453, %add3A_465 : i32
        %get3A_467 = arith.index_cast %add3A_451 : i32 to index
        %get3A_468 = arith.index_cast %add3A_466 : i32 to index
        %get3A_469 = tpu.vector_load %arg9[%get3A_467, %get3A_468] {strides = array<i32>} : memref<128x128xf32, #tpu.memory_space<vmem>>, vector<1x16xf32>,
        %get3A_470 = vector.shape_cast %get3A_469 : vector<1x16xf32> to vector<16xf32>
        %swap3A_471 = arith.index_cast %add3A_451 : i32 to index
        %swap3A_472 = arith.constant 16 : index
        %swap3A_473 = tpu.vector_load %arg11[%swap3A_471, %swap3A_472] {strides = array<i32>} : memref<128x64xf32, #tpu.memory_space<vmem>>, vector<1x16xf32>,
        %swap3A_474 = vector.shape_cast %swap3A_473 : vector<1x16xf32> to vector<16xf32>
        %swap3A_475 = vector.shape_cast %get3A_470 : vector<16xf32> to vector<1x16xf32>
        tpu.vector_store %arg11[%swap3A_471, %swap3A_472], %swap3A_475 {strides = array<i32>} : memref<128x64xf32, #tpu.memory_space<vmem>>, vector<1x16xf32>,
        %add3A_476 = arith.constant 32 : i32
        %add3A_477 = arith.addi %squeeze3A_453, %add3A_476 : i32
        %get3A_478 = arith.index_cast %add3A_451 : i32 to index
        %get3A_479 = arith.index_cast %add3A_477 : i32 to index
        %get3A_480 = tpu.vector_load %arg9[%get3A_478, %get3A_479] {strides = array<i32>} : memref<128x128xf32, #tpu.memory_space<vmem>>, vector<1x16xf32>,
        %get3A_481 = vector.shape_cast %get3A_480 : vector<1x16xf32> to vector<16xf32>
        %swap3A_482 = arith.index_cast %add3A_451 : i32 to index
        %swap3A_483 = arith.constant 32 : index
        %swap3A_484 = tpu.vector_load %arg11[%swap3A_482, %swap3A_483] {strides = array<i32>} : memref<128x64xf32, #tpu.memory_space<vmem>>, vector<1x16xf32>,
        %swap3A_485 = vector.shape_cast %swap3A_484 : vector<1x16xf32> to vector<16xf32>
        %swap3A_486 = vector.shape_cast %get3A_481 : vector<16xf32> to vector<1x16xf32>
        tpu.vector_store %arg11[%swap3A_482, %swap3A_483], %swap3A_486 {strides = array<i32>} : memref<128x64xf32, #tpu.memory_space<vmem>>, vector<1x16xf32>,
        %add3A_487 = arith.constant 48 : i32
        %add3A_488 = arith.addi %squeeze3A_453, %add3A_487 : i32
        %get3A_489 = arith.index_cast %add3A_451 : i32 to index
        %get3A_490 = arith.index_cast %add3A_488 : i32 to index
        %get3A_491 = tpu.vector_load %arg9[%get3A_489, %get3A_490] {strides = array<i32>} : memref<128x128xf32, #tpu.memory_space<vmem>>, vector<1x16xf32>,
        %get3A_492 = vector.shape_cast %get3A_491 : vector<1x16xf32> to vector<16xf32>
        %swap3A_493 = arith.index_cast %add3A_451 : i32 to index
        %swap3A_494 = arith.constant 48 : index
        %swap3A_495 = tpu.vector_load %arg11[%swap3A_493, %swap3A_494] {strides = array<i32>} : memref<128x64xf32, #tpu.memory_space<vmem>>, vector<1x16xf32>,
        %swap3A_496 = vector.shape_cast %swap3A_495 : vector<1x16xf32> to vector<16xf32>
        %swap3A_497 = vector.shape_cast %get3A_492 : vector<16xf32> to vector<1x16xf32>
        tpu.vector_store %arg11[%swap3A_493, %swap3A_494], %swap3A_497 {strides = array<i32>} : memref<128x64xf32, #tpu.memory_space<vmem>>, vector<1x16xf32>,
        %mul3A_498 = arith.constant 16 : i32
        %mul3A_499 = arith.muli %add3A_90, %mul3A_498 : i32
        %add3A_500 = arith.constant 8 : i32
        %add3A_501 = arith.addi %mul3A_499, %add3A_500 : i32
        %slice3A_502 = vector.extract_strided_slice %mul3A_100 {offsets = [8], sizes = [1], strides = [1]} : vector<16xi32> to vector<1xi32>
        %squeeze3A_503 = vector.extract %slice3A_502[0] : i32 from vector<1xi32>
        %add3A_504 = arith.constant 0 : i32
        %add3A_505 = arith.addi %squeeze3A_503, %add3A_504 : i32
        %get3A_506 = arith.index_cast %add3A_501 : i32 to index
        %get3A_507 = arith.index_cast %add3A_505 : i32 to index
        %get3A_508 = tpu.vector_load %arg9[%get3A_506, %get3A_507] {strides = array<i32>} : memref<128x128xf32, #tpu.memory_space<vmem>>, vector<1x16xf32>,
        %get3A_509 = vector.shape_cast %get3A_508 : vector<1x16xf32> to vector<16xf32>
        %swap3A_510 = arith.index_cast %add3A_501 : i32 to index
        %swap3A_511 = arith.constant 0 : index
        %swap3A_512 = tpu.vector_load %arg11[%swap3A_510, %swap3A_511] {strides = array<i32>} : memref<128x64xf32, #tpu.memory_space<vmem>>, vector<1x16xf32>,
        %swap3A_513 = vector.shape_cast %swap3A_512 : vector<1x16xf32> to vector<16xf32>
        %swap3A_514 = vector.shape_cast %get3A_509 : vector<16xf32> to vector<1x16xf32>
        tpu.vector_store %arg11[%swap3A_510, %swap3A_511], %swap3A_514 {strides = array<i32>} : memref<128x64xf32, #tpu.memory_space<vmem>>, vector<1x16xf32>,
        %add3A_515 = arith.constant 16 : i32
        %add3A_516 = arith.addi %squeeze3A_503, %add3A_515 : i32
        %get3A_517 = arith.index_cast %add3A_501 : i32 to index
        %get3A_518 = arith.index_cast %add3A_516 : i32 to index
        %get3A_519 = tpu.vector_load %arg9[%get3A_517, %get3A_518] {strides = array<i32>} : memref<128x128xf32, #tpu.memory_space<vmem>>, vector<1x16xf32>,
        %get3A_520 = vector.shape_cast %get3A_519 : vector<1x16xf32> to vector<16xf32>
        %swap3A_521 = arith.index_cast %add3A_501 : i32 to index
        %swap3A_522 = arith.constant 16 : index
        %swap3A_523 = tpu.vector_load %arg11[%swap3A_521, %swap3A_522] {strides = array<i32>} : memref<128x64xf32, #tpu.memory_space<vmem>>, vector<1x16xf32>,
        %swap3A_524 = vector.shape_cast %swap3A_523 : vector<1x16xf32> to vector<16xf32>
        %swap3A_525 = vector.shape_cast %get3A_520 : vector<16xf32> to vector<1x16xf32>
        tpu.vector_store %arg11[%swap3A_521, %swap3A_522], %swap3A_525 {strides = array<i32>} : memref<128x64xf32, #tpu.memory_space<vmem>>, vector<1x16xf32>,
        %add3A_526 = arith.constant 32 : i32
        %add3A_527 = arith.addi %squeeze3A_503, %add3A_526 : i32
        %get3A_528 = arith.index_cast %add3A_501 : i32 to index
        %get3A_529 = arith.index_cast %add3A_527 : i32 to index
        %get3A_530 = tpu.vector_load %arg9[%get3A_528, %get3A_529] {strides = array<i32>} : memref<128x128xf32, #tpu.memory_space<vmem>>, vector<1x16xf32>,
        %get3A_531 = vector.shape_cast %get3A_530 : vector<1x16xf32> to vector<16xf32>
        %swap3A_532 = arith.index_cast %add3A_501 : i32 to index
        %swap3A_533 = arith.constant 32 : index
        %swap3A_534 = tpu.vector_load %arg11[%swap3A_532, %swap3A_533] {strides = array<i32>} : memref<128x64xf32, #tpu.memory_space<vmem>>, vector<1x16xf32>,
        %swap3A_535 = vector.shape_cast %swap3A_534 : vector<1x16xf32> to vector<16xf32>
        %swap3A_536 = vector.shape_cast %get3A_531 : vector<16xf32> to vector<1x16xf32>
        tpu.vector_store %arg11[%swap3A_532, %swap3A_533], %swap3A_536 {strides = array<i32>} : memref<128x64xf32, #tpu.memory_space<vmem>>, vector<1x16xf32>,
        %add3A_537 = arith.constant 48 : i32
        %add3A_538 = arith.addi %squeeze3A_503, %add3A_537 : i32
        %get3A_539 = arith.index_cast %add3A_501 : i32 to index
        %get3A_540 = arith.index_cast %add3A_538 : i32 to index
        %get3A_541 = tpu.vector_load %arg9[%get3A_539, %get3A_540] {strides = array<i32>} : memref<128x128xf32, #tpu.memory_space<vmem>>, vector<1x16xf32>,
        %get3A_542 = vector.shape_cast %get3A_541 : vector<1x16xf32> to vector<16xf32>
        %swap3A_543 = arith.index_cast %add3A_501 : i32 to index
        %swap3A_544 = arith.constant 48 : index
        %swap3A_545 = tpu.vector_load %arg11[%swap3A_543, %swap3A_544] {strides = array<i32>} : memref<128x64xf32, #tpu.memory_space<vmem>>, vector<1x16xf32>,
        %swap3A_546 = vector.shape_cast %swap3A_545 : vector<1x16xf32> to vector<16xf32>
        %swap3A_547 = vector.shape_cast %get3A_542 : vector<16xf32> to vector<1x16xf32>
        tpu.vector_store %arg11[%swap3A_543, %swap3A_544], %swap3A_547 {strides = array<i32>} : memref<128x64xf32, #tpu.memory_space<vmem>>, vector<1x16xf32>,
        %mul3A_548 = arith.constant 16 : i32
        %mul3A_549 = arith.muli %add3A_90, %mul3A_548 : i32
        %add3A_550 = arith.constant 9 : i32
        %add3A_551 = arith.addi %mul3A_549, %add3A_550 : i32
        %slice3A_552 = vector.extract_strided_slice %mul3A_100 {offsets = [9], sizes = [1], strides = [1]} : vector<16xi32> to vector<1xi32>
        %squeeze3A_553 = vector.extract %slice3A_552[0] : i32 from vector<1xi32>
        %add3A_554 = arith.constant 0 : i32
        %add3A_555 = arith.addi %squeeze3A_553, %add3A_554 : i32
        %get3A_556 = arith.index_cast %add3A_551 : i32 to index
        %get3A_557 = arith.index_cast %add3A_555 : i32 to index
        %get3A_558 = tpu.vector_load %arg9[%get3A_556, %get3A_557] {strides = array<i32>} : memref<128x128xf32, #tpu.memory_space<vmem>>, vector<1x16xf32>,
        %get3A_559 = vector.shape_cast %get3A_558 : vector<1x16xf32> to vector<16xf32>
        %swap3A_560 = arith.index_cast %add3A_551 : i32 to index
        %swap3A_561 = arith.constant 0 : index
        %swap3A_562 = tpu.vector_load %arg11[%swap3A_560, %swap3A_561] {strides = array<i32>} : memref<128x64xf32, #tpu.memory_space<vmem>>, vector<1x16xf32>,
        %swap3A_563 = vector.shape_cast %swap3A_562 : vector<1x16xf32> to vector<16xf32>
        %swap3A_564 = vector.shape_cast %get3A_559 : vector<16xf32> to vector<1x16xf32>
        tpu.vector_store %arg11[%swap3A_560, %swap3A_561], %swap3A_564 {strides = array<i32>} : memref<128x64xf32, #tpu.memory_space<vmem>>, vector<1x16xf32>,
        %add3A_565 = arith.constant 16 : i32
        %add3A_566 = arith.addi %squeeze3A_553, %add3A_565 : i32
        %get3A_567 = arith.index_cast %add3A_551 : i32 to index
        %get3A_568 = arith.index_cast %add3A_566 : i32 to index
        %get3A_569 = tpu.vector_load %arg9[%get3A_567, %get3A_568] {strides = array<i32>} : memref<128x128xf32, #tpu.memory_space<vmem>>, vector<1x16xf32>,
        %get3A_570 = vector.shape_cast %get3A_569 : vector<1x16xf32> to vector<16xf32>
        %swap3A_571 = arith.index_cast %add3A_551 : i32 to index
        %swap3A_572 = arith.constant 16 : index
        %swap3A_573 = tpu.vector_load %arg11[%swap3A_571, %swap3A_572] {strides = array<i32>} : memref<128x64xf32, #tpu.memory_space<vmem>>, vector<1x16xf32>,
        %swap3A_574 = vector.shape_cast %swap3A_573 : vector<1x16xf32> to vector<16xf32>
        %swap3A_575 = vector.shape_cast %get3A_570 : vector<16xf32> to vector<1x16xf32>
        tpu.vector_store %arg11[%swap3A_571, %swap3A_572], %swap3A_575 {strides = array<i32>} : memref<128x64xf32, #tpu.memory_space<vmem>>, vector<1x16xf32>,
        %add3A_576 = arith.constant 32 : i32
        %add3A_577 = arith.addi %squeeze3A_553, %add3A_576 : i32
        %get3A_578 = arith.index_cast %add3A_551 : i32 to index
        %get3A_579 = arith.index_cast %add3A_577 : i32 to index
        %get3A_580 = tpu.vector_load %arg9[%get3A_578, %get3A_579] {strides = array<i32>} : memref<128x128xf32, #tpu.memory_space<vmem>>, vector<1x16xf32>,
        %get3A_581 = vector.shape_cast %get3A_580 : vector<1x16xf32> to vector<16xf32>
        %swap3A_582 = arith.index_cast %add3A_551 : i32 to index
        %swap3A_583 = arith.constant 32 : index
        %swap3A_584 = tpu.vector_load %arg11[%swap3A_582, %swap3A_583] {strides = array<i32>} : memref<128x64xf32, #tpu.memory_space<vmem>>, vector<1x16xf32>,
        %swap3A_585 = vector.shape_cast %swap3A_584 : vector<1x16xf32> to vector<16xf32>
        %swap3A_586 = vector.shape_cast %get3A_581 : vector<16xf32> to vector<1x16xf32>
        tpu.vector_store %arg11[%swap3A_582, %swap3A_583], %swap3A_586 {strides = array<i32>} : memref<128x64xf32, #tpu.memory_space<vmem>>, vector<1x16xf32>,
        %add3A_587 = arith.constant 48 : i32
        %add3A_588 = arith.addi %squeeze3A_553, %add3A_587 : i32
        %get3A_589 = arith.index_cast %add3A_551 : i32 to index
        %get3A_590 = arith.index_cast %add3A_588 : i32 to index
        %get3A_591 = tpu.vector_load %arg9[%get3A_589, %get3A_590] {strides = array<i32>} : memref<128x128xf32, #tpu.memory_space<vmem>>, vector<1x16xf32>,
        %get3A_592 = vector.shape_cast %get3A_591 : vector<1x16xf32> to vector<16xf32>
        %swap3A_593 = arith.index_cast %add3A_551 : i32 to index
        %swap3A_594 = arith.constant 48 : index
        %swap3A_595 = tpu.vector_load %arg11[%swap3A_593, %swap3A_594] {strides = array<i32>} : memref<128x64xf32, #tpu.memory_space<vmem>>, vector<1x16xf32>,
        %swap3A_596 = vector.shape_cast %swap3A_595 : vector<1x16xf32> to vector<16xf32>
        %swap3A_597 = vector.shape_cast %get3A_592 : vector<16xf32> to vector<1x16xf32>
        tpu.vector_store %arg11[%swap3A_593, %swap3A_594], %swap3A_597 {strides = array<i32>} : memref<128x64xf32, #tpu.memory_space<vmem>>, vector<1x16xf32>,
        %mul3A_598 = arith.constant 16 : i32
        %mul3A_599 = arith.muli %add3A_90, %mul3A_598 : i32
        %add3A_600 = arith.constant 10 : i32
        %add3A_601 = arith.addi %mul3A_599, %add3A_600 : i32
        %slice3A_602 = vector.extract_strided_slice %mul3A_100 {offsets = [10], sizes = [1], strides = [1]} : vector<16xi32> to vector<1xi32>
        %squeeze3A_603 = vector.extract %slice3A_602[0] : i32 from vector<1xi32>
        %add3A_604 = arith.constant 0 : i32
        %add3A_605 = arith.addi %squeeze3A_603, %add3A_604 : i32
        %get3A_606 = arith.index_cast %add3A_601 : i32 to index
        %get3A_607 = arith.index_cast %add3A_605 : i32 to index
        %get3A_608 = tpu.vector_load %arg9[%get3A_606, %get3A_607] {strides = array<i32>} : memref<128x128xf32, #tpu.memory_space<vmem>>, vector<1x16xf32>,
        %get3A_609 = vector.shape_cast %get3A_608 : vector<1x16xf32> to vector<16xf32>
        %swap3A_610 = arith.index_cast %add3A_601 : i32 to index
        %swap3A_611 = arith.constant 0 : index
        %swap3A_612 = tpu.vector_load %arg11[%swap3A_610, %swap3A_611] {strides = array<i32>} : memref<128x64xf32, #tpu.memory_space<vmem>>, vector<1x16xf32>,
        %swap3A_613 = vector.shape_cast %swap3A_612 : vector<1x16xf32> to vector<16xf32>
        %swap3A_614 = vector.shape_cast %get3A_609 : vector<16xf32> to vector<1x16xf32>
        tpu.vector_store %arg11[%swap3A_610, %swap3A_611], %swap3A_614 {strides = array<i32>} : memref<128x64xf32, #tpu.memory_space<vmem>>, vector<1x16xf32>,
        %add3A_615 = arith.constant 16 : i32
        %add3A_616 = arith.addi %squeeze3A_603, %add3A_615 : i32
        %get3A_617 = arith.index_cast %add3A_601 : i32 to index
        %get3A_618 = arith.index_cast %add3A_616 : i32 to index
        %get3A_619 = tpu.vector_load %arg9[%get3A_617, %get3A_618] {strides = array<i32>} : memref<128x128xf32, #tpu.memory_space<vmem>>, vector<1x16xf32>,
        %get3A_620 = vector.shape_cast %get3A_619 : vector<1x16xf32> to vector<16xf32>
        %swap3A_621 = arith.index_cast %add3A_601 : i32 to index
        %swap3A_622 = arith.constant 16 : index
        %swap3A_623 = tpu.vector_load %arg11[%swap3A_621, %swap3A_622] {strides = array<i32>} : memref<128x64xf32, #tpu.memory_space<vmem>>, vector<1x16xf32>,
        %swap3A_624 = vector.shape_cast %swap3A_623 : vector<1x16xf32> to vector<16xf32>
        %swap3A_625 = vector.shape_cast %get3A_620 : vector<16xf32> to vector<1x16xf32>
        tpu.vector_store %arg11[%swap3A_621, %swap3A_622], %swap3A_625 {strides = array<i32>} : memref<128x64xf32, #tpu.memory_space<vmem>>, vector<1x16xf32>,
        %add3A_626 = arith.constant 32 : i32
        %add3A_627 = arith.addi %squeeze3A_603, %add3A_626 : i32
        %get3A_628 = arith.index_cast %add3A_601 : i32 to index
        %get3A_629 = arith.index_cast %add3A_627 : i32 to index
        %get3A_630 = tpu.vector_load %arg9[%get3A_628, %get3A_629] {strides = array<i32>} : memref<128x128xf32, #tpu.memory_space<vmem>>, vector<1x16xf32>,
        %get3A_631 = vector.shape_cast %get3A_630 : vector<1x16xf32> to vector<16xf32>
        %swap3A_632 = arith.index_cast %add3A_601 : i32 to index
        %swap3A_633 = arith.constant 32 : index
        %swap3A_634 = tpu.vector_load %arg11[%swap3A_632, %swap3A_633] {strides = array<i32>} : memref<128x64xf32, #tpu.memory_space<vmem>>, vector<1x16xf32>,
        %swap3A_635 = vector.shape_cast %swap3A_634 : vector<1x16xf32> to vector<16xf32>
        %swap3A_636 = vector.shape_cast %get3A_631 : vector<16xf32> to vector<1x16xf32>
        tpu.vector_store %arg11[%swap3A_632, %swap3A_633], %swap3A_636 {strides = array<i32>} : memref<128x64xf32, #tpu.memory_space<vmem>>, vector<1x16xf32>,
        %add3A_637 = arith.constant 48 : i32
        %add3A_638 = arith.addi %squeeze3A_603, %add3A_637 : i32
        %get3A_639 = arith.index_cast %add3A_601 : i32 to index
        %get3A_640 = arith.index_cast %add3A_638 : i32 to index
        %get3A_641 = tpu.vector_load %arg9[%get3A_639, %get3A_640] {strides = array<i32>} : memref<128x128xf32, #tpu.memory_space<vmem>>, vector<1x16xf32>,
        %get3A_642 = vector.shape_cast %get3A_641 : vector<1x16xf32> to vector<16xf32>
        %swap3A_643 = arith.index_cast %add3A_601 : i32 to index
        %swap3A_644 = arith.constant 48 : index
        %swap3A_645 = tpu.vector_load %arg11[%swap3A_643, %swap3A_644] {strides = array<i32>} : memref<128x64xf32, #tpu.memory_space<vmem>>, vector<1x16xf32>,
        %swap3A_646 = vector.shape_cast %swap3A_645 : vector<1x16xf32> to vector<16xf32>
        %swap3A_647 = vector.shape_cast %get3A_642 : vector<16xf32> to vector<1x16xf32>
        tpu.vector_store %arg11[%swap3A_643, %swap3A_644], %swap3A_647 {strides = array<i32>} : memref<128x64xf32, #tpu.memory_space<vmem>>, vector<1x16xf32>,
        %mul3A_648 = arith.constant 16 : i32
        %mul3A_649 = arith.muli %add3A_90, %mul3A_648 : i32
        %add3A_650 = arith.constant 11 : i32
        %add3A_651 = arith.addi %mul3A_649, %add3A_650 : i32
        %slice3A_652 = vector.extract_strided_slice %mul3A_100 {offsets = [11], sizes = [1], strides = [1]} : vector<16xi32> to vector<1xi32>
        %squeeze3A_653 = vector.extract %slice3A_652[0] : i32 from vector<1xi32>
        %add3A_654 = arith.constant 0 : i32
        %add3A_655 = arith.addi %squeeze3A_653, %add3A_654 : i32
        %get3A_656 = arith.index_cast %add3A_651 : i32 to index
        %get3A_657 = arith.index_cast %add3A_655 : i32 to index
        %get3A_658 = tpu.vector_load %arg9[%get3A_656, %get3A_657] {strides = array<i32>} : memref<128x128xf32, #tpu.memory_space<vmem>>, vector<1x16xf32>,
        %get3A_659 = vector.shape_cast %get3A_658 : vector<1x16xf32> to vector<16xf32>
        %swap3A_660 = arith.index_cast %add3A_651 : i32 to index
        %swap3A_661 = arith.constant 0 : index
        %swap3A_662 = tpu.vector_load %arg11[%swap3A_660, %swap3A_661] {strides = array<i32>} : memref<128x64xf32, #tpu.memory_space<vmem>>, vector<1x16xf32>,
        %swap3A_663 = vector.shape_cast %swap3A_662 : vector<1x16xf32> to vector<16xf32>
        %swap3A_664 = vector.shape_cast %get3A_659 : vector<16xf32> to vector<1x16xf32>
        tpu.vector_store %arg11[%swap3A_660, %swap3A_661], %swap3A_664 {strides = array<i32>} : memref<128x64xf32, #tpu.memory_space<vmem>>, vector<1x16xf32>,
        %add3A_665 = arith.constant 16 : i32
        %add3A_666 = arith.addi %squeeze3A_653, %add3A_665 : i32
        %get3A_667 = arith.index_cast %add3A_651 : i32 to index
        %get3A_668 = arith.index_cast %add3A_666 : i32 to index
        %get3A_669 = tpu.vector_load %arg9[%get3A_667, %get3A_668] {strides = array<i32>} : memref<128x128xf32, #tpu.memory_space<vmem>>, vector<1x16xf32>,
        %get3A_670 = vector.shape_cast %get3A_669 : vector<1x16xf32> to vector<16xf32>
        %swap3A_671 = arith.index_cast %add3A_651 : i32 to index
        %swap3A_672 = arith.constant 16 : index
        %swap3A_673 = tpu.vector_load %arg11[%swap3A_671, %swap3A_672] {strides = array<i32>} : memref<128x64xf32, #tpu.memory_space<vmem>>, vector<1x16xf32>,
        %swap3A_674 = vector.shape_cast %swap3A_673 : vector<1x16xf32> to vector<16xf32>
        %swap3A_675 = vector.shape_cast %get3A_670 : vector<16xf32> to vector<1x16xf32>
        tpu.vector_store %arg11[%swap3A_671, %swap3A_672], %swap3A_675 {strides = array<i32>} : memref<128x64xf32, #tpu.memory_space<vmem>>, vector<1x16xf32>,
        %add3A_676 = arith.constant 32 : i32
        %add3A_677 = arith.addi %squeeze3A_653, %add3A_676 : i32
        %get3A_678 = arith.index_cast %add3A_651 : i32 to index
        %get3A_679 = arith.index_cast %add3A_677 : i32 to index
        %get3A_680 = tpu.vector_load %arg9[%get3A_678, %get3A_679] {strides = array<i32>} : memref<128x128xf32, #tpu.memory_space<vmem>>, vector<1x16xf32>,
        %get3A_681 = vector.shape_cast %get3A_680 : vector<1x16xf32> to vector<16xf32>
        %swap3A_682 = arith.index_cast %add3A_651 : i32 to index
        %swap3A_683 = arith.constant 32 : index
        %swap3A_684 = tpu.vector_load %arg11[%swap3A_682, %swap3A_683] {strides = array<i32>} : memref<128x64xf32, #tpu.memory_space<vmem>>, vector<1x16xf32>,
        %swap3A_685 = vector.shape_cast %swap3A_684 : vector<1x16xf32> to vector<16xf32>
        %swap3A_686 = vector.shape_cast %get3A_681 : vector<16xf32> to vector<1x16xf32>
        tpu.vector_store %arg11[%swap3A_682, %swap3A_683], %swap3A_686 {strides = array<i32>} : memref<128x64xf32, #tpu.memory_space<vmem>>, vector<1x16xf32>,
        %add3A_687 = arith.constant 48 : i32
        %add3A_688 = arith.addi %squeeze3A_653, %add3A_687 : i32
        %get3A_689 = arith.index_cast %add3A_651 : i32 to index
        %get3A_690 = arith.index_cast %add3A_688 : i32 to index
        %get3A_691 = tpu.vector_load %arg9[%get3A_689, %get3A_690] {strides = array<i32>} : memref<128x128xf32, #tpu.memory_space<vmem>>, vector<1x16xf32>,
        %get3A_692 = vector.shape_cast %get3A_691 : vector<1x16xf32> to vector<16xf32>
        %swap3A_693 = arith.index_cast %add3A_651 : i32 to index
        %swap3A_694 = arith.constant 48 : index
        %swap3A_695 = tpu.vector_load %arg11[%swap3A_693, %swap3A_694] {strides = array<i32>} : memref<128x64xf32, #tpu.memory_space<vmem>>, vector<1x16xf32>,
        %swap3A_696 = vector.shape_cast %swap3A_695 : vector<1x16xf32> to vector<16xf32>
        %swap3A_697 = vector.shape_cast %get3A_692 : vector<16xf32> to vector<1x16xf32>
        tpu.vector_store %arg11[%swap3A_693, %swap3A_694], %swap3A_697 {strides = array<i32>} : memref<128x64xf32, #tpu.memory_space<vmem>>, vector<1x16xf32>,
        %mul3A_698 = arith.constant 16 : i32
        %mul3A_699 = arith.muli %add3A_90, %mul3A_698 : i32
        %add3A_700 = arith.constant 12 : i32
        %add3A_701 = arith.addi %mul3A_699, %add3A_700 : i32
        %slice3A_702 = vector.extract_strided_slice %mul3A_100 {offsets = [12], sizes = [1], strides = [1]} : vector<16xi32> to vector<1xi32>
        %squeeze3A_703 = vector.extract %slice3A_702[0] : i32 from vector<1xi32>
        %add3A_704 = arith.constant 0 : i32
        %add3A_705 = arith.addi %squeeze3A_703, %add3A_704 : i32
        %get3A_706 = arith.index_cast %add3A_701 : i32 to index
        %get3A_707 = arith.index_cast %add3A_705 : i32 to index
        %get3A_708 = tpu.vector_load %arg9[%get3A_706, %get3A_707] {strides = array<i32>} : memref<128x128xf32, #tpu.memory_space<vmem>>, vector<1x16xf32>,
        %get3A_709 = vector.shape_cast %get3A_708 : vector<1x16xf32> to vector<16xf32>
        %swap3A_710 = arith.index_cast %add3A_701 : i32 to index
        %swap3A_711 = arith.constant 0 : index
        %swap3A_712 = tpu.vector_load %arg11[%swap3A_710, %swap3A_711] {strides = array<i32>} : memref<128x64xf32, #tpu.memory_space<vmem>>, vector<1x16xf32>,
        %swap3A_713 = vector.shape_cast %swap3A_712 : vector<1x16xf32> to vector<16xf32>
        %swap3A_714 = vector.shape_cast %get3A_709 : vector<16xf32> to vector<1x16xf32>
        tpu.vector_store %arg11[%swap3A_710, %swap3A_711], %swap3A_714 {strides = array<i32>} : memref<128x64xf32, #tpu.memory_space<vmem>>, vector<1x16xf32>,
        %add3A_715 = arith.constant 16 : i32
        %add3A_716 = arith.addi %squeeze3A_703, %add3A_715 : i32
        %get3A_717 = arith.index_cast %add3A_701 : i32 to index
        %get3A_718 = arith.index_cast %add3A_716 : i32 to index
        %get3A_719 = tpu.vector_load %arg9[%get3A_717, %get3A_718] {strides = array<i32>} : memref<128x128xf32, #tpu.memory_space<vmem>>, vector<1x16xf32>,
        %get3A_720 = vector.shape_cast %get3A_719 : vector<1x16xf32> to vector<16xf32>
        %swap3A_721 = arith.index_cast %add3A_701 : i32 to index
        %swap3A_722 = arith.constant 16 : index
        %swap3A_723 = tpu.vector_load %arg11[%swap3A_721, %swap3A_722] {strides = array<i32>} : memref<128x64xf32, #tpu.memory_space<vmem>>, vector<1x16xf32>,
        %swap3A_724 = vector.shape_cast %swap3A_723 : vector<1x16xf32> to vector<16xf32>
        %swap3A_725 = vector.shape_cast %get3A_720 : vector<16xf32> to vector<1x16xf32>
        tpu.vector_store %arg11[%swap3A_721, %swap3A_722], %swap3A_725 {strides = array<i32>} : memref<128x64xf32, #tpu.memory_space<vmem>>, vector<1x16xf32>,
        %add3A_726 = arith.constant 32 : i32
        %add3A_727 = arith.addi %squeeze3A_703, %add3A_726 : i32
        %get3A_728 = arith.index_cast %add3A_701 : i32 to index
        %get3A_729 = arith.index_cast %add3A_727 : i32 to index
        %get3A_730 = tpu.vector_load %arg9[%get3A_728, %get3A_729] {strides = array<i32>} : memref<128x128xf32, #tpu.memory_space<vmem>>, vector<1x16xf32>,
        %get3A_731 = vector.shape_cast %get3A_730 : vector<1x16xf32> to vector<16xf32>
        %swap3A_732 = arith.index_cast %add3A_701 : i32 to index
        %swap3A_733 = arith.constant 32 : index
        %swap3A_734 = tpu.vector_load %arg11[%swap3A_732, %swap3A_733] {strides = array<i32>} : memref<128x64xf32, #tpu.memory_space<vmem>>, vector<1x16xf32>,
        %swap3A_735 = vector.shape_cast %swap3A_734 : vector<1x16xf32> to vector<16xf32>
        %swap3A_736 = vector.shape_cast %get3A_731 : vector<16xf32> to vector<1x16xf32>
        tpu.vector_store %arg11[%swap3A_732, %swap3A_733], %swap3A_736 {strides = array<i32>} : memref<128x64xf32, #tpu.memory_space<vmem>>, vector<1x16xf32>,
        %add3A_737 = arith.constant 48 : i32
        %add3A_738 = arith.addi %squeeze3A_703, %add3A_737 : i32
        %get3A_739 = arith.index_cast %add3A_701 : i32 to index
        %get3A_740 = arith.index_cast %add3A_738 : i32 to index
        %get3A_741 = tpu.vector_load %arg9[%get3A_739, %get3A_740] {strides = array<i32>} : memref<128x128xf32, #tpu.memory_space<vmem>>, vector<1x16xf32>,
        %get3A_742 = vector.shape_cast %get3A_741 : vector<1x16xf32> to vector<16xf32>
        %swap3A_743 = arith.index_cast %add3A_701 : i32 to index
        %swap3A_744 = arith.constant 48 : index
        %swap3A_745 = tpu.vector_load %arg11[%swap3A_743, %swap3A_744] {strides = array<i32>} : memref<128x64xf32, #tpu.memory_space<vmem>>, vector<1x16xf32>,
        %swap3A_746 = vector.shape_cast %swap3A_745 : vector<1x16xf32> to vector<16xf32>
        %swap3A_747 = vector.shape_cast %get3A_742 : vector<16xf32> to vector<1x16xf32>
        tpu.vector_store %arg11[%swap3A_743, %swap3A_744], %swap3A_747 {strides = array<i32>} : memref<128x64xf32, #tpu.memory_space<vmem>>, vector<1x16xf32>,
        %mul3A_748 = arith.constant 16 : i32
        %mul3A_749 = arith.muli %add3A_90, %mul3A_748 : i32
        %add3A_750 = arith.constant 13 : i32
        %add3A_751 = arith.addi %mul3A_749, %add3A_750 : i32
        %slice3A_752 = vector.extract_strided_slice %mul3A_100 {offsets = [13], sizes = [1], strides = [1]} : vector<16xi32> to vector<1xi32>
        %squeeze3A_753 = vector.extract %slice3A_752[0] : i32 from vector<1xi32>
        %add3A_754 = arith.constant 0 : i32
        %add3A_755 = arith.addi %squeeze3A_753, %add3A_754 : i32
        %get3A_756 = arith.index_cast %add3A_751 : i32 to index
        %get3A_757 = arith.index_cast %add3A_755 : i32 to index
        %get3A_758 = tpu.vector_load %arg9[%get3A_756, %get3A_757] {strides = array<i32>} : memref<128x128xf32, #tpu.memory_space<vmem>>, vector<1x16xf32>,
        %get3A_759 = vector.shape_cast %get3A_758 : vector<1x16xf32> to vector<16xf32>
        %swap3A_760 = arith.index_cast %add3A_751 : i32 to index
        %swap3A_761 = arith.constant 0 : index
        %swap3A_762 = tpu.vector_load %arg11[%swap3A_760, %swap3A_761] {strides = array<i32>} : memref<128x64xf32, #tpu.memory_space<vmem>>, vector<1x16xf32>,
        %swap3A_763 = vector.shape_cast %swap3A_762 : vector<1x16xf32> to vector<16xf32>
        %swap3A_764 = vector.shape_cast %get3A_759 : vector<16xf32> to vector<1x16xf32>
        tpu.vector_store %arg11[%swap3A_760, %swap3A_761], %swap3A_764 {strides = array<i32>} : memref<128x64xf32, #tpu.memory_space<vmem>>, vector<1x16xf32>,
        %add3A_765 = arith.constant 16 : i32
        %add3A_766 = arith.addi %squeeze3A_753, %add3A_765 : i32
        %get3A_767 = arith.index_cast %add3A_751 : i32 to index
        %get3A_768 = arith.index_cast %add3A_766 : i32 to index
        %get3A_769 = tpu.vector_load %arg9[%get3A_767, %get3A_768] {strides = array<i32>} : memref<128x128xf32, #tpu.memory_space<vmem>>, vector<1x16xf32>,
        %get3A_770 = vector.shape_cast %get3A_769 : vector<1x16xf32> to vector<16xf32>
        %swap3A_771 = arith.index_cast %add3A_751 : i32 to index
        %swap3A_772 = arith.constant 16 : index
        %swap3A_773 = tpu.vector_load %arg11[%swap3A_771, %swap3A_772] {strides = array<i32>} : memref<128x64xf32, #tpu.memory_space<vmem>>, vector<1x16xf32>,
        %swap3A_774 = vector.shape_cast %swap3A_773 : vector<1x16xf32> to vector<16xf32>
        %swap3A_775 = vector.shape_cast %get3A_770 : vector<16xf32> to vector<1x16xf32>
        tpu.vector_store %arg11[%swap3A_771, %swap3A_772], %swap3A_775 {strides = array<i32>} : memref<128x64xf32, #tpu.memory_space<vmem>>, vector<1x16xf32>,
        %add3A_776 = arith.constant 32 : i32
        %add3A_777 = arith.addi %squeeze3A_753, %add3A_776 : i32
        %get3A_778 = arith.index_cast %add3A_751 : i32 to index
        %get3A_779 = arith.index_cast %add3A_777 : i32 to index
        %get3A_780 = tpu.vector_load %arg9[%get3A_778, %get3A_779] {strides = array<i32>} : memref<128x128xf32, #tpu.memory_space<vmem>>, vector<1x16xf32>,
        %get3A_781 = vector.shape_cast %get3A_780 : vector<1x16xf32> to vector<16xf32>
        %swap3A_782 = arith.index_cast %add3A_751 : i32 to index
        %swap3A_783 = arith.constant 32 : index
        %swap3A_784 = tpu.vector_load %arg11[%swap3A_782, %swap3A_783] {strides = array<i32>} : memref<128x64xf32, #tpu.memory_space<vmem>>, vector<1x16xf32>,
        %swap3A_785 = vector.shape_cast %swap3A_784 : vector<1x16xf32> to vector<16xf32>
        %swap3A_786 = vector.shape_cast %get3A_781 : vector<16xf32> to vector<1x16xf32>
        tpu.vector_store %arg11[%swap3A_782, %swap3A_783], %swap3A_786 {strides = array<i32>} : memref<128x64xf32, #tpu.memory_space<vmem>>, vector<1x16xf32>,
        %add3A_787 = arith.constant 48 : i32
        %add3A_788 = arith.addi %squeeze3A_753, %add3A_787 : i32
        %get3A_789 = arith.index_cast %add3A_751 : i32 to index
        %get3A_790 = arith.index_cast %add3A_788 : i32 to index
        %get3A_791 = tpu.vector_load %arg9[%get3A_789, %get3A_790] {strides = array<i32>} : memref<128x128xf32, #tpu.memory_space<vmem>>, vector<1x16xf32>,
        %get3A_792 = vector.shape_cast %get3A_791 : vector<1x16xf32> to vector<16xf32>
        %swap3A_793 = arith.index_cast %add3A_751 : i32 to index
        %swap3A_794 = arith.constant 48 : index
        %swap3A_795 = tpu.vector_load %arg11[%swap3A_793, %swap3A_794] {strides = array<i32>} : memref<128x64xf32, #tpu.memory_space<vmem>>, vector<1x16xf32>,
        %swap3A_796 = vector.shape_cast %swap3A_795 : vector<1x16xf32> to vector<16xf32>
        %swap3A_797 = vector.shape_cast %get3A_792 : vector<16xf32> to vector<1x16xf32>
        tpu.vector_store %arg11[%swap3A_793, %swap3A_794], %swap3A_797 {strides = array<i32>} : memref<128x64xf32, #tpu.memory_space<vmem>>, vector<1x16xf32>,
        %mul3A_798 = arith.constant 16 : i32
        %mul3A_799 = arith.muli %add3A_90, %mul3A_798 : i32
        %add3A_800 = arith.constant 14 : i32
        %add3A_801 = arith.addi %mul3A_799, %add3A_800 : i32
        %slice3A_802 = vector.extract_strided_slice %mul3A_100 {offsets = [14], sizes = [1], strides = [1]} : vector<16xi32> to vector<1xi32>
        %squeeze3A_803 = vector.extract %slice3A_802[0] : i32 from vector<1xi32>
        %add3A_804 = arith.constant 0 : i32
        %add3A_805 = arith.addi %squeeze3A_803, %add3A_804 : i32
        %get3A_806 = arith.index_cast %add3A_801 : i32 to index
        %get3A_807 = arith.index_cast %add3A_805 : i32 to index
        %get3A_808 = tpu.vector_load %arg9[%get3A_806, %get3A_807] {strides = array<i32>} : memref<128x128xf32, #tpu.memory_space<vmem>>, vector<1x16xf32>,
        %get3A_809 = vector.shape_cast %get3A_808 : vector<1x16xf32> to vector<16xf32>
        %swap3A_810 = arith.index_cast %add3A_801 : i32 to index
        %swap3A_811 = arith.constant 0 : index
        %swap3A_812 = tpu.vector_load %arg11[%swap3A_810, %swap3A_811] {strides = array<i32>} : memref<128x64xf32, #tpu.memory_space<vmem>>, vector<1x16xf32>,
        %swap3A_813 = vector.shape_cast %swap3A_812 : vector<1x16xf32> to vector<16xf32>
        %swap3A_814 = vector.shape_cast %get3A_809 : vector<16xf32> to vector<1x16xf32>
        tpu.vector_store %arg11[%swap3A_810, %swap3A_811], %swap3A_814 {strides = array<i32>} : memref<128x64xf32, #tpu.memory_space<vmem>>, vector<1x16xf32>,
        %add3A_815 = arith.constant 16 : i32
        %add3A_816 = arith.addi %squeeze3A_803, %add3A_815 : i32
        %get3A_817 = arith.index_cast %add3A_801 : i32 to index
        %get3A_818 = arith.index_cast %add3A_816 : i32 to index
        %get3A_819 = tpu.vector_load %arg9[%get3A_817, %get3A_818] {strides = array<i32>} : memref<128x128xf32, #tpu.memory_space<vmem>>, vector<1x16xf32>,
        %get3A_820 = vector.shape_cast %get3A_819 : vector<1x16xf32> to vector<16xf32>
        %swap3A_821 = arith.index_cast %add3A_801 : i32 to index
        %swap3A_822 = arith.constant 16 : index
        %swap3A_823 = tpu.vector_load %arg11[%swap3A_821, %swap3A_822] {strides = array<i32>} : memref<128x64xf32, #tpu.memory_space<vmem>>, vector<1x16xf32>,
        %swap3A_824 = vector.shape_cast %swap3A_823 : vector<1x16xf32> to vector<16xf32>
        %swap3A_825 = vector.shape_cast %get3A_820 : vector<16xf32> to vector<1x16xf32>
        tpu.vector_store %arg11[%swap3A_821, %swap3A_822], %swap3A_825 {strides = array<i32>} : memref<128x64xf32, #tpu.memory_space<vmem>>, vector<1x16xf32>,
        %add3A_826 = arith.constant 32 : i32
        %add3A_827 = arith.addi %squeeze3A_803, %add3A_826 : i32
        %get3A_828 = arith.index_cast %add3A_801 : i32 to index
        %get3A_829 = arith.index_cast %add3A_827 : i32 to index
        %get3A_830 = tpu.vector_load %arg9[%get3A_828, %get3A_829] {strides = array<i32>} : memref<128x128xf32, #tpu.memory_space<vmem>>, vector<1x16xf32>,
        %get3A_831 = vector.shape_cast %get3A_830 : vector<1x16xf32> to vector<16xf32>
        %swap3A_832 = arith.index_cast %add3A_801 : i32 to index
        %swap3A_833 = arith.constant 32 : index
        %swap3A_834 = tpu.vector_load %arg11[%swap3A_832, %swap3A_833] {strides = array<i32>} : memref<128x64xf32, #tpu.memory_space<vmem>>, vector<1x16xf32>,
        %swap3A_835 = vector.shape_cast %swap3A_834 : vector<1x16xf32> to vector<16xf32>
        %swap3A_836 = vector.shape_cast %get3A_831 : vector<16xf32> to vector<1x16xf32>
        tpu.vector_store %arg11[%swap3A_832, %swap3A_833], %swap3A_836 {strides = array<i32>} : memref<128x64xf32, #tpu.memory_space<vmem>>, vector<1x16xf32>,
        %add3A_837 = arith.constant 48 : i32
        %add3A_838 = arith.addi %squeeze3A_803, %add3A_837 : i32
        %get3A_839 = arith.index_cast %add3A_801 : i32 to index
        %get3A_840 = arith.index_cast %add3A_838 : i32 to index
        %get3A_841 = tpu.vector_load %arg9[%get3A_839, %get3A_840] {strides = array<i32>} : memref<128x128xf32, #tpu.memory_space<vmem>>, vector<1x16xf32>,
        %get3A_842 = vector.shape_cast %get3A_841 : vector<1x16xf32> to vector<16xf32>
        %swap3A_843 = arith.index_cast %add3A_801 : i32 to index
        %swap3A_844 = arith.constant 48 : index
        %swap3A_845 = tpu.vector_load %arg11[%swap3A_843, %swap3A_844] {strides = array<i32>} : memref<128x64xf32, #tpu.memory_space<vmem>>, vector<1x16xf32>,
        %swap3A_846 = vector.shape_cast %swap3A_845 : vector<1x16xf32> to vector<16xf32>
        %swap3A_847 = vector.shape_cast %get3A_842 : vector<16xf32> to vector<1x16xf32>
        tpu.vector_store %arg11[%swap3A_843, %swap3A_844], %swap3A_847 {strides = array<i32>} : memref<128x64xf32, #tpu.memory_space<vmem>>, vector<1x16xf32>,
        %mul3A_848 = arith.constant 16 : i32
        %mul3A_849 = arith.muli %add3A_90, %mul3A_848 : i32
        %add3A_850 = arith.constant 15 : i32
        %add3A_851 = arith.addi %mul3A_849, %add3A_850 : i32
        %slice3A_852 = vector.extract_strided_slice %mul3A_100 {offsets = [15], sizes = [1], strides = [1]} : vector<16xi32> to vector<1xi32>
        %squeeze3A_853 = vector.extract %slice3A_852[0] : i32 from vector<1xi32>
        %add3A_854 = arith.constant 0 : i32
        %add3A_855 = arith.addi %squeeze3A_853, %add3A_854 : i32
        %get3A_856 = arith.index_cast %add3A_851 : i32 to index
        %get3A_857 = arith.index_cast %add3A_855 : i32 to index
        %get3A_858 = tpu.vector_load %arg9[%get3A_856, %get3A_857] {strides = array<i32>} : memref<128x128xf32, #tpu.memory_space<vmem>>, vector<1x16xf32>,
        %get3A_859 = vector.shape_cast %get3A_858 : vector<1x16xf32> to vector<16xf32>
        %swap3A_860 = arith.index_cast %add3A_851 : i32 to index
        %swap3A_861 = arith.constant 0 : index
        %swap3A_862 = tpu.vector_load %arg11[%swap3A_860, %swap3A_861] {strides = array<i32>} : memref<128x64xf32, #tpu.memory_space<vmem>>, vector<1x16xf32>,
        %swap3A_863 = vector.shape_cast %swap3A_862 : vector<1x16xf32> to vector<16xf32>
        %swap3A_864 = vector.shape_cast %get3A_859 : vector<16xf32> to vector<1x16xf32>
        tpu.vector_store %arg11[%swap3A_860, %swap3A_861], %swap3A_864 {strides = array<i32>} : memref<128x64xf32, #tpu.memory_space<vmem>>, vector<1x16xf32>,
        %add3A_865 = arith.constant 16 : i32
        %add3A_866 = arith.addi %squeeze3A_853, %add3A_865 : i32
        %get3A_867 = arith.index_cast %add3A_851 : i32 to index
        %get3A_868 = arith.index_cast %add3A_866 : i32 to index
        %get3A_869 = tpu.vector_load %arg9[%get3A_867, %get3A_868] {strides = array<i32>} : memref<128x128xf32, #tpu.memory_space<vmem>>, vector<1x16xf32>,
        %get3A_870 = vector.shape_cast %get3A_869 : vector<1x16xf32> to vector<16xf32>
        %swap3A_871 = arith.index_cast %add3A_851 : i32 to index
        %swap3A_872 = arith.constant 16 : index
        %swap3A_873 = tpu.vector_load %arg11[%swap3A_871, %swap3A_872] {strides = array<i32>} : memref<128x64xf32, #tpu.memory_space<vmem>>, vector<1x16xf32>,
        %swap3A_874 = vector.shape_cast %swap3A_873 : vector<1x16xf32> to vector<16xf32>
        %swap3A_875 = vector.shape_cast %get3A_870 : vector<16xf32> to vector<1x16xf32>
        tpu.vector_store %arg11[%swap3A_871, %swap3A_872], %swap3A_875 {strides = array<i32>} : memref<128x64xf32, #tpu.memory_space<vmem>>, vector<1x16xf32>,
        %add3A_876 = arith.constant 32 : i32
        %add3A_877 = arith.addi %squeeze3A_853, %add3A_876 : i32
        %get3A_878 = arith.index_cast %add3A_851 : i32 to index
        %get3A_879 = arith.index_cast %add3A_877 : i32 to index
        %get3A_880 = tpu.vector_load %arg9[%get3A_878, %get3A_879] {strides = array<i32>} : memref<128x128xf32, #tpu.memory_space<vmem>>, vector<1x16xf32>,
        %get3A_881 = vector.shape_cast %get3A_880 : vector<1x16xf32> to vector<16xf32>
        %swap3A_882 = arith.index_cast %add3A_851 : i32 to index
        %swap3A_883 = arith.constant 32 : index
        %swap3A_884 = tpu.vector_load %arg11[%swap3A_882, %swap3A_883] {strides = array<i32>} : memref<128x64xf32, #tpu.memory_space<vmem>>, vector<1x16xf32>,
        %swap3A_885 = vector.shape_cast %swap3A_884 : vector<1x16xf32> to vector<16xf32>
        %swap3A_886 = vector.shape_cast %get3A_881 : vector<16xf32> to vector<1x16xf32>
        tpu.vector_store %arg11[%swap3A_882, %swap3A_883], %swap3A_886 {strides = array<i32>} : memref<128x64xf32, #tpu.memory_space<vmem>>, vector<1x16xf32>,
        %add3A_887 = arith.constant 48 : i32
        %add3A_888 = arith.addi %squeeze3A_853, %add3A_887 : i32
        %get3A_889 = arith.index_cast %add3A_851 : i32 to index
        %get3A_890 = arith.index_cast %add3A_888 : i32 to index
        %get3A_891 = tpu.vector_load %arg9[%get3A_889, %get3A_890] {strides = array<i32>} : memref<128x128xf32, #tpu.memory_space<vmem>>, vector<1x16xf32>,
        %get3A_892 = vector.shape_cast %get3A_891 : vector<1x16xf32> to vector<16xf32>
        %swap3A_893 = arith.index_cast %add3A_851 : i32 to index
        %swap3A_894 = arith.constant 48 : index
        %swap3A_895 = tpu.vector_load %arg11[%swap3A_893, %swap3A_894] {strides = array<i32>} : memref<128x64xf32, #tpu.memory_space<vmem>>, vector<1x16xf32>,
        %swap3A_896 = vector.shape_cast %swap3A_895 : vector<1x16xf32> to vector<16xf32>
        %swap3A_897 = vector.shape_cast %get3A_892 : vector<16xf32> to vector<1x16xf32>
        tpu.vector_store %arg11[%swap3A_893, %swap3A_894], %swap3A_897 {strides = array<i32>} : memref<128x64xf32, #tpu.memory_space<vmem>>, vector<1x16xf32>,
      }
      %scan3A_78 = arith.constant 8 : i32
      %mul3A_79 = arith.constant 128 : i32
      %mul3A_80 = arith.muli %add3A_55, %mul3A_79 : i32
      %add3A_81 = arith.addi %mul3A_2, %mul3A_80 : i32
      %dma_start3A_82 = arith.constant 0 : i32
      %dma_start3A_83 = tpu.memref_slice %arg4[%add3A_81, %dma_start3A_82] : memref<819200x64xf32, #tpu.memory_space<hbm>> -> memref<128x64xf32, #tpu.memory_space<hbm>>
      %dma_start3A_84 = arith.constant 0 : i32
      %dma_start3A_85 = tpu.memref_slice %arg4[%add3A_81, %dma_start3A_84] : memref<819200x64xf32, #tpu.memory_space<hbm>> -> memref<128x64xf32, #tpu.memory_space<hbm>>
      tpu.enqueue_dma source(%arg11 : memref<128x64xf32, #tpu.memory_space<vmem>>) target(%dma_start3A_85 : memref<128x64xf32, #tpu.memory_space<hbm>>) target_semaphore(%arg15 : memref<!tpu.dma_semaphore, #tpu.memory_space<semaphore_mem>>)
    }
    %scan3A_13 = arith.constant 100 : i32
    %dma_wait3A = arith.constant 0 : i32
    %dma_wait3A_14 = tpu.memref_slice %arg4[%mul3A_2, %dma_wait3A] : memref<819200x64xf32, #tpu.memory_space<hbm>> -> memref<128x64xf32, #tpu.memory_space<hbm>>
    %dma_wait3A_15 = arith.constant 0 : i32
    %dma_wait3A_16 = tpu.memref_slice %arg4[%mul3A_2, %dma_wait3A_15] : memref<819200x64xf32, #tpu.memory_space<hbm>> -> memref<128x64xf32, #tpu.memory_space<hbm>>
    tpu.wait_dma2 semaphore(%arg14 : memref<!tpu.dma_semaphore, #tpu.memory_space<semaphore_mem>>) src(%arg10 : memref<128x64xf32, #tpu.memory_space<vmem>>) dst(%dma_wait3A_16 : memref<128x64xf32, #tpu.memory_space<hbm>>)
    %dma_wait3A_17 = arith.constant 0 : i32
    %dma_wait3A_18 = tpu.memref_slice %arg4[%mul3A_2, %dma_wait3A_17] : memref<819200x64xf32, #tpu.memory_space<hbm>> -> memref<128x64xf32, #tpu.memory_space<hbm>>
    %dma_wait3A_19 = arith.constant 0 : i32
    %dma_wait3A_20 = tpu.memref_slice %arg4[%mul3A_2, %dma_wait3A_19] : memref<819200x64xf32, #tpu.memory_space<hbm>> -> memref<128x64xf32, #tpu.memory_space<hbm>>
    tpu.wait_dma2 semaphore(%arg15 : memref<!tpu.dma_semaphore, #tpu.memory_space<semaphore_mem>>) src(%arg11 : memref<128x64xf32, #tpu.memory_space<vmem>>) dst(%dma_wait3A_20 : memref<128x64xf32, #tpu.memory_space<hbm>>)
    return
  }
}

</mosaic_0001>

<sc_bundles>
// kernel: kernel.3.cloned.1.call-start
scs
__scs_entry_jumppad:
0x0: {  	(pc) =	sbr.rel $0x88, $3  }
0x1: {  	(tag) =	ssettag $0x0;
	lr =	simm.s32 $0x1  }
0x2: {  	[smem:$0x3F9F] =	sst lr;
	_ =	strace $0xD0000000  }
0x3: {  	_ = 	snop  }
0x4: {  	_ = 	snop  }
0x5: {  	_ = 	snop  }
0x6: {  	_ = 	snop  }
0x7: {  	_ = 	snop  }
__scs_overlays_trampoline_lowered:
0x8: {  	[smem:$0x3FAE] =	sst s0  }
0x9: {  	[smem:$0x3FAF] =	sst s1  }
0xa: {  	[smem:$0x3FB0] =	sst s2  }
0xb: {  	[smem:$0x3FB1] =	sst s3  }
0xc: {  	[smem:$0x3FB2] =	sst s4  }
0xd: {  	[smem:$0x3FB3] =	sst s5  }
0xe: {  	[smem:$0x3FB4] =	sst s6  }
0xf: {  	[smem:$0x3FB5] =	sst s7  }
0x10: {  	[smem:$0x3FB6] =	sst s8  }
0x11: {  	[smem:$0x3FB7] =	sst s9;
	s0 =	simm.s32 @!p0 $0x0  }
0x12: {  	s1 =	sld [smem:$0x3F9D];
	s0 =	simm.s32 @p0 $0x1  }
0x13: {  	[smem:$0x3FB8] =	sst s0;
	s0 =	simm.s32 @!p1 $0x0  }
0x14: {  	s2 =	sld [smem:$0x3F9C];
	s0 =	simm.s32 @p1 $0x1  }
0x15: {  	[smem:$0x3FB9] =	sst s0;
	s0 =	simm.s32 @!p2 $0x0  }
0x16: {  	s3 =	sld [smem:$0x3FDB];
	s0 =	simm.s32 @p2 $0x1  }
0x17: {  	s4 =	simm.s32 $0x1BF5;
	[smem:$0x3FBB] =	sst s0  }
0x18: {  	s0 =	sld [smem:$0x3F9E];
	_ =	swait.ge [sflag:s4], $0x0  }
0x19: {  	s7 =	sld [smem:$0x3F9F]  }
0x1a: {  	s8 =	sadd.s32 $0xFFFFE003, lr  }
0x1b: {  	s9 =	sadd.s32 $0xFFFFFEF7, lr;
	s5 =	simm.s32 $0xFFFFFFFF;
	p2 =	slt.u32 s8, $0xFFFFF086  }
0x1c: {  	p1 =	slt.u32 s9, $0xF7A;
	s5 =	simm.s32 @!p2 $0x0  }
0x1d: {  	s5 =	simm.s32 @p1 $0x1;
	p0 =	seq.s32 s7, s2  }
0x1e: {  	s7 =	smul.u32 @!p0 $0xF7A, s2;
	p2 =	seq.s32 @!p0 s5, $0x0  }
0x1f: {  	s9 =	smul.u32 $0xF7A, s1;
	s8 =	simm.s32 @!p0 $0x1BF5;
	p2 =	por !p2, p0  }
0x20: {  	[sflag:s8] =	ssyncset.s32 @!p0 $0xFFFFF086;
	s6 =	sadd.s32 @!p0 s3, s7;
	s7 =	simm.s32 @!p0 $0x108  }
0x21: {  	s3 =	sadd.s32 s3, s9;
	s6 =	sadd.s32 @!p0 $0x88, s6;
	s7 =	simm.s32 @p2 $0x1082  }
0x22: {  	[simem:s7], [sflag:s8] =	dma.local @!p0 [hbm:s6], $0xF7A  }
0x23: {  	s9 =	sor.u32 $0xD0000000, s2;
	s6 =	simm.s32 $0x108;
	_ =	swait.ge @!p0 [sflag:s8], $0x0  }
0x24: {  	s3 =	sadd.s32 $0x88, s3;
	s6 =	simm.s32 @!p1 $0x1082;
	[sflag:s4] =	ssyncset.s32 $0xFFFFF086  }
0x25: {  	[simem:s6], [sflag:s4] =	dma.local [hbm:s3], $0xF7A  }
0x26: {  	[smem:$0x3F9F] =	sst s1;
	(tag) =	ssettag s2;
	_ =	strace s9  }
0x27: {  	s1 =	sld [smem:$0x3FAF]  }
0x28: {  	s2 =	sld [smem:$0x3FB0]  }
0x29: {  	s4 =	sld [smem:$0x3FB2]  }
0x2a: {  	p0 =	seq.s32 s5, $0x0;
	s5 =	sld [smem:$0x3FB3]  }
0x2b: {  	s6 =	sld [smem:$0x3FB4]  }
0x2c: {  	s7 =	sld [smem:$0x3FB5]  }
0x2d: {  	s3 =	simm.s32 $0x108;
	s8 =	sld [smem:$0x3FB6]  }
0x2e: {  	s3 =	simm.s32 @!p0 $0x1082;
	s9 =	sld [smem:$0x3FB7]  }
0x2f: {  	lr =	sadd.s32 s0, s3;
	s0 =	sld [smem:$0x3FAE]  }
0x30: {  	s3 =	sld [smem:$0x3FB1]  }
0x31: {  	[smem:$0x3FBA] =	sst s10  }
0x32: {  	s10 =	sld [smem:$0x3FB8];
	_ =	sdelay $0x3  }
0x33: {  	p0 =	seq.s32 s10, $0x1;
	s10 =	sld [smem:$0x3FBA];
	_ =	sdelay $0x3  }
0x34: {  	[smem:$0x3FBA] =	sst s10  }
0x35: {  	s10 =	sld [smem:$0x3FB9];
	_ =	sdelay $0x3  }
0x36: {  	p1 =	seq.s32 s10, $0x1;
	s10 =	sld [smem:$0x3FBA];
	_ =	sdelay $0x3  }
0x37: {  	[smem:$0x3FBA] =	sst s10  }
0x38: {  	s10 =	sld [smem:$0x3FBB]  }
0x39: {  	_ = 	snop;
	(pc) =	sbr.ind lr, $3  }
0x3a: {  	_ = 	snop  }
0x3b: {  	_ = 	snop  }
0x3c: {  	p2 =	seq.s32 s10, $0x1;
	s10 =	sld [smem:$0x3FBA]  }
0x3d: {  	_ =	shalt  }
0x3e: {  	_ =	shalt  }
0x3f: {  	_ =	shalt  }
0x40: {  	_ =	shalt  }
0x41: {  	_ =	shalt  }
0x42: {  	_ =	shalt  }
0x43: {  	_ =	shalt  }
0x44: {  	_ =	shalt  }
0x45: {  	_ =	shalt  }
0x46: {  	_ =	shalt  }
0x47: {  	_ =	shalt  }
0x48: {  	_ =	shalt  }
0x49: {  	_ =	shalt  }
0x4a: {  	_ =	shalt  }
0x4b: {  	_ =	shalt  }
0x4c: {  	_ =	shalt  }
0x4d: {  	_ =	shalt  }
0x4e: {  	_ =	shalt  }
0x4f: {  	_ =	shalt  }
0x50: {  	_ =	shalt  }
0x51: {  	_ =	shalt  }
0x52: {  	_ =	shalt  }
0x53: {  	_ =	shalt  }
0x54: {  	_ =	shalt  }
0x55: {  	_ =	shalt  }
0x56: {  	_ =	shalt  }
0x57: {  	_ =	shalt  }
0x58: {  	_ =	shalt  }
0x59: {  	_ =	shalt  }
0x5a: {  	_ =	shalt  }
0x5b: {  	_ =	shalt  }
0x5c: {  	_ =	shalt  }
0x5d: {  	_ =	shalt  }
0x5e: {  	_ =	shalt  }
0x5f: {  	_ =	shalt  }
0x60: {  	_ =	shalt  }
0x61: {  	_ =	shalt  }
0x62: {  	_ =	shalt  }
0x63: {  	_ =	shalt  }
0x64: {  	_ =	shalt  }
0x65: {  	_ =	shalt  }
0x66: {  	_ =	shalt  }
0x67: {  	_ =	shalt  }
0x68: {  	_ =	shalt  }
0x69: {  	_ =	shalt  }
0x6a: {  	_ =	shalt  }
0x6b: {  	_ =	shalt  }
0x6c: {  	_ =	shalt  }
0x6d: {  	_ =	shalt  }
0x6e: {  	_ =	shalt  }
0x6f: {  	_ =	shalt  }
0x70: {  	_ =	shalt  }
0x71: {  	_ =	shalt  }
0x72: {  	_ =	shalt  }
0x73: {  	_ =	shalt  }
0x74: {  	_ =	shalt  }
0x75: {  	_ =	shalt  }
0x76: {  	_ =	shalt  }
0x77: {  	_ =	shalt  }
0x78: {  	_ =	shalt  }
0x79: {  	_ =	shalt  }
0x7a: {  	_ =	shalt  }
0x7b: {  	_ =	shalt  }
0x7c: {  	_ =	shalt  }
0x7d: {  	_ =	shalt  }
0x7e: {  	_ =	shalt  }
0x7f: {  	_ =	shalt  }
0x80: {  	_ =	shalt  }
0x81: {  	_ =	shalt  }
0x82: {  	_ =	shalt  }
0x83: {  	_ =	shalt  }
0x84: {  	_ =	shalt  }
0x85: {  	_ =	shalt  }
0x86: {  	_ =	shalt  }
0x87: {  	_ =	shalt  }
.Lfunc_end0:
.L_simem_size_0:
called_computation.1_lowered:
.L_overlay_start_0:
0x88: {  	s2 =	sld [smem:$0x3FD9]  }
0x89: {  	s3 =	sld [smem:$0x3FFE];
	_ =	sdelay $0x1  }
0x8a: {  	s1 =	srdreg.scid  }
0x8b: {  	s0 =	sand.u32 $0x1, s1  }
0x8c: {  	s17 =	sshll.u32 s0, $0xA;
	s2 =	sadd.s32 s3, s2  }
0x8d: {  	s2 =	sadd.s32 s2, s17  }
0x8e: {  	[smem:$0x3FC6] =	sst s2  }
0x8f: {  	_ = 	snop  }
0x90: {  	s2 =	sld [smem:$0x3FD0];
	(tm) =	ssettm $0x1  }
0x91: {  	s18 =	sld [smem:$0x3FFB];
	_ =	sdelay $0x3  }
0x92: {  	_ =	strace s18  }
0x93: {  	s3 =	sld [smem:$0x3FFC];
	_ =	sdelay $0x3  }
0x94: {  	_ =	strace s3  }
0x95: {  	s3 =	sld [smem:$0x3FFD];
	_ =	sdelay $0x3  }
0x96: {  	_ =	strace s3  }
0x97: {  	_ =	strace $0x8FFFFFFF  }
0x98: {  	s19 =	sld [smem:$0x3FDB];
	_ =	sdelay $0x1  }
0x99: {  	s4 =	simm.s32 $_scs_section_size  }
0x9a: {  	s5 =	simm.s32 $_size__tile_overlayer_lowered;
	s6 =	simm.s32 $_tile_overlayer_lowered  }
0x9b: {  	s22 =	simm.s32 $0x1BFF;
	s21 =	sshll.u32 s6, $0x1;
	s3 =	sadd.s32 s4, s19  }
0x9c: {  	s7 =	simm.s32 $0x0;
	s20 =	sshll.u32 s5, $0x1;
	s5 =	sadd.s32 s21, s3  }
0x9d: {  	[timem:s7], [sflag:s22] =	dma.local [hbm:s5], s20  }
0x9e: {  	_ =	swait.ge [sflag:s22], s20  }
0x9f: {  	s4 =	ssub.s32 $0x0, s20;
	[sflag:s22] =	ssyncset.done $0x0  }
0xa0: {  	[sflag:s22] =	ssyncadd.s32 s4;
	_ =	sdelay $0x1  }
0xa1: {  	s23 =	simm.s32 $0x1B8B  }
0xa2: {  	_ =	swait.ge [sflag:s23], $0x1  }
0xa3: {  	[sflag:s23] =	ssyncset.done $0x0  }
0xa4: {  	s25 =	simm.s32 $0x1B8E;
	s24 =	sld [smem:$0x3FFE];
	[sflag:s23] =	ssyncadd.s32 $0xFFFFFFFF  }
0xa5: {  	s26 =	simm.s32 $execute0_lowered;
	[smem:$0x3FD2] =	sst s25  }
0xa6: {  	s5 =	sshll.u32 s26, $0x1;
	_ =	strace $0x80000046;
	[dreg:$0x1] =	wrdreg $0xFFFFFFFF  }
0xa7: {  	s28 =	simm.s32 $_size_execute0_lowered;
	s3 =	sadd.s32 s3, s5;
	[dreg:$0x0] =	wrdreg $0x0  }
0xa8: {  	s5 =	sshll.u32 s28, $0x1;
	[dreg:$0x2] =	wrdreg s3  }
0xa9: {  	[dreg:$0x3] =	wrdreg s5  }
0xaa: {  	[dreg:$0x4] =	wrdreg $0xC0  }
0xab: {  	_ =	task [dreg:s7], $0x5FFFF  }
0xac: {  	[dreg:$0x1] =	wrdreg $0xFFFFFFFF  }
0xad: {  	[dreg:$0x0] =	wrdreg $0x60  }
0xae: {  	[dreg:$0x2] =	wrdreg s24  }
0xaf: {  	[dreg:$0x3] =	wrdreg s2  }
0xb0: {  	[dreg:$0x4] =	wrdreg $0x9  }
0xb1: {  	_ =	task.clear_ibuf [dreg:s7], $0x5FFFF;
	_ =	strace $0x90000046  }
0xb2: {  	s29 =	simm.s32 $0x9;
	_ =	strace $0x80000048  }
0xb3: {  	_ =	swait.ge [sflag:s29], $0x1  }
0xb4: {  	[sflag:s29] =	ssyncadd.s32 $0xFFFFFFFF  }
0xb5: {  	_ =	strace $0x90000048  }
0xb6: {  	_ =	sfence  }
0xb7: {  	s30 =	sld [smem:$0x0];
	_ =	sdelay $0x2  }
0xb8: {  	s31 =	sshll.u32 s1, $0xD;
	s1 =	sshrl.u32 s1, $0x2  }
0xb9: {  	s3 =	sand.u32 $0x4000, s31;
	s1 =	sadd.s32 s1, s30  }
0xba: {  	s0 =	sor.u32 s3, s0;
	s1 =	sshll.u32 s1, $0x11  }
0xbb: {  	s0 =	sor.u32 s1, s0  }
0xbc: {  	s0 =	sadd.s32 $0x8F2B, s0  }
0xbd: {  	[sflag:s0] =	ssyncadd.remote.s32 $0x1  }
0xbe: {  	_ =	sfence.sel $0xFFFF  }
0xbf: {  	[dreg:$0x0] =	wrdreg $0xFFFFFFFF;
	(pc) =	sbr.abs _section_cstart, $3  }
0xc0: {  	[dreg:$0x1] =	wrdreg $0xFFFFFFFF  }
0xc1: {  	_ =	task.clear_ibuf [dreg:s7], $0x2FFFF;
	_ =	strace $0x9FFFFFFF  }
0xc2: {  	(tm) =	ssettm $0x7FFFFFFF  }
0xc3: {  	_ =	shalt  }
tec
execute0_lowered:
.L_overlay_start_1:
0x0: {  	(tag) =	ssettag $0x1  }
0x1: {  	s4 =	rddreg [dreg:$0x0]  }
0x2: {  	s1 =	srdreg.scid;
	s0 =	stileid.u32  }
0x3: {  	s5 =	rddreg [dreg:$0x1];
	s2 =	simm.s32 $0x0;
	s10 =	simm.s32 $0x6500  }
0x4: {  	s11 =	simm.s32 $0x80;
	s12 =	simm.s32 $0x6480;
	s13 =	simm.s32 $0xA500  }
0x5: {  	s14 =	simm.s32 $0x1;
	s15 =	simm.s32 $0xE500;
	s16 =	simm.s32 $0x2  }
0x6: {  	s17 =	simm.s32 $0x4;
	s18 =	simm.s32 $0x12500;
	s19 =	simm.s32 $0x3  }
0x7: {  	s3 =	sand.u32 $0x1, s1;
	s6 =	sshll.u32 s0, $0x1;
	s1 =	rddreg [dreg:$0x2]  }
0x8: {  	s20 =	simm.s32 $0x0;
	[smem:$0x7FF] =	sst s2;
	s6 =	sor.u32 s3, s6  }
0x9: {  	s7 =	ssub.s32 $0x2, s3;
	_ =	strace $0x80000047;
	s3 =	sadd.s32 $0xF42E00, s4  }
0xa: {  	s4 =	sadd.s32 $0xA00, s4;
	s8 =	smul.u32 $0xC80, s6;
	s9 =	sshrl.u32 s7, $0x1  }
0xb: {  	s6 =	smul.u32 $0x320000, s6;
	s7 =	ssub.s32 s7, s9;
	s9 =	simm.s32 $0x6400  }
0xc: {  	s5 =	sadd.s32 s5, s8;
	s7 =	smax.u32 s7, $0x1;
	s8 =	simm.s32 $0x5  }
.LBB2_1:
0xd: {  	[tilespmem:s2], [sflag:$0x5] =	stream.linear.gather [hbm4b:s5+s2], $0x6400, $0x38;
	[tilespmem:$0x16500] =	vst v63  }
0xe: {  	_ =	swait.ge [sflag:s8], $0x6400  }
0xf: {  	[sflag:s8] =	ssyncset.done $0x0  }
0x10: {  	[sflag:s8] =	ssyncadd.s32 $0xFFFF9C00  }
0x11: {  	v0 =	vld [tilespmem:$0x0]  }
0x12: {  	v1 =	vld [tilespmem:$0x10]  }
0x13: {  	v2 =	vld [tilespmem:$0x20]  }
0x14: {  	v3 =	vld [tilespmem:$0x30]  }
0x15: {  	v4 =	vld [tilespmem:$0x40]  }
0x16: {  	v5 =	vld [tilespmem:$0x50];
	v0 =	vshra.s32 v0, $0x1  }
0x17: {  	v56 =	vld [tilespmem:$0x60];
	v55 =	vshra.s32 v1, $0x1;
	[tilespmem:$0x6400] =	vst v0  }
0x18: {  	v58 =	vld [tilespmem:$0x70];
	v57 =	vshra.s32 v2, $0x1;
	[tilespmem:$0x6410] =	vst v55  }
0x19: {  	v59 =	vshra.s32 v3, $0x1;
	[tilespmem:$0x6420] =	vst v57  }
0x1a: {  	v60 =	vshra.s32 v4, $0x1;
	[tilespmem:$0x6430] =	vst v59  }
0x1b: {  	v61 =	vshra.s32 v5, $0x1;
	[tilespmem:$0x6440] =	vst v60  }
0x1c: {  	v62 =	vshra.s32 v56, $0x1;
	[tilespmem:$0x6450] =	vst v61  }
0x1d: {  	v63 =	vshra.s32 v58, $0x1;
	[tilespmem:$0x6460] =	vst v62  }
0x1e: {  	s21 =	simm.s32 $0x80;
	s22 =	simm.s32 $0x0;
	s23 =	simm.s32 $0x0;
	[tilespmem:$0x6470] =	vst v63  }
0x1f: {  	[tilespmem:s10], [sflag:$0x1] =	stream.indirect.gather [hbm4b:s3+s11], $0x80, s9, s11, $0xb8;
	[tilespmem:$0x16500] =	vst v63  }
.LBB2_2:
0x20: {  	s24 =	sshllo.u32 s23, $0x1  }
0x21: {  	s25 =	sshll.u32 s24, $0x7  }
0x22: {  	s25 =	sand.u32 $0x3FFFFF80, s25  }
0x23: {  	v0 =	vld [tilespmem:s25+$0x0];
	_ =	sdelay $0x4  }
0x24: {  	v0 =	vshra.s32 v0, $0x1  }
0x25: {  	[tilespmem:$0x6480] =	vst v0  }
0x26: {  	v0 =	vld [tilespmem:s25+$0x10];
	_ =	sdelay $0x4  }
0x27: {  	v0 =	vshra.s32 v0, $0x1  }
0x28: {  	[tilespmem:$0x6490] =	vst v0  }
0x29: {  	v0 =	vld [tilespmem:s25+$0x20];
	_ =	sdelay $0x4  }
0x2a: {  	v0 =	vshra.s32 v0, $0x1  }
0x2b: {  	[tilespmem:$0x64A0] =	vst v0  }
0x2c: {  	v0 =	vld [tilespmem:s25+$0x30];
	_ =	sdelay $0x4  }
0x2d: {  	v0 =	vshra.s32 v0, $0x1  }
0x2e: {  	[tilespmem:$0x64B0] =	vst v0  }
0x2f: {  	v0 =	vld [tilespmem:s25+$0x40];
	_ =	sdelay $0x4  }
0x30: {  	v0 =	vshra.s32 v0, $0x1  }
0x31: {  	[tilespmem:$0x64C0] =	vst v0  }
0x32: {  	v0 =	vld [tilespmem:s25+$0x50];
	_ =	sdelay $0x4  }
0x33: {  	v0 =	vshra.s32 v0, $0x1  }
0x34: {  	[tilespmem:$0x64D0] =	vst v0  }
0x35: {  	v0 =	vld [tilespmem:s25+$0x60];
	_ =	sdelay $0x4  }
0x36: {  	v0 =	vshra.s32 v0, $0x1  }
0x37: {  	[tilespmem:$0x64E0] =	vst v0  }
0x38: {  	v0 =	vld [tilespmem:s25+$0x70];
	_ =	sdelay $0x4  }
0x39: {  	v0 =	vshra.s32 v0, $0x1  }
0x3a: {  	[tilespmem:$0x64F0] =	vst v0  }
0x3b: {  	[tilespmem:s13], [sflag:$0x2] =	stream.indirect.gather [hbm4b:s3+s11], $0x80, s12, s11, $0xb8;
	[tilespmem:$0x16500] =	vst v63  }
0x3c: {  	_ =	swait.ge [sflag:s14], $0x4000  }
0x3d: {  	p0 =	seq.s32 s23, $0x0;
	[sflag:s14] =	ssyncset.done $0x0  }
0x3e: {  	s25 =	simm.s32 @!p0 $0x3;
	[sflag:s14] =	ssyncadd.s32 $0xFFFFC000  }
0x3f: {  	_ =	swait.ge @!p0 [sflag:s25], $0x4000  }
0x40: {  	s26 =	sshll.u32 s23, $0x8;
	s28 =	smov.u32 s22;
	[sflag:s25] =	ssyncset.done @!p0 $0x0  }
0x41: {  	[sflag:s25] =	ssyncadd.s32 @!p0 $0xFFFFC000;
	s25 =	sand.u32 $0x3FFFFF00, s26;
	s26 =	simm.s32 $0x0  }
.LBB2_3:
0x42: {  	v0 =	vld [tilespmem:s28+$0x0];
	_ =	sdelay $0x4  }
0x43: {  	v0 =	vshll.u32 v0, $0x6  }
0x44: {  	s29 =	sshra.s32 s26, $0x2;
	v0 =	vand.u32 $0x40, v0  }
0x45: {  	v0 =	vadd.s32 s29, v0  }
0x46: {  	(v2sf) =	vpush v0, $0x1  }
0x47: {  	(v2sf) =	vpush v0, $0x0;
	_ =	sdelay $0xd  }
0x48: {  	s30 =	spop (v2sf)  }
0x49: {  	s31 =	spop (v2sf)  }
0x4a: {  	v1 =	vld [tilespmem:s31+$0x6500];
	_ =	sdelay $0x4  }
0x4b: {  	[tilespmem:s29+$0xE500] =	vst v1  }
0x4c: {  	v1 =	vld [tilespmem:s31+$0x6510];
	_ =	sdelay $0x4  }
0x4d: {  	[tilespmem:s29+$0xE510] =	vst v1  }
0x4e: {  	v1 =	vld [tilespmem:s31+$0x6520];
	_ =	sdelay $0x4  }
0x4f: {  	[tilespmem:s29+$0xE520] =	vst v1  }
0x50: {  	v1 =	vld [tilespmem:s31+$0x6530];
	_ =	sdelay $0x4  }
0x51: {  	[tilespmem:s29+$0xE530] =	vst v1  }
0x52: {  	v1 =	vld [tilespmem:s30+$0x6580];
	_ =	sdelay $0x4  }
0x53: {  	[tilespmem:s29+$0xE580] =	vst v1  }
0x54: {  	v1 =	vld [tilespmem:s30+$0x6590]  }
0x55: {  	(v2sf) =	vpush v0, $0x3  }
0x56: {  	(v2sf) =	vpush v0, $0x2;
	_ =	sdelay $0x2  }
0x57: {  	[tilespmem:s29+$0xE590] =	vst v1  }
0x58: {  	v1 =	vld [tilespmem:s30+$0x65A0];
	_ =	sdelay $0x4  }
0x59: {  	[tilespmem:s29+$0xE5A0] =	vst v1  }
0x5a: {  	v1 =	vld [tilespmem:s30+$0x65B0];
	_ =	sdelay $0x3  }
0x5b: {  	s30 =	spop (v2sf)  }
0x5c: {  	s31 =	spop (v2sf);
	[tilespmem:s29+$0xE5B0] =	vst v1  }
0x5d: {  	v1 =	vld [tilespmem:s31+$0x6600];
	_ =	sdelay $0x4  }
0x5e: {  	[tilespmem:s29+$0xE600] =	vst v1  }
0x5f: {  	v1 =	vld [tilespmem:s31+$0x6610];
	_ =	sdelay $0x4  }
0x60: {  	[tilespmem:s29+$0xE610] =	vst v1  }
0x61: {  	v1 =	vld [tilespmem:s31+$0x6620];
	_ =	sdelay $0x4  }
0x62: {  	[tilespmem:s29+$0xE620] =	vst v1  }
0x63: {  	v1 =	vld [tilespmem:s31+$0x6630];
	_ =	sdelay $0x4  }
0x64: {  	[tilespmem:s29+$0xE630] =	vst v1  }
0x65: {  	v1 =	vld [tilespmem:s30+$0x6680];
	_ =	sdelay $0x4  }
0x66: {  	[tilespmem:s29+$0xE680] =	vst v1  }
0x67: {  	v1 =	vld [tilespmem:s30+$0x6690]  }
0x68: {  	(v2sf) =	vpush v0, $0x5  }
0x69: {  	(v2sf) =	vpush v0, $0x4;
	_ =	sdelay $0x2  }
0x6a: {  	[tilespmem:s29+$0xE690] =	vst v1  }
0x6b: {  	v1 =	vld [tilespmem:s30+$0x66A0];
	_ =	sdelay $0x4  }
0x6c: {  	[tilespmem:s29+$0xE6A0] =	vst v1  }
0x6d: {  	v1 =	vld [tilespmem:s30+$0x66B0];
	_ =	sdelay $0x3  }
0x6e: {  	s30 =	spop (v2sf)  }
0x6f: {  	s31 =	spop (v2sf);
	[tilespmem:s29+$0xE6B0] =	vst v1  }
0x70: {  	v1 =	vld [tilespmem:s31+$0x6700];
	_ =	sdelay $0x4  }
0x71: {  	[tilespmem:s29+$0xE700] =	vst v1  }
0x72: {  	v1 =	vld [tilespmem:s31+$0x6710];
	_ =	sdelay $0x4  }
0x73: {  	[tilespmem:s29+$0xE710] =	vst v1  }
0x74: {  	v1 =	vld [tilespmem:s31+$0x6720];
	_ =	sdelay $0x4  }
0x75: {  	[tilespmem:s29+$0xE720] =	vst v1  }
0x76: {  	v1 =	vld [tilespmem:s31+$0x6730];
	_ =	sdelay $0x4  }
0x77: {  	[tilespmem:s29+$0xE730] =	vst v1  }
0x78: {  	v1 =	vld [tilespmem:s30+$0x6780];
	_ =	sdelay $0x4  }
0x79: {  	[tilespmem:s29+$0xE780] =	vst v1  }
0x7a: {  	v1 =	vld [tilespmem:s30+$0x6790]  }
0x7b: {  	(v2sf) =	vpush v0, $0x7  }
0x7c: {  	(v2sf) =	vpush v0, $0x6;
	_ =	sdelay $0x2  }
0x7d: {  	[tilespmem:s29+$0xE790] =	vst v1  }
0x7e: {  	v1 =	vld [tilespmem:s30+$0x67A0];
	_ =	sdelay $0x4  }
0x7f: {  	[tilespmem:s29+$0xE7A0] =	vst v1  }
0x80: {  	v1 =	vld [tilespmem:s30+$0x67B0];
	_ =	sdelay $0x3  }
0x81: {  	s30 =	spop (v2sf)  }
0x82: {  	s31 =	spop (v2sf);
	[tilespmem:s29+$0xE7B0] =	vst v1  }
0x83: {  	v1 =	vld [tilespmem:s31+$0x6800];
	_ =	sdelay $0x4  }
0x84: {  	[tilespmem:s29+$0xE800] =	vst v1  }
0x85: {  	v1 =	vld [tilespmem:s31+$0x6810];
	_ =	sdelay $0x4  }
0x86: {  	[tilespmem:s29+$0xE810] =	vst v1  }
0x87: {  	v1 =	vld [tilespmem:s31+$0x6820];
	_ =	sdelay $0x4  }
0x88: {  	[tilespmem:s29+$0xE820] =	vst v1  }
0x89: {  	v1 =	vld [tilespmem:s31+$0x6830];
	_ =	sdelay $0x4  }
0x8a: {  	[tilespmem:s29+$0xE830] =	vst v1  }
0x8b: {  	v1 =	vld [tilespmem:s30+$0x6880];
	_ =	sdelay $0x4  }
0x8c: {  	[tilespmem:s29+$0xE880] =	vst v1  }
0x8d: {  	v1 =	vld [tilespmem:s30+$0x6890]  }
0x8e: {  	(v2sf) =	vpush v0, $0x9  }
0x8f: {  	(v2sf) =	vpush v0, $0x8;
	_ =	sdelay $0x2  }
0x90: {  	[tilespmem:s29+$0xE890] =	vst v1  }
0x91: {  	v1 =	vld [tilespmem:s30+$0x68A0];
	_ =	sdelay $0x4  }
0x92: {  	[tilespmem:s29+$0xE8A0] =	vst v1  }
0x93: {  	v1 =	vld [tilespmem:s30+$0x68B0];
	_ =	sdelay $0x3  }
0x94: {  	s30 =	spop (v2sf)  }
0x95: {  	s31 =	spop (v2sf);
	[tilespmem:s29+$0xE8B0] =	vst v1  }
0x96: {  	v1 =	vld [tilespmem:s31+$0x6900];
	_ =	sdelay $0x4  }
0x97: {  	[tilespmem:s29+$0xE900] =	vst v1  }
0x98: {  	v1 =	vld [tilespmem:s31+$0x6910];
	_ =	sdelay $0x4  }
0x99: {  	[tilespmem:s29+$0xE910] =	vst v1  }
0x9a: {  	v1 =	vld [tilespmem:s31+$0x6920];
	_ =	sdelay $0x4  }
0x9b: {  	[tilespmem:s29+$0xE920] =	vst v1  }
0x9c: {  	v1 =	vld [tilespmem:s31+$0x6930];
	_ =	sdelay $0x4  }
0x9d: {  	[tilespmem:s29+$0xE930] =	vst v1  }
0x9e: {  	v1 =	vld [tilespmem:s30+$0x6980];
	_ =	sdelay $0x4  }
0x9f: {  	[tilespmem:s29+$0xE980] =	vst v1  }
0xa0: {  	v1 =	vld [tilespmem:s30+$0x6990]  }
0xa1: {  	(v2sf) =	vpush v0, $0xB  }
0xa2: {  	(v2sf) =	vpush v0, $0xA;
	_ =	sdelay $0x2  }
0xa3: {  	[tilespmem:s29+$0xE990] =	vst v1  }
0xa4: {  	v1 =	vld [tilespmem:s30+$0x69A0];
	_ =	sdelay $0x4  }
0xa5: {  	[tilespmem:s29+$0xE9A0] =	vst v1  }
0xa6: {  	v1 =	vld [tilespmem:s30+$0x69B0];
	_ =	sdelay $0x3  }
0xa7: {  	s30 =	spop (v2sf)  }
0xa8: {  	s31 =	spop (v2sf);
	[tilespmem:s29+$0xE9B0] =	vst v1  }
0xa9: {  	v1 =	vld [tilespmem:s31+$0x6A00];
	_ =	sdelay $0x4  }
0xaa: {  	[tilespmem:s29+$0xEA00] =	vst v1  }
0xab: {  	v1 =	vld [tilespmem:s31+$0x6A10];
	_ =	sdelay $0x4  }
0xac: {  	[tilespmem:s29+$0xEA10] =	vst v1  }
0xad: {  	v1 =	vld [tilespmem:s31+$0x6A20];
	_ =	sdelay $0x4  }
0xae: {  	[tilespmem:s29+$0xEA20] =	vst v1  }
0xaf: {  	v1 =	vld [tilespmem:s31+$0x6A30];
	_ =	sdelay $0x4  }
0xb0: {  	[tilespmem:s29+$0xEA30] =	vst v1  }
0xb1: {  	v1 =	vld [tilespmem:s30+$0x6A80];
	_ =	sdelay $0x4  }
0xb2: {  	[tilespmem:s29+$0xEA80] =	vst v1  }
0xb3: {  	v1 =	vld [tilespmem:s30+$0x6A90]  }
0xb4: {  	(v2sf) =	vpush v0, $0xD  }
0xb5: {  	(v2sf) =	vpush v0, $0xC;
	_ =	sdelay $0x2  }
0xb6: {  	[tilespmem:s29+$0xEA90] =	vst v1  }
0xb7: {  	v1 =	vld [tilespmem:s30+$0x6AA0];
	_ =	sdelay $0x4  }
0xb8: {  	[tilespmem:s29+$0xEAA0] =	vst v1  }
0xb9: {  	v1 =	vld [tilespmem:s30+$0x6AB0];
	_ =	sdelay $0x3  }
0xba: {  	s30 =	spop (v2sf)  }
0xbb: {  	s31 =	spop (v2sf);
	[tilespmem:s29+$0xEAB0] =	vst v1  }
0xbc: {  	v1 =	vld [tilespmem:s31+$0x6B00];
	_ =	sdelay $0x4  }
0xbd: {  	[tilespmem:s29+$0xEB00] =	vst v1  }
0xbe: {  	v1 =	vld [tilespmem:s31+$0x6B10];
	_ =	sdelay $0x4  }
0xbf: {  	[tilespmem:s29+$0xEB10] =	vst v1  }
0xc0: {  	v1 =	vld [tilespmem:s31+$0x6B20];
	_ =	sdelay $0x4  }
0xc1: {  	[tilespmem:s29+$0xEB20] =	vst v1  }
0xc2: {  	v1 =	vld [tilespmem:s31+$0x6B30];
	_ =	sdelay $0x4  }
0xc3: {  	[tilespmem:s29+$0xEB30] =	vst v1  }
0xc4: {  	v1 =	vld [tilespmem:s30+$0x6B80];
	_ =	sdelay $0x4  }
0xc5: {  	[tilespmem:s29+$0xEB80] =	vst v1  }
0xc6: {  	v1 =	vld [tilespmem:s30+$0x6B90]  }
0xc7: {  	(v2sf) =	vpush v0, $0xF  }
0xc8: {  	(v2sf) =	vpush v0, $0xE;
	_ =	sdelay $0x2  }
0xc9: {  	[tilespmem:s29+$0xEB90] =	vst v1  }
0xca: {  	v63 =	vld [tilespmem:s30+$0x6BA0];
	_ =	sdelay $0x4  }
0xcb: {  	[tilespmem:s29+$0xEBA0] =	vst v63  }
0xcc: {  	v0 =	vld [tilespmem:s30+$0x6BB0];
	_ =	sdelay $0x3  }
0xcd: {  	s30 =	spop (v2sf)  }
0xce: {  	s31 =	spop (v2sf);
	[tilespmem:s29+$0xEBB0] =	vst v0  }
0xcf: {  	v0 =	vld [tilespmem:s31+$0x6C00];
	_ =	sdelay $0x4  }
0xd0: {  	[tilespmem:s29+$0xEC00] =	vst v0  }
0xd1: {  	v0 =	vld [tilespmem:s31+$0x6C10];
	_ =	sdelay $0x4  }
0xd2: {  	[tilespmem:s29+$0xEC10] =	vst v0  }
0xd3: {  	v0 =	vld [tilespmem:s31+$0x6C20];
	_ =	sdelay $0x4  }
0xd4: {  	[tilespmem:s29+$0xEC20] =	vst v0  }
0xd5: {  	v0 =	vld [tilespmem:s31+$0x6C30];
	_ =	sdelay $0x4  }
0xd6: {  	[tilespmem:s29+$0xEC30] =	vst v0  }
0xd7: {  	v0 =	vld [tilespmem:s30+$0x6C80];
	_ =	sdelay $0x4  }
0xd8: {  	[tilespmem:s29+$0xEC80] =	vst v0  }
0xd9: {  	v0 =	vld [tilespmem:s30+$0x6C90];
	_ =	sdelay $0x4  }
0xda: {  	[tilespmem:s29+$0xEC90] =	vst v0  }
0xdb: {  	v0 =	vld [tilespmem:s30+$0x6CA0];
	_ =	sdelay $0x4  }
0xdc: {  	[tilespmem:s29+$0xECA0] =	vst v0  }
0xdd: {  	p1 =	sne.s32 s26, $0xE000;
	v0 =	vld [tilespmem:s30+$0x6CB0]  }
.Ltmp0:
0xde: {  	_ = 	snop;
	(pc) =	sbr.rel @p1 .LBB2_3-.Ltmp0, $2  }
0xdf: {  	_ =	sdelay $0x2  }
0xe0: {  	s28 =	sadd.s32 $0x10, s28;
	s26 =	sadd.s32 $0x2000, s26;
	[tilespmem:s29+$0xECB0] =	vst v0  }
0xe1: {  	p1 =	seq.s32 s23, $0x63  }
.Ltmp1:
0xe2: {  	s26 =	sshll.u32 s23, $0xF;
	(pc) =	sbr.rel @!p1 .LBB2_5-.Ltmp1, $4  }
0xe3: {  	s26 =	sadd.s32 s6, s26  }
0xe4: {  	s26 =	sshrl.u32 s26, $0x3  }
0xe5: {  	s26 =	sadd.s32 s4, s26  }
0xe6: {  	[hbm4b:s26+s2] =	stream.linear.scatter [tilespmem:s15], [sflag:$0x3], $0x4000, $0x38;
	[tilespmem:$0x16500] =	vst v63  }
.Ltmp2:
0xe7: {  	(pc) =	sbr.rel .LBB2_7-.Ltmp2, $4  }
0xe8: {  	_ = 	snop  }
0xe9: {  	_ =	swait.ge [sflag:s16], $0x4000  }
0xea: {  	[sflag:s16] =	ssyncset.done $0x0  }
0xeb: {  	[sflag:s16] =	ssyncadd.s32 $0xFFFFC000  }
.LBB2_5:
0xec: {  	v0 =	vld [tilespmem:s25+$0x100];
	_ =	sdelay $0x4  }
0xed: {  	v0 =	vshra.s32 v0, $0x1  }
0xee: {  	[tilespmem:$0x6400] =	vst v0  }
0xef: {  	v0 =	vld [tilespmem:s25+$0x110];
	_ =	sdelay $0x4  }
0xf0: {  	v0 =	vshra.s32 v0, $0x1  }
0xf1: {  	[tilespmem:$0x6410] =	vst v0  }
0xf2: {  	v0 =	vld [tilespmem:s25+$0x120];
	_ =	sdelay $0x4  }
0xf3: {  	v0 =	vshra.s32 v0, $0x1  }
0xf4: {  	[tilespmem:$0x6420] =	vst v0  }
0xf5: {  	v0 =	vld [tilespmem:s25+$0x130];
	_ =	sdelay $0x4  }
0xf6: {  	v0 =	vshra.s32 v0, $0x1  }
0xf7: {  	[tilespmem:$0x6430] =	vst v0  }
0xf8: {  	v0 =	vld [tilespmem:s25+$0x140];
	_ =	sdelay $0x4  }
0xf9: {  	v0 =	vshra.s32 v0, $0x1  }
0xfa: {  	[tilespmem:$0x6440] =	vst v0  }
0xfb: {  	v0 =	vld [tilespmem:s25+$0x150];
	_ =	sdelay $0x4  }
0xfc: {  	v0 =	vshra.s32 v0, $0x1  }
0xfd: {  	[tilespmem:$0x6450] =	vst v0  }
0xfe: {  	v0 =	vld [tilespmem:s25+$0x160];
	_ =	sdelay $0x4  }
0xff: {  	v0 =	vshra.s32 v0, $0x1  }
0x100: {  	[tilespmem:$0x6460] =	vst v0  }
0x101: {  	v0 =	vld [tilespmem:s25+$0x170];
	_ =	sdelay $0x4  }
0x102: {  	v0 =	vshra.s32 v0, $0x1  }
.Ltmp3:
0x103: {  	[tilespmem:$0x6470] =	vst v0;
	(pc) =	sbr.rel @p0 .LBB2_8-.Ltmp3, $4  }
0x104: {  	[tilespmem:s10], [sflag:$0x1] =	stream.indirect.gather [hbm4b:s3+s11], $0x80, s9, s11, $0xb8;
	[tilespmem:$0x16500] =	vst v63  }
0x105: {  	_ =	swait.ge [sflag:s16], $0x4000  }
0x106: {  	[sflag:s16] =	ssyncset.done $0x0  }
0x107: {  	[sflag:s16] =	ssyncadd.s32 $0xFFFFC000  }
.LBB2_7:
0x108: {  	_ =	swait.ge [sflag:s17], $0x4000  }
0x109: {  	[sflag:s17] =	ssyncset.done $0x0  }
0x10a: {  	[sflag:s17] =	ssyncadd.s32 $0xFFFFC000  }
.LBB2_8:
0x10b: {  	s25 =	simm.s32 $0x0;
	s26 =	smov.u32 s21  }
.LBB2_9:
0x10c: {  	v0 =	vld [tilespmem:s26+$0x0];
	_ =	sdelay $0x4  }
0x10d: {  	v0 =	vshll.u32 v0, $0x6  }
0x10e: {  	s28 =	sshra.s32 s25, $0x2;
	v0 =	vand.u32 $0x40, v0  }
0x10f: {  	v0 =	vadd.s32 s28, v0  }
0x110: {  	(v2sf) =	vpush v0, $0x1  }
0x111: {  	(v2sf) =	vpush v0, $0x0;
	_ =	sdelay $0xd  }
0x112: {  	s29 =	spop (v2sf)  }
0x113: {  	s30 =	spop (v2sf)  }
0x114: {  	v1 =	vld [tilespmem:s30+$0xA500];
	_ =	sdelay $0x4  }
0x115: {  	[tilespmem:s28+$0x12500] =	vst v1  }
0x116: {  	v1 =	vld [tilespmem:s30+$0xA510];
	_ =	sdelay $0x4  }
0x117: {  	[tilespmem:s28+$0x12510] =	vst v1  }
0x118: {  	v1 =	vld [tilespmem:s30+$0xA520];
	_ =	sdelay $0x4  }
0x119: {  	[tilespmem:s28+$0x12520] =	vst v1  }
0x11a: {  	v1 =	vld [tilespmem:s30+$0xA530];
	_ =	sdelay $0x4  }
0x11b: {  	[tilespmem:s28+$0x12530] =	vst v1  }
0x11c: {  	v1 =	vld [tilespmem:s29+$0xA580];
	_ =	sdelay $0x4  }
0x11d: {  	[tilespmem:s28+$0x12580] =	vst v1  }
0x11e: {  	v1 =	vld [tilespmem:s29+$0xA590]  }
0x11f: {  	(v2sf) =	vpush v0, $0x3  }
0x120: {  	(v2sf) =	vpush v0, $0x2;
	_ =	sdelay $0x2  }
0x121: {  	[tilespmem:s28+$0x12590] =	vst v1  }
0x122: {  	v1 =	vld [tilespmem:s29+$0xA5A0];
	_ =	sdelay $0x4  }
0x123: {  	[tilespmem:s28+$0x125A0] =	vst v1  }
0x124: {  	v1 =	vld [tilespmem:s29+$0xA5B0];
	_ =	sdelay $0x3  }
0x125: {  	s29 =	spop (v2sf)  }
0x126: {  	s31 =	spop (v2sf);
	[tilespmem:s28+$0x125B0] =	vst v1  }
0x127: {  	v1 =	vld [tilespmem:s31+$0xA600];
	_ =	sdelay $0x4  }
0x128: {  	[tilespmem:s28+$0x12600] =	vst v1  }
0x129: {  	v1 =	vld [tilespmem:s31+$0xA610];
	_ =	sdelay $0x4  }
0x12a: {  	[tilespmem:s28+$0x12610] =	vst v1  }
0x12b: {  	v1 =	vld [tilespmem:s31+$0xA620];
	_ =	sdelay $0x4  }
0x12c: {  	[tilespmem:s28+$0x12620] =	vst v1  }
0x12d: {  	v1 =	vld [tilespmem:s31+$0xA630];
	_ =	sdelay $0x4  }
0x12e: {  	[tilespmem:s28+$0x12630] =	vst v1  }
0x12f: {  	v1 =	vld [tilespmem:s29+$0xA680];
	_ =	sdelay $0x4  }
0x130: {  	[tilespmem:s28+$0x12680] =	vst v1  }
0x131: {  	v1 =	vld [tilespmem:s29+$0xA690]  }
0x132: {  	(v2sf) =	vpush v0, $0x5  }
0x133: {  	(v2sf) =	vpush v0, $0x4;
	_ =	sdelay $0x2  }
0x134: {  	[tilespmem:s28+$0x12690] =	vst v1  }
0x135: {  	v1 =	vld [tilespmem:s29+$0xA6A0];
	_ =	sdelay $0x4  }
0x136: {  	[tilespmem:s28+$0x126A0] =	vst v1  }
0x137: {  	v1 =	vld [tilespmem:s29+$0xA6B0];
	_ =	sdelay $0x3  }
0x138: {  	s29 =	spop (v2sf)  }
0x139: {  	s31 =	spop (v2sf);
	[tilespmem:s28+$0x126B0] =	vst v1  }
0x13a: {  	v1 =	vld [tilespmem:s31+$0xA700];
	_ =	sdelay $0x4  }
0x13b: {  	[tilespmem:s28+$0x12700] =	vst v1  }
0x13c: {  	v1 =	vld [tilespmem:s31+$0xA710];
	_ =	sdelay $0x4  }
0x13d: {  	[tilespmem:s28+$0x12710] =	vst v1  }
0x13e: {  	v1 =	vld [tilespmem:s31+$0xA720];
	_ =	sdelay $0x4  }
0x13f: {  	[tilespmem:s28+$0x12720] =	vst v1  }
0x140: {  	v1 =	vld [tilespmem:s31+$0xA730];
	_ =	sdelay $0x4  }
0x141: {  	[tilespmem:s28+$0x12730] =	vst v1  }
0x142: {  	v1 =	vld [tilespmem:s29+$0xA780];
	_ =	sdelay $0x4  }
0x143: {  	[tilespmem:s28+$0x12780] =	vst v1  }
0x144: {  	v1 =	vld [tilespmem:s29+$0xA790]  }
0x145: {  	(v2sf) =	vpush v0, $0x7  }
0x146: {  	(v2sf) =	vpush v0, $0x6;
	_ =	sdelay $0x2  }
0x147: {  	[tilespmem:s28+$0x12790] =	vst v1  }
0x148: {  	v1 =	vld [tilespmem:s29+$0xA7A0];
	_ =	sdelay $0x4  }
0x149: {  	[tilespmem:s28+$0x127A0] =	vst v1  }
0x14a: {  	v1 =	vld [tilespmem:s29+$0xA7B0];
	_ =	sdelay $0x3  }
0x14b: {  	s29 =	spop (v2sf)  }
0x14c: {  	s31 =	spop (v2sf);
	[tilespmem:s28+$0x127B0] =	vst v1  }
0x14d: {  	v1 =	vld [tilespmem:s31+$0xA800];
	_ =	sdelay $0x4  }
0x14e: {  	[tilespmem:s28+$0x12800] =	vst v1  }
0x14f: {  	v1 =	vld [tilespmem:s31+$0xA810];
	_ =	sdelay $0x4  }
0x150: {  	[tilespmem:s28+$0x12810] =	vst v1  }
0x151: {  	v1 =	vld [tilespmem:s31+$0xA820];
	_ =	sdelay $0x4  }
0x152: {  	[tilespmem:s28+$0x12820] =	vst v1  }
0x153: {  	v1 =	vld [tilespmem:s31+$0xA830];
	_ =	sdelay $0x4  }
0x154: {  	[tilespmem:s28+$0x12830] =	vst v1  }
0x155: {  	v1 =	vld [tilespmem:s29+$0xA880];
	_ =	sdelay $0x4  }
0x156: {  	[tilespmem:s28+$0x12880] =	vst v1  }
0x157: {  	v1 =	vld [tilespmem:s29+$0xA890]  }
0x158: {  	(v2sf) =	vpush v0, $0x9  }
0x159: {  	(v2sf) =	vpush v0, $0x8;
	_ =	sdelay $0x2  }
0x15a: {  	[tilespmem:s28+$0x12890] =	vst v1  }
0x15b: {  	v1 =	vld [tilespmem:s29+$0xA8A0];
	_ =	sdelay $0x4  }
0x15c: {  	[tilespmem:s28+$0x128A0] =	vst v1  }
0x15d: {  	v1 =	vld [tilespmem:s29+$0xA8B0];
	_ =	sdelay $0x3  }
0x15e: {  	s29 =	spop (v2sf)  }
0x15f: {  	s31 =	spop (v2sf);
	[tilespmem:s28+$0x128B0] =	vst v1  }
0x160: {  	v1 =	vld [tilespmem:s31+$0xA900];
	_ =	sdelay $0x4  }
0x161: {  	[tilespmem:s28+$0x12900] =	vst v1  }
0x162: {  	v1 =	vld [tilespmem:s31+$0xA910];
	_ =	sdelay $0x4  }
0x163: {  	[tilespmem:s28+$0x12910] =	vst v1  }
0x164: {  	v1 =	vld [tilespmem:s31+$0xA920];
	_ =	sdelay $0x4  }
0x165: {  	[tilespmem:s28+$0x12920] =	vst v1  }
0x166: {  	v1 =	vld [tilespmem:s31+$0xA930];
	_ =	sdelay $0x4  }
0x167: {  	[tilespmem:s28+$0x12930] =	vst v1  }
0x168: {  	v1 =	vld [tilespmem:s29+$0xA980];
	_ =	sdelay $0x4  }
0x169: {  	[tilespmem:s28+$0x12980] =	vst v1  }
0x16a: {  	v1 =	vld [tilespmem:s29+$0xA990]  }
0x16b: {  	(v2sf) =	vpush v0, $0xB  }
0x16c: {  	(v2sf) =	vpush v0, $0xA;
	_ =	sdelay $0x2  }
0x16d: {  	[tilespmem:s28+$0x12990] =	vst v1  }
0x16e: {  	v1 =	vld [tilespmem:s29+$0xA9A0];
	_ =	sdelay $0x4  }
0x16f: {  	[tilespmem:s28+$0x129A0] =	vst v1  }
0x170: {  	v1 =	vld [tilespmem:s29+$0xA9B0];
	_ =	sdelay $0x3  }
0x171: {  	s29 =	spop (v2sf)  }
0x172: {  	s31 =	spop (v2sf);
	[tilespmem:s28+$0x129B0] =	vst v1  }
0x173: {  	v1 =	vld [tilespmem:s31+$0xAA00];
	_ =	sdelay $0x4  }
0x174: {  	[tilespmem:s28+$0x12A00] =	vst v1  }
0x175: {  	v1 =	vld [tilespmem:s31+$0xAA10];
	_ =	sdelay $0x4  }
0x176: {  	[tilespmem:s28+$0x12A10] =	vst v1  }
0x177: {  	v1 =	vld [tilespmem:s31+$0xAA20];
	_ =	sdelay $0x4  }
0x178: {  	[tilespmem:s28+$0x12A20] =	vst v1  }
0x179: {  	v1 =	vld [tilespmem:s31+$0xAA30];
	_ =	sdelay $0x4  }
0x17a: {  	[tilespmem:s28+$0x12A30] =	vst v1  }
0x17b: {  	v1 =	vld [tilespmem:s29+$0xAA80];
	_ =	sdelay $0x4  }
0x17c: {  	[tilespmem:s28+$0x12A80] =	vst v1  }
0x17d: {  	v1 =	vld [tilespmem:s29+$0xAA90]  }
0x17e: {  	(v2sf) =	vpush v0, $0xD  }
0x17f: {  	(v2sf) =	vpush v0, $0xC;
	_ =	sdelay $0x2  }
0x180: {  	[tilespmem:s28+$0x12A90] =	vst v1  }
0x181: {  	v1 =	vld [tilespmem:s29+$0xAAA0];
	_ =	sdelay $0x4  }
0x182: {  	[tilespmem:s28+$0x12AA0] =	vst v1  }
0x183: {  	v1 =	vld [tilespmem:s29+$0xAAB0];
	_ =	sdelay $0x3  }
0x184: {  	s29 =	spop (v2sf)  }
0x185: {  	s31 =	spop (v2sf);
	[tilespmem:s28+$0x12AB0] =	vst v1  }
0x186: {  	v1 =	vld [tilespmem:s31+$0xAB00];
	_ =	sdelay $0x4  }
0x187: {  	[tilespmem:s28+$0x12B00] =	vst v1  }
0x188: {  	v1 =	vld [tilespmem:s31+$0xAB10];
	_ =	sdelay $0x4  }
0x189: {  	[tilespmem:s28+$0x12B10] =	vst v1  }
0x18a: {  	v1 =	vld [tilespmem:s31+$0xAB20];
	_ =	sdelay $0x4  }
0x18b: {  	[tilespmem:s28+$0x12B20] =	vst v1  }
0x18c: {  	v1 =	vld [tilespmem:s31+$0xAB30];
	_ =	sdelay $0x4  }
0x18d: {  	[tilespmem:s28+$0x12B30] =	vst v1  }
0x18e: {  	v1 =	vld [tilespmem:s29+$0xAB80];
	_ =	sdelay $0x4  }
0x18f: {  	[tilespmem:s28+$0x12B80] =	vst v1  }
0x190: {  	v1 =	vld [tilespmem:s29+$0xAB90]  }
0x191: {  	(v2sf) =	vpush v0, $0xF  }
0x192: {  	(v2sf) =	vpush v0, $0xE;
	_ =	sdelay $0x2  }
0x193: {  	[tilespmem:s28+$0x12B90] =	vst v1  }
0x194: {  	v63 =	vld [tilespmem:s29+$0xABA0];
	_ =	sdelay $0x4  }
0x195: {  	[tilespmem:s28+$0x12BA0] =	vst v63  }
0x196: {  	v0 =	vld [tilespmem:s29+$0xABB0];
	_ =	sdelay $0x3  }
0x197: {  	s29 =	spop (v2sf)  }
0x198: {  	s31 =	spop (v2sf);
	[tilespmem:s28+$0x12BB0] =	vst v0  }
0x199: {  	v0 =	vld [tilespmem:s31+$0xAC00];
	_ =	sdelay $0x4  }
0x19a: {  	[tilespmem:s28+$0x12C00] =	vst v0  }
0x19b: {  	v0 =	vld [tilespmem:s31+$0xAC10];
	_ =	sdelay $0x4  }
0x19c: {  	[tilespmem:s28+$0x12C10] =	vst v0  }
0x19d: {  	v0 =	vld [tilespmem:s31+$0xAC20];
	_ =	sdelay $0x4  }
0x19e: {  	[tilespmem:s28+$0x12C20] =	vst v0  }
0x19f: {  	v0 =	vld [tilespmem:s31+$0xAC30];
	_ =	sdelay $0x4  }
0x1a0: {  	[tilespmem:s28+$0x12C30] =	vst v0  }
0x1a1: {  	v0 =	vld [tilespmem:s29+$0xAC80];
	_ =	sdelay $0x4  }
0x1a2: {  	[tilespmem:s28+$0x12C80] =	vst v0  }
0x1a3: {  	v0 =	vld [tilespmem:s29+$0xAC90];
	_ =	sdelay $0x4  }
0x1a4: {  	[tilespmem:s28+$0x12C90] =	vst v0  }
0x1a5: {  	v0 =	vld [tilespmem:s29+$0xACA0];
	_ =	sdelay $0x4  }
0x1a6: {  	[tilespmem:s28+$0x12CA0] =	vst v0  }
0x1a7: {  	p0 =	sne.s32 s25, $0xE000;
	v0 =	vld [tilespmem:s29+$0xACB0]  }
.Ltmp4:
0x1a8: {  	_ = 	snop;
	(pc) =	sbr.rel @p0 .LBB2_9-.Ltmp4, $2  }
0x1a9: {  	_ =	sdelay $0x2  }
0x1aa: {  	s26 =	sadd.s32 $0x10, s26;
	s25 =	sadd.s32 $0x2000, s25;
	[tilespmem:s28+$0x12CB0] =	vst v0  }
0x1ab: {  	s23 =	sadd.s32 $0x1, s23  }
0x1ac: {  	p0 =	sne.s32 s23, $0x64  }
.Ltmp5:
0x1ad: {  	s24 =	sshll.u32 s24, $0xE;
	(pc) =	sbr.rel @p0 .LBB2_2-.Ltmp5, $4  }
0x1ae: {  	s24 =	sadd.s32 s6, s24  }
0x1af: {  	s24 =	sshrl.u32 s24, $0x3  }
0x1b0: {  	s22 =	sadd.s32 $0x100, s22;
	s21 =	sadd.s32 $0x100, s21;
	s24 =	sadd.s32 s4, s24  }
0x1b1: {  	[hbm4b:s24+s2] =	stream.linear.scatter [tilespmem:s18], [sflag:$0x4], $0x4000, $0x38;
	[tilespmem:$0x16500] =	vst v63  }
0x1b2: {  	s20 =	sadd.s32 $0x1, s20  }
0x1b3: {  	_ =	swait.ge [sflag:s19], $0x4000;
	p0 =	sne.s32 s20, s7  }
.Ltmp6:
0x1b4: {  	[sflag:s19] =	ssyncset.done $0x0;
	(pc) =	sbr.rel @p0 .LBB2_1-.Ltmp6, $4  }
0x1b5: {  	[sflag:s19] =	ssyncadd.s32 $0xFFFFC000  }
0x1b6: {  	_ =	swait.ge [sflag:s17], $0x4000  }
0x1b7: {  	[sflag:s17] =	ssyncset.done $0x0  }
0x1b8: {  	[sflag:s17] =	ssyncadd.s32 $0xFFFFC000  }
0x1b9: {  	_ =	sfence.sel $0x180000  }
0x1ba: {  	[bflag:$0x0] =	sbarrier.arrive $0xFFFF  }
0x1bb: {  	p0 =	sne.s32 s0, $0x0;
	_ =	strace $0x90000047  }
0x1bc: {  	s0 =	sadd.s32 @!p0 $0x100000, s1;
	[bflag:$0x2] =	sbarrier.arrive $0xFFFF  }
0x1bd: {  	[sflag:s0] =	ssyncadd.tile.s32 @!p0 $0x1;
	_ =	shalt  }
.Lfunc_end2:
_tile_overlayer_lowered:
.L_overlay_start_2:
0x1be: {  	(tag) =	ssettag $0x2  }
0x1bf: {  	s0 =	rddreg [dreg:$0x0];
	s2 =	stileid.u32  }
0x1c0: {  	s1 =	rddreg [dreg:$0x1];
	p0 =	sne.s32 s2, $0x0  }
0x1c1: {  	s3 =	rddreg [dreg:$0x2];
	[bflag:$0x3] =	sbarrier.arrive $0xFFFF;
	s2 =	simm.s32 @!p0 $0x1C05  }
0x1c2: {  	[timem:s3], [sflag:s2] =	dma.local @!p0 [hbm:s0], s1  }
0x1c3: {  	s0 =	simm.s32 @!p0 $0x5  }
0x1c4: {  	_ =	swait.ge @!p0 [sflag:s0], s1  }
0x1c5: {  	s1 =	ssub.s32 @!p0 $0x0, s1;
	[sflag:s0] =	ssyncset.done @!p0 $0x0  }
0x1c6: {  	[sflag:s0] =	ssyncadd.s32 @!p0 s1  }
0x1c7: {  	[bflag:$0x3] =	sbarrier.arrive $0xFFFF  }
0x1c8: {  	_ =	shalt  }

// kernel: sparse-core-data-format-call.cloned.1.call-start
scs
called_computation_lowered:
.L_overlay_start_0:
0x0: {  	s2 =	sld [smem:$0x3FD9]  }
0x1: {  	s3 =	sld [smem:$0x3FFE];
	_ =	sdelay $0x1  }
0x2: {  	s1 =	srdreg.scid  }
0x3: {  	s0 =	sand.u32 $0x1, s1  }
0x4: {  	s18 =	sshll.u32 s0, $0xA;
	s2 =	sadd.s32 s3, s2  }
0x5: {  	s2 =	sadd.s32 s2, s18  }
0x6: {  	[smem:$0x3FC6] =	sst s2  }
0x7: {  	_ = 	snop  }
0x8: {  	s2 =	sld [smem:$0x3FD0];
	(tm) =	ssettm $0x1  }
0x9: {  	s19 =	sld [smem:$0x3FFB];
	_ =	sdelay $0x3  }
0xa: {  	_ =	strace s19  }
0xb: {  	s3 =	sld [smem:$0x3FFC];
	_ =	sdelay $0x3  }
0xc: {  	_ =	strace s3  }
0xd: {  	s3 =	sld [smem:$0x3FFD];
	_ =	sdelay $0x3  }
0xe: {  	_ =	strace s3  }
0xf: {  	_ =	strace $0x8FFFFFFF  }
0x10: {  	s20 =	sld [smem:$0x3FDB];
	_ =	sdelay $0x1  }
0x11: {  	s4 =	simm.s32 $_scs_section_size  }
0x12: {  	s5 =	simm.s32 $_size__tile_overlayer_lowered;
	s6 =	simm.s32 $_tile_overlayer_lowered  }
0x13: {  	s23 =	simm.s32 $0x1BFF;
	s22 =	sshll.u32 s6, $0x1;
	s3 =	sadd.s32 s4, s20  }
0x14: {  	s7 =	simm.s32 $0x0;
	s21 =	sshll.u32 s5, $0x1;
	s5 =	sadd.s32 s22, s3  }
0x15: {  	[timem:s7], [sflag:s23] =	dma.local [hbm:s5], s21  }
0x16: {  	_ =	swait.ge [sflag:s23], s21  }
0x17: {  	s4 =	ssub.s32 $0x0, s21;
	[sflag:s23] =	ssyncset.done $0x0  }
0x18: {  	[sflag:s23] =	ssyncadd.s32 s4;
	_ =	sdelay $0x1  }
0x19: {  	s24 =	simm.s32 $0x1B8B  }
0x1a: {  	_ =	swait.ge [sflag:s24], $0x1  }
0x1b: {  	[sflag:s24] =	ssyncset.done $0x0  }
0x1c: {  	s26 =	simm.s32 $0x1B8E;
	s25 =	sld [smem:$0x3FFE];
	[sflag:s24] =	ssyncadd.s32 $0xFFFFFFFF  }
0x1d: {  	s27 =	simm.s32 $execute0_lowered;
	[smem:$0x3FD2] =	sst s26  }
0x1e: {  	s5 =	sshll.u32 s27, $0x1;
	_ =	strace $0x80000049;
	[dreg:$0x1] =	wrdreg $0xFFFFFFFF  }
0x1f: {  	s28 =	simm.s32 $_size_execute0_lowered;
	s3 =	sadd.s32 s3, s5;
	[dreg:$0x0] =	wrdreg $0x0  }
0x20: {  	s5 =	sshll.u32 s28, $0x1;
	[dreg:$0x2] =	wrdreg s3  }
0x21: {  	[dreg:$0x3] =	wrdreg s5  }
0x22: {  	[dreg:$0x4] =	wrdreg $0xC0  }
0x23: {  	_ =	task [dreg:s7], $0x5FFFF  }
0x24: {  	[dreg:$0x1] =	wrdreg $0xFFFFFFFF  }
0x25: {  	[dreg:$0x0] =	wrdreg $0x60  }
0x26: {  	[dreg:$0x2] =	wrdreg s25  }
0x27: {  	[dreg:$0x3] =	wrdreg s2  }
0x28: {  	[dreg:$0x4] =	wrdreg $0x9  }
0x29: {  	_ =	task.clear_ibuf [dreg:s7], $0x5FFFF;
	_ =	strace $0x90000049  }
0x2a: {  	s29 =	simm.s32 $0x9;
	_ =	strace $0x8000004B  }
0x2b: {  	_ =	swait.ge [sflag:s29], $0x1  }
0x2c: {  	[sflag:s29] =	ssyncadd.s32 $0xFFFFFFFF  }
0x2d: {  	_ =	strace $0x9000004B  }
0x2e: {  	_ =	sfence  }
0x2f: {  	s30 =	sld [smem:$0x0];
	_ =	sdelay $0x2  }
0x30: {  	s31 =	sshll.u32 s1, $0xD;
	s1 =	sshrl.u32 s1, $0x2  }
0x31: {  	s3 =	sand.u32 $0x4000, s31;
	s1 =	sadd.s32 s1, s30  }
0x32: {  	s0 =	sor.u32 s3, s0;
	s1 =	sshll.u32 s1, $0x11  }
0x33: {  	s0 =	sor.u32 s1, s0  }
0x34: {  	s0 =	sadd.s32 $0x8F2B, s0  }
0x35: {  	[sflag:s0] =	ssyncadd.remote.s32 $0x1  }
0x36: {  	_ =	sfence.sel $0xFFFF  }
0x37: {  	[dreg:$0x0] =	wrdreg $0xFFFFFFFF;
	(pc) =	sbr.abs _section_cstart, $3  }
0x38: {  	[dreg:$0x1] =	wrdreg $0xFFFFFFFF  }
0x39: {  	_ =	task.clear_ibuf [dreg:s7], $0x2FFFF;
	_ =	strace $0x9FFFFFFF  }
0x3a: {  	(tm) =	ssettm $0x7FFFFFFF  }
0x3b: {  	_ =	shalt  }
tec
execute0_lowered:
.L_overlay_start_1:
0x0: {  	(tag) =	ssettag $0x1  }
0x1: {  	s0 =	srdreg.scid  }
0x2: {  	s1 =	sshll.u32 s0, $0x4  }
0x3: {  	s0 =	stileid.u32;
	s1 =	sand.u32 $0x10, s1  }
0x4: {  	s1 =	sor.u32 s0, s1  }
0x5: {  	s6 =	rddreg [dreg:$0x0];
	s4 =	simm.s32 $0x1;
	s2 =	sshll.u32 s1, $0x7  }
0x6: {  	s7 =	simm.s32 $0x2;
	s12 =	simm.s32 $0x0;
	s1 =	ssub.s32 $0x1000, s2  }
0x7: {  	s8 =	simm.s32 $0x8000;
	s13 =	simm.s32 $0x0;
	s3 =	sand.u32 $0xF80, s1  }
0x8: {  	s9 =	simm.s32 $0x0;
	s5 =	sshrl.u32 s1, $0xC;
	p0 =	sne.s32 s3, $0x0  }
.Ltmp0:
0x9: {  	s1 =	rddreg [dreg:$0x2];
	s4 =	simm.s32 @!p0 $0x0;
	(pc) =	sbr.rel .LBB1_1-.Ltmp0, $4  }
0xa: {  	s11 =	simm.s32 $0x0;
	s3 =	rddreg [dreg:$0x1];
	s5 =	sadd.s32 s4, s5  }
0xb: {  	_ =	strace $0x8000004A;
	s4 =	simm.s32 $0x1;
	s5 =	smul.u32 $0xC8, s5  }
0xc: {  	s6 =	sadd.s32 $0xA00, s6;
	s10 =	smov.u32 s2;
	[sflag:s4] =	ssyncpa.u1 $0x0  }
0xd: {  	p0 =	por $0x0, $0x0;
	[sflag:s7] =	ssyncpa.u1 $0x0;
	s7 =	sor.u32 $0x1, s5  }
.LBB1_4:
0xe: {  	s16 =	sshll.u32 s13, $0x3;
	s17 =	sand.u32 $0x78, s13  }
0xf: {  	s30 =	sand.u32 $0x7E00, s13;
	s12 =	sshll.u32 s12, $0xF;
	s16 =	sand.u32 $0xC00, s16  }
0x10: {  	[tilespmem:s15+$0x810 ss:$0x81] =	vst.msk $0xffff, v2;
	s31 =	sand.u32 $0x7, s13;
	s16 =	sor.u32 s17, s16;
	s17 =	sadd.s32 s3, s30  }
0x11: {  	[tilespmem:s15+$0x1020 ss:$0x81] =	vst.msk $0xffff, v0;
	s13 =	sshll.u32 s31, $0x12;
	s12 =	sadd.s32 s12, s17;
	s16 =	sshrl.u32 s16, $0x3  }
0x12: {  	[tilespmem:s15+$0x0 ss:$0x81] =	vst.msk $0xffff, v1;
	s13 =	sor.u32 $0x400, s13;
	s12 =	sadd.s32 s16, s12  }
0x13: {  	[hbm4b:s12+s13] =	stream.strided.scatter [tilespmem:s14], [sflag:$0x2], $0x2000, s8, s13, $0x20;
	[tilespmem:$0x8080] =	vst v63  }
.LBB1_5:
0x14: {  	s14 =	sadd.s32 $0x1, s9  }
0x15: {  	s12 =	sadd.s32 $0x1000, s10;
	s16 =	smov.u32 s10;
	p2 =	sgt.s32 s14, $0xC7  }
0x16: {  	s16 =	smov.u32 @p2 s12  }
0x17: {  	s14 =	simm.s32 @p2 $0x0;
	p2 =	sgt.s32 s16, $0xFFF  }
0x18: {  	s16 =	smov.u32 @p2 s2;
	p2 =	sne.s32 s11, s7  }
.Ltmp1:
0x19: {  	p1 =	slt.u32 s11, $0x2;
	(pc) =	sbr.rel @!p2 .LBB1_6-.Ltmp1, $4  }
0x1a: {  	s15 =	simm.s32 @!p1 $0x2  }
0x1b: {  	s13 =	smov.u32 s10;
	p0 =	por !p0, !p0;
	_ =	swait.ge @!p1 [sflag:s15], $0x2000  }
0x1c: {  	s12 =	smov.u32 s9;
	[sflag:s15] =	ssyncset.done @!p1 $0x0;
	s9 =	smov.u32 s14  }
0x1d: {  	s11 =	sadd.s32 $0x1, s11;
	[sflag:s15] =	ssyncadd.s32 @!p1 $0xFFFFE000;
	s10 =	smov.u32 s16  }
.LBB1_1:
0x1e: {  	p1 =	sge.u32 s11, s5  }
0x1f: {  	s14 =	sand.u32 @!p1 $0x1FFFFFF, s9  }
0x20: {  	s15 =	smulhi.u32 @!p1 $0x147AE15, s14;
	_ =	sdelay $0x1  }
0x21: {  	s15 =	smul.u32 @!p1 $0xC8, s15  }
0x22: {  	s16 =	sxor.u32 @!p1 $0xFFFFFFFF, s11;
	s17 =	smul.u32 @!p1 $0xC80, s10  }
0x23: {  	s31 =	sadd.s32 $0xFFFFFFFF, s11;
	s16 =	sshll.u32 @!p1 s16, $0xD;
	s14 =	ssub.s32 @!p1 s14, s15  }
0x24: {  	s15 =	sand.u32 @!p1 $0x2000, s16;
	s16 =	sadd.s32 @!p1 s6, s17;
	s14 =	sshll.u32 @!p1 s14, $0x4  }
0x25: {  	s17 =	simm.s32 @!p1 $0x6400;
	s14 =	sadd.s32 @!p1 s14, s16;
	s16 =	simm.s32 @!p1 $0x40  }
0x26: {  	[tilespmem:s15], [sflag:$0x1] =	stream.strided.gather @!p1 [hbm4b:s14+s16], $0x2000, s17, s16, $0x38;
	[tilespmem:$0x8080] =	vst v63  }
0x27: {  	p1 =	sge.u32 s31, s5  }
.Ltmp2:
0x28: {  	_ = 	snop;
	(pc) =	sbr.rel @p1 .LBB1_5-.Ltmp2, $1  }
0x29: {  	_ =	sdelay $0x3  }
0x2a: {  	s14 =	simm.s32 $0x1  }
0x2b: {  	_ =	swait.ge [sflag:s4], $0x2000;
	s14 =	simm.s32 @!p0 $0x0  }
0x2c: {  	[sflag:s4] =	ssyncset.done $0x0;
	s15 =	sshll.u32 s14, $0xD  }
0x2d: {  	[sflag:s4] =	ssyncadd.s32 $0xFFFFE000;
	s18 =	sor.u32 $0x20, s15  }
0x2e: {  	s14 =	smul.u32 $0x8100, s14;
	v3 =	vld [tilespmem:s18+$0x10]  }
0x2f: {  	s30 =	sand.u32 $0x1, s11;
	v2 =	vld [tilespmem:s18+$0xFFFFFFF0]  }
0x30: {  	s15 =	smul.u32 $0x8100, s30;
	s14 =	sshrl.u32 s14, $0x2;
	v0 =	vld [tilespmem:s18+$0x0]  }
0x31: {  	v1 =	vld [tilespmem:s18+$0xFFFFFFE0];
	s16 =	sor.u32 $0x4000, s14  }
0x32: {  	s31 =	sshrl.u32 s15, $0x2;
	s15 =	sadd.s32 $0x0, s16  }
0x33: {  	s17 =	simm.s32 $0x4;
	s18 =	sadd.s32 $0x40, s18;
	s14 =	sor.u32 $0x4000, s31;
	[tilespmem:s15+$0x1830 ss:$0x81] =	vst.msk $0xffff, v3  }
.LBB1_3:
0x34: {  	v3 =	vld [tilespmem:s18+$0x10];
	p1 =	sne.s32 s17, $0x1FC;
	[tilespmem:s15+$0x810 ss:$0x81] =	vst.msk $0xffff, v2;
	s19 =	smov.u32 s17;
	s17 =	sadd.s32 $0x4, s17  }
.Ltmp3:
0x35: {  	v2 =	vld [tilespmem:s18+$0xFFFFFFF0];
	[tilespmem:s15+$0x1020 ss:$0x81] =	vst.msk $0xffff, v0;
	(pc) =	sbr.rel @p1 .LBB1_3-.Ltmp3, $4  }
0x36: {  	v0 =	vld [tilespmem:s18+$0x0];
	[tilespmem:s15+$0x0 ss:$0x81] =	vst.msk $0xffff, v1  }
0x37: {  	s15 =	sshra.s32 s19, $0x2;
	v1 =	vld [tilespmem:s18+$0xFFFFFFE0]  }
0x38: {  	s15 =	sadd.s32 s15, s16  }
0x39: {  	s18 =	sadd.s32 $0x40, s18;
	[tilespmem:s15+$0x1830 ss:$0x81] =	vst.msk $0xffff, v3  }
.Ltmp4:
0x3a: {  	_ = 	snop;
	(pc) =	sbr.rel .LBB1_4-.Ltmp4, $1  }
0x3b: {  	_ =	sdelay $0x3  }
.LBB1_6:
0x3c: {  	_ =	sfence.sel $0x180000  }
0x3d: {  	s2 =	simm.s32 $0x1;
	[bflag:$0x0] =	sbarrier.arrive $0xFFFF  }
0x3e: {  	s31 =	simm.s32 $0x2;
	[sflag:s2] =	ssyncpa.u1 $0x1  }
0x3f: {  	[sflag:s31] =	ssyncpa.u1 $0x1  }
0x40: {  	p0 =	sne.s32 s0, $0x0;
	_ =	strace $0x9000004A  }
0x41: {  	s0 =	sadd.s32 @!p0 $0x100000, s1;
	[bflag:$0x2] =	sbarrier.arrive $0xFFFF  }
0x42: {  	[sflag:s0] =	ssyncadd.tile.s32 @!p0 $0x1;
	_ =	shalt  }
.Lfunc_end1:
_tile_overlayer_lowered:
.L_overlay_start_2:
0x43: {  	(tag) =	ssettag $0x2  }
0x44: {  	s0 =	rddreg [dreg:$0x0];
	s2 =	stileid.u32  }
0x45: {  	s1 =	rddreg [dreg:$0x1];
	p0 =	sne.s32 s2, $0x0  }
0x46: {  	s3 =	rddreg [dreg:$0x2];
	[bflag:$0x3] =	sbarrier.arrive $0xFFFF;
	s2 =	simm.s32 @!p0 $0x1C01  }
0x47: {  	[timem:s3], [sflag:s2] =	dma.local @!p0 [hbm:s0], s1  }
0x48: {  	s0 =	simm.s32 @!p0 $0x1  }
0x49: {  	_ =	swait.ge @!p0 [sflag:s0], s1  }
0x4a: {  	s1 =	ssub.s32 @!p0 $0x0, s1;
	[sflag:s0] =	ssyncset.done @!p0 $0x0  }
0x4b: {  	[sflag:s0] =	ssyncadd.s32 @!p0 s1  }
0x4c: {  	[bflag:$0x3] =	sbarrier.arrive $0xFFFF  }
0x4d: {  	_ =	shalt  }

</sc_bundles>
